<compile_context>
chip_gen: v7x
topology: tpu7x:2x2x1
jax: 0.10.2.dev20260603
libtpu: 0.0.44.dev20260713+nightly
codegen_flags: <defaults>
</compile_context>

<pallas_src>
import functools

import jax
import jax.numpy as jnp
from jax import lax
from jax.experimental import pallas as pl
from jax.experimental.pallas import tpu as pltpu
from jax.experimental.pallas import tpu_sc as plsc

N = 10000
E = 320000
D = 128
H = 8
DH = 16
D_FF = 256

NC = 2
NS = 16
NW = NC * NS

NPAD = 10240
EPW = 10240
EPAD = NW * EPW
C = 32
NCHUNK = EPW // C
ROWS_PER_SUB = NPAD // NS
ACC_W = D + H


def _dg(a, b):
    return lax.dot_general(a, b, (((1,), (1,)), ((), ())),
                           preferred_element_type=jnp.float32)


def _pack_bf16(lo, hi):
    ul = lax.bitcast_convert_type(lo, jnp.uint32)
    uh = lax.bitcast_convert_type(hi, jnp.uint32)
    bl = (ul + 0x7FFF + ((ul >> 16) & 1)) >> 16
    bh = (uh + 0x7FFF + ((uh >> 16) & 1)) >> 16
    return lax.bitcast_convert_type(bl | (bh << 16), jnp.int32)


def _qkv_body(x_ref, wql_ref, wqh_ref, wkl_ref, wkh_ref, wvl_ref, wvh_ref,
              q_ref, k_ref, v_ref):
    x = x_ref[:]
    q_ref[:] = _pack_bf16(_dg(x, wql_ref[:]), _dg(x, wqh_ref[:]))
    k_ref[:] = _pack_bf16(_dg(x, wkl_ref[:]), _dg(x, wkh_ref[:]))
    v_ref[:] = _pack_bf16(_dg(x, wvl_ref[:]), _dg(x, wvh_ref[:]))


def _edge_body(q_hbm, k_hbm, v_hbm, pk_hbm, out_hbm,
               pk_all,
               sidxA, tidxA, tshA, qbA, kbA, vbA, msgA,
               sidxB, tidxB, tshB, qbB, kbB, vbB, msgB,
               acc,
               semqA, semkA, semvA, semsA, semqB, semkB, semvB, semsB):
    cid = lax.axis_index("c")
    sid = lax.axis_index("s")
    wid = sid * NC + cid

    zeros16 = jnp.zeros((16,), jnp.float32)

    def zero_msg(m):
        def zrow(g, _):
            eids = lax.iota(jnp.int32, 16) + g * 16

            def zf(f, _):
                plsc.store_scatter(m, [eids, jnp.zeros((16,), jnp.int32) + f], zeros16)
                return 0

            lax.fori_loop(0, ACC_W, zf, 0)
            return 0

        lax.fori_loop(0, C // 16, zrow, 0)

    zero_msg(msgA)
    zero_msg(msgB)

    def zcp(i, _):
        pltpu.sync_copy(msgA, acc.at[pl.ds(sid * ROWS_PER_SUB + i * C, C)])
        return 0

    lax.fori_loop(0, ROWS_PER_SUB // C, zcp, 0)

    pltpu.sync_copy(pk_hbm.at[pl.ds(wid * EPW, EPW)], pk_all.at[pl.ds(0, EPW)])
    dummy = jnp.full((16,), N + (N << 16), jnp.int32)
    dummyn = jnp.full((16,), N, jnp.int32)
    for j in range(2 * C // 16):
        pk_all[pl.ds(EPW + j * 16, 16)] = dummy
    for j in range(C // 16):
        tshA[pl.ds(j * 16, 16)] = dummyn
        tshB[pl.ds(j * 16, 16)] = dummyn
    plsc.subcore_barrier()

    def extract_idx(ci, sidx, tidx):
        for j in range(C // 16):
            v = pk_all[pl.ds(ci * C + j * 16, 16)]
            sidx[pl.ds(j * 16, 16)] = jnp.bitwise_and(v, 0xFFFF)
            tidx[pl.ds(j * 16, 16)] = lax.shift_right_logical(v, 16)

    def gathers(sidx, tidx, qb, kb, vb, semq, semk, semv):
        return (pltpu.make_async_copy(q_hbm.at[tidx], qb, semq),
                pltpu.make_async_copy(k_hbm.at[sidx], kb, semk),
                pltpu.make_async_copy(v_hbm.at[sidx], vb, semv))

    gathersA = lambda: gathers(sidxA, tidxA, qbA, kbA, vbA, semqA, semkA, semvA)
    gathersB = lambda: gathers(sidxB, tidxB, qbB, kbB, vbB, semqB, semkB, semvB)
    scatterA = lambda: pltpu.make_async_copy(msgA, acc.at[tshA], semsA)
    scatterB = lambda: pltpu.make_async_copy(msgB, acc.at[tshB], semsB)

    def compute(qb, kb, vb, msg):
        def grp(g, _):
            eids = lax.iota(jnp.int32, 16) + g * 16
            lane = lax.iota(jnp.int32, 16)

            def hbody(h, _):
                pbase = jnp.zeros((16,), jnp.int32) + h * (DH // 2)
                hl = lane + h
                ilv = plsc.PackFormat.INTERLEAVED
                acc0 = None
                acc1 = None
                for r in range(DH // 2):
                    c = pbase + jnp.bitwise_and(hl + r, 7)
                    qi = plsc.load_gather(qb, [eids, c])
                    ki = plsc.load_gather(kb, [eids, c])
                    pb = plsc.bitcast(qi, jnp.bfloat16) * plsc.bitcast(ki, jnp.bfloat16)
                    plo, phi = plsc.unpack(pb, format=ilv)
                    acc0 = plo if acc0 is None else acc0 + plo
                    acc1 = phi if acc1 is None else acc1 + phi
                s = acc0 + acc1
                w = jnp.exp(s * 0.25)
                plsc.store_scatter(msg, [eids, jnp.zeros((16,), jnp.int32) + (D + h)], w)
                for r in range(DH // 2):
                    c = pbase + jnp.bitwise_and(hl - r, 7)
                    vi = plsc.load_gather(vb, [eids, c])
                    vlo, vhi = plsc.unpack(plsc.bitcast(vi, jnp.bfloat16), format=ilv)
                    f0 = c + pbase
                    plsc.store_scatter(msg, [eids, f0], w * vlo)
                    plsc.store_scatter(msg, [eids, f0 + 8], w * vhi)
                return 0

            lax.fori_loop(0, H, hbody, 0)
            return 0

        lax.fori_loop(0, C // 16, grp, 0)

    def shadow(tidx, tsh):
        for j in range(C // 16):
            tsh[pl.ds(j * 16, 16)] = tidx[pl.ds(j * 16, 16)]

    scatterA().start(add=True)
    scatterB().start(add=True)
    extract_idx(0, sidxA, tidxA)
    for g in gathersA():
        g.start()

    def body(i2, _):
        cA = i2 * 2
        extract_idx(cA + 1, sidxB, tidxB)
        for g in gathersB():
            g.start()
        for g in gathersA():
            g.wait()
        scatterA().wait()
        compute(qbA, kbA, vbA, msgA)
        shadow(tidxA, tshA)
        scatterA().start(add=True)
        extract_idx(cA + 2, sidxA, tidxA)
        for g in gathersA():
            g.start()
        for g in gathersB():
            g.wait()
        scatterB().wait()
        compute(qbB, kbB, vbB, msgB)
        shadow(tidxB, tshB)
        scatterB().start(add=True)
        return 0

    lax.fori_loop(0, NCHUNK // 2, body, 0)
    for g in gathersA():
        g.wait()
    scatterA().wait()
    scatterB().wait()
    plsc.subcore_barrier()
    pltpu.sync_copy(acc.at[pl.ds(sid * ROWS_PER_SUB, ROWS_PER_SUB)],
                    out_hbm.at[cid, pl.ds(sid * ROWS_PER_SUB, ROWS_PER_SUB)])


def _ln(v, g, b):
    mu = jnp.mean(v, axis=-1, keepdims=True)
    var = jnp.mean((v - mu) ** 2, axis=-1, keepdims=True)
    return (v - mu) / jnp.sqrt(var + 1e-5) * g + b


def _post_body(a0_ref, a1_ref, x_ref, sel_ref, wo_ref, bo_ref, g1_ref, be1_ref,
               w1_ref, bb1_ref, w2_ref, bb2_ref, g2_ref, be2_ref, o_ref):
    a0 = a0_ref[0]
    a1 = a1_ref[0]
    num = a0[:, :D] + a1[:, :D]
    den = a0[:, D:] + a1[:, D:]
    den = jnp.where(den == 0.0, 1.0, den)
    denf = lax.dot_general(den, sel_ref[:], (((1,), (0,)), ((), ())),
                           preferred_element_type=jnp.float32)
    att = num / denf
    x = x_ref[:]
    y = _dg(att, wo_ref[:]) + bo_ref[:] + x
    y = _ln(y, g1_ref[:], be1_ref[:])
    h1 = jnp.maximum(_dg(y, w1_ref[:]) + bb1_ref[:], 0.0)
    z = _dg(h1, w2_ref[:]) + bb2_ref[:] + y
    o_ref[:] = _ln(z, g2_ref[:], be2_ref[:])


def kernel(node_feat, edge_index, WQ, WK, WV, WO, bO, ln1_g, ln1_b,
           W1, b1, W2, b2, ln2_g, ln2_b):
    xpad = jnp.pad(node_feat, ((0, NPAD - N), (0, 0)))
    src = jnp.pad(edge_index[0].astype(jnp.int32), (0, EPAD - E), constant_values=N)
    tgt = jnp.pad(edge_index[1].astype(jnp.int32), (0, EPAD - E), constant_values=N)
    packed = jnp.bitwise_or(src, jnp.left_shift(tgt, 16))

    perm = (jnp.arange(D // 2, dtype=jnp.int32) // 8) * DH + (
        jnp.arange(D // 2, dtype=jnp.int32) % 8)
    BN = 256
    w_spec = pl.BlockSpec((D // 2, D), lambda i: (0, 0))
    qkv = pl.pallas_call(
        _qkv_body,
        grid=(NPAD // BN,),
        in_specs=[pl.BlockSpec((BN, D), lambda i: (i, 0))] + [w_spec] * 6,
        out_specs=[pl.BlockSpec((BN, D // 2), lambda i: (i, 0))] * 3,
        out_shape=[jax.ShapeDtypeStruct((NPAD, D // 2), jnp.int32)] * 3,
    )
    q, k, v = qkv(xpad, WQ[perm], WQ[perm + 8], WK[perm], WK[perm + 8],
                  WV[perm], WV[perm + 8])

    mesh = plsc.VectorSubcoreMesh(core_axis_name="c", subcore_axis_name="s",
                                  num_cores=NC, num_subcores=NS)
    half = [
        pltpu.VMEM((C,), jnp.int32),
        pltpu.VMEM((C,), jnp.int32),
        pltpu.VMEM((C,), jnp.int32),
        pltpu.VMEM((C, D // 2), jnp.int32),
        pltpu.VMEM((C, D // 2), jnp.int32),
        pltpu.VMEM((C, D // 2), jnp.int32),
        pltpu.VMEM((C, ACC_W), jnp.float32),
    ]
    edge_fn = functools.partial(
        pl.kernel,
        mesh=mesh,
        compiler_params=pltpu.CompilerParams(use_tc_tiling_on_sc=False,
                                             needs_layout_passes=False),
        out_type=jax.ShapeDtypeStruct((NC, NPAD, ACC_W), jnp.float32),
        scratch_types=(
            [pltpu.VMEM((EPW + 2 * C,), jnp.int32)]
            + half + half
            + [pltpu.VMEM_SHARED((NPAD, ACC_W), jnp.float32)]
            + [pltpu.SemaphoreType.DMA] * 8
        ),
    )(_edge_body)
    accs = edge_fn(q, k, v, packed)

    sel = (jnp.arange(D, dtype=jnp.int32)[None, :] // DH
           == jnp.arange(H, dtype=jnp.int32)[:, None]).astype(jnp.float32)
    BM = 400
    full = lambda r, c: pl.BlockSpec((r, c), lambda i: (0, 0))
    out = pl.pallas_call(
        _post_body,
        grid=(N // BM,),
        in_specs=[
            pl.BlockSpec((1, BM, ACC_W), lambda i: (0, i, 0)),
            pl.BlockSpec((1, BM, ACC_W), lambda i: (1, i, 0)),
            pl.BlockSpec((BM, D), lambda i: (i, 0)),
            full(H, D),
            full(D, D),
            full(1, D),
            full(1, D),
            full(1, D),
            full(D_FF, D),
            full(1, D_FF),
            full(D, D_FF),
            full(1, D),
            full(1, D),
            full(1, D),
        ],
        out_specs=pl.BlockSpec((BM, D), lambda i: (i, 0)),
        out_shape=jax.ShapeDtypeStruct((N, D), jnp.float32),
    )(
        accs, accs, node_feat, sel, WO, bO.reshape(1, D),
        ln1_g.reshape(1, D), ln1_b.reshape(1, D), W1, b1.reshape(1, D_FF),
        W2, b2.reshape(1, D), ln2_g.reshape(1, D), ln2_b.reshape(1, D),
    )
    return out

# --- scband reference (transcript-rebuilt; emitter-appended) ---
"""Pipeline reference for scband-graph-transformer-layer-82016695484632 (READ-ONLY COPY).

The authoritative reference and input builder live on the scoring server;
editing this copy changes nothing except your own understanding.
"""

import jax, jax.numpy as jnp
import numpy as np

N_NODES = 10000
N_EDGES = 320000
D = 128
H = 8
DH = D // H
D_FF = 2 * D


def _layer_norm(x, g, b, eps=1e-5):
    mu = jnp.mean(x, axis=-1, keepdims=True)
    var = jnp.mean((x - mu) ** 2, axis=-1, keepdims=True)
    return (x - mu) / jnp.sqrt(var + eps) * g + b


def setup_inputs(seed: int = 0) -> dict:
    key = jax.random.key(seed)
    ks = jax.random.split(key, 12)
    node_feat = jax.random.normal(ks[0], (N_NODES, D), dtype=jnp.float32)
    edge_index = jax.random.randint(ks[1], (2, N_EDGES), 0, N_NODES, dtype=jnp.int64) if jax.config.jax_enable_x64 else jax.random.randint(ks[1], (2, N_EDGES), 0, N_NODES).astype(jnp.int32)
    s = 1.0 / np.sqrt(D)
    WQ = jax.random.normal(ks[2], (D, D), dtype=jnp.float32) * s
    WK = jax.random.normal(ks[3], (D, D), dtype=jnp.float32) * s
    WV = jax.random.normal(ks[4], (D, D), dtype=jnp.float32) * s
    WO = jax.random.normal(ks[5], (D, D), dtype=jnp.float32) * s
    bO = jnp.zeros((D,), dtype=jnp.float32)
    W1 = jax.random.normal(ks[6], (D_FF, D), dtype=jnp.float32) * s
    b1 = jnp.zeros((D_FF,), dtype=jnp.float32)
    W2 = jax.random.normal(ks[7], (D, D_FF), dtype=jnp.float32) * (1.0 / np.sqrt(D_FF))
    b2 = jnp.zeros((D,), dtype=jnp.float32)
    ln1_g = jnp.ones((D,), dtype=jnp.float32)
    ln1_b = jnp.zeros((D,), dtype=jnp.float32)
    ln2_g = jnp.ones((D,), dtype=jnp.float32)
    ln2_b = jnp.zeros((D,), dtype=jnp.float32)
    return {"node_feat": node_feat, "edge_index": edge_index, "WQ": WQ, "WK": WK,
            "WV": WV, "WO": WO, "bO": bO, "ln1_g": ln1_g, "ln1_b": ln1_b,
            "W1": W1, "b1": b1, "W2": W2, "b2": b2, "ln2_g": ln2_g, "ln2_b": ln2_b}


def reference(node_feat, edge_index, WQ, WK, WV, WO, bO, ln1_g, ln1_b, W1, b1, W2, b2, ln2_g, ln2_b):
    N = node_feat.shape[0]
    Q = (node_feat @ WQ.T).reshape(N, H, DH)
    K = (node_feat @ WK.T).reshape(N, H, DH)
    V = (node_feat @ WV.T).reshape(N, H, DH)
    src = edge_index[0]
    tgt = edge_index[1]
    # attention score per edge: [E, H]
    score = jnp.sum(Q[tgt] * K[src], axis=-1) / np.sqrt(DH)
    score = jnp.exp(score)
    # per-target-node normalizer via scatter-add (segment sum)
    denom = jax.ops.segment_sum(score, tgt, num_segments=N)
    norm = score / denom[tgt]
    # weighted message aggregation: scatter-add over target nodes
    msg = norm[:, :, None] * V[src]
    out = jnp.zeros((N, H, DH), dtype=node_feat.dtype).at[tgt].add(msg)
    out = out.reshape(N, D)
    out = out @ WO.T + bO
    # residual + layer norm 1
    out = out + node_feat
    out = _layer_norm(out, ln1_g, ln1_b)
    # FFN
    x2 = out
    h = jnp.maximum(out @ W1.T + b1, 0.0)
    h = h @ W2.T + b2
    h = h + x2
    h = _layer_norm(h, ln2_g, ln2_b)
    return h

if __name__ == "__main__":
    import jax
    _d = setup_inputs()
    print(jax.jit(kernel)(*tuple(_d.values())))

</pallas_src>

<mosaic_0001>
#map = affine_map<(d0, d1) -> (0, 0)>
#map1 = affine_map<(d0, d1) -> (0)>
#map2 = affine_map<(d0, d1) -> (0, 0, 0)>
module attributes {stable_mosaic.version = 14 : i64} {
  func.func @_edge_body(%arg0: i32, %arg1: i32, %arg2: memref<10240x64xi32, #tpu.memory_space<hbm>>, %arg3: memref<10240x64xi32, #tpu.memory_space<hbm>>, %arg4: memref<10240x64xi32, #tpu.memory_space<hbm>>, %arg5: memref<327680xi32, #tpu.memory_space<hbm>>, %arg6: memref<2x10240x136xf32, #tpu.memory_space<hbm>>, %arg7: memref<10304xi32, #tpu.memory_space<vmem>>, %arg8: memref<32xi32, #tpu.memory_space<vmem>>, %arg9: memref<32xi32, #tpu.memory_space<vmem>>, %arg10: memref<32xi32, #tpu.memory_space<vmem>>, %arg11: memref<32x64xi32, #tpu.memory_space<vmem>>, %arg12: memref<32x64xi32, #tpu.memory_space<vmem>>, %arg13: memref<32x64xi32, #tpu.memory_space<vmem>>, %arg14: memref<32x136xf32, #tpu.memory_space<vmem>>, %arg15: memref<32xi32, #tpu.memory_space<vmem>>, %arg16: memref<32xi32, #tpu.memory_space<vmem>>, %arg17: memref<32xi32, #tpu.memory_space<vmem>>, %arg18: memref<32x64xi32, #tpu.memory_space<vmem>>, %arg19: memref<32x64xi32, #tpu.memory_space<vmem>>, %arg20: memref<32x64xi32, #tpu.memory_space<vmem>>, %arg21: memref<32x136xf32, #tpu.memory_space<vmem>>, %arg22: memref<10240x136xf32, #tpu.memory_space<vmem_shared>>, %arg23: memref<!tpu.dma_semaphore, #tpu.memory_space<semaphore_mem>>, %arg24: memref<!tpu.dma_semaphore, #tpu.memory_space<semaphore_mem>>, %arg25: memref<!tpu.dma_semaphore, #tpu.memory_space<semaphore_mem>>, %arg26: memref<!tpu.dma_semaphore, #tpu.memory_space<semaphore_mem>>, %arg27: memref<!tpu.dma_semaphore, #tpu.memory_space<semaphore_mem>>, %arg28: memref<!tpu.dma_semaphore, #tpu.memory_space<semaphore_mem>>, %arg29: memref<!tpu.dma_semaphore, #tpu.memory_space<semaphore_mem>>, %arg30: memref<!tpu.dma_semaphore, #tpu.memory_space<semaphore_mem>>) attributes {dimension_semantics = [#tpu.dimension_semantics<core_parallel>, #tpu.dimension_semantics<subcore_parallel>], iteration_bounds = array<i64: 2, 16>, scalar_prefetch = 0 : i64, scratch_operands = 24 : i64, tpu.core_type = #tpu.core_type<sc_vector_subcore>, window_params = [{transform_indices = #map}, {transform_indices = #map}, {transform_indices = #map}, {transform_indices = #map1}, {transform_indices = #map2}]} {
    %mul3A = arith.constant 2 : i32
    %mul3A_0 = arith.muli %arg1, %mul3A : i32
    %add3A = arith.addi %mul3A_0, %arg0 : i32
    %broadcast_in_dim3A = arith.constant 0.000000e+00 : f32
    %broadcast_in_dim3A_1 = vector.broadcast %broadcast_in_dim3A : f32 to vector<16xf32>
    %scan3A = arith.constant 0 : i32
    %scan3A_2 = arith.constant 0 : i32
    %scan3A_3 = arith.constant 2 : i32
    %scan3A_4 = arith.addi %scan3A_2, %scan3A_3 : i32
    %scan3A_5 = arith.constant 1 : i32
    %scan3A_6 = scf.for %scan3A_104 = %scan3A_2 to %scan3A_4 step %scan3A_5 iter_args(%scan3A_105 = %scan3A) -> (i32)  : i32 {
      %iota3A = tpu.iota {dimensions = array<i32: 0>} : vector<16xi32>
      %mul3A_106 = arith.constant 16 : i32
      %mul3A_107 = arith.muli %scan3A_104, %mul3A_106 : i32
      %add3A_108 = vector.broadcast %mul3A_107 : i32 to vector<16xi32>
      %add3A_109 = arith.addi %iota3A, %add3A_108 : vector<16xi32>
      %scan3A_110 = arith.constant 0 : i32
      %scan3A_111 = arith.constant 0 : i32
      %scan3A_112 = arith.constant 136 : i32
      %scan3A_113 = arith.addi %scan3A_111, %scan3A_112 : i32
      %scan3A_114 = arith.constant 1 : i32
      %scan3A_115 = scf.for %scan3A_118 = %scan3A_111 to %scan3A_113 step %scan3A_114 iter_args(%scan3A_119 = %scan3A_110) -> (i32)  : i32 {
        %broadcast_in_dim3A_120 = arith.constant 0 : i32
        %broadcast_in_dim3A_121 = vector.broadcast %broadcast_in_dim3A_120 : i32 to vector<16xi32>
        %add3A_122 = vector.broadcast %scan3A_118 : i32 to vector<16xi32>
        %add3A_123 = arith.addi %broadcast_in_dim3A_121, %add3A_122 : vector<16xi32>
        tpu.vector_store_idx %arg14[%add3A_109, %add3A_123], %broadcast_in_dim3A_1 : memref<32x136xf32, #tpu.memory_space<vmem>>[vector<16xi32>, vector<16xi32>], vector<16xf32>,
        %scan3A_124 = arith.constant 0 : i32
        scf.yield %scan3A_124 : i32
      }
      %scan3A_116 = arith.constant 136 : i32
      %scan3A_117 = arith.constant 0 : i32
      scf.yield %scan3A_117 : i32
    }
    %scan3A_7 = arith.constant 2 : i32
    %scan3A_8 = arith.constant 0 : i32
    %scan3A_9 = arith.constant 0 : i32
    %scan3A_10 = arith.constant 2 : i32
    %scan3A_11 = arith.addi %scan3A_9, %scan3A_10 : i32
    %scan3A_12 = arith.constant 1 : i32
    %scan3A_13 = scf.for %scan3A_104 = %scan3A_9 to %scan3A_11 step %scan3A_12 iter_args(%scan3A_105 = %scan3A_8) -> (i32)  : i32 {
      %iota3A = tpu.iota {dimensions = array<i32: 0>} : vector<16xi32>
      %mul3A_106 = arith.constant 16 : i32
      %mul3A_107 = arith.muli %scan3A_104, %mul3A_106 : i32
      %add3A_108 = vector.broadcast %mul3A_107 : i32 to vector<16xi32>
      %add3A_109 = arith.addi %iota3A, %add3A_108 : vector<16xi32>
      %scan3A_110 = arith.constant 0 : i32
      %scan3A_111 = arith.constant 0 : i32
      %scan3A_112 = arith.constant 136 : i32
      %scan3A_113 = arith.addi %scan3A_111, %scan3A_112 : i32
      %scan3A_114 = arith.constant 1 : i32
      %scan3A_115 = scf.for %scan3A_118 = %scan3A_111 to %scan3A_113 step %scan3A_114 iter_args(%scan3A_119 = %scan3A_110) -> (i32)  : i32 {
        %broadcast_in_dim3A_120 = arith.constant 0 : i32
        %broadcast_in_dim3A_121 = vector.broadcast %broadcast_in_dim3A_120 : i32 to vector<16xi32>
        %add3A_122 = vector.broadcast %scan3A_118 : i32 to vector<16xi32>
        %add3A_123 = arith.addi %broadcast_in_dim3A_121, %add3A_122 : vector<16xi32>
        tpu.vector_store_idx %arg21[%add3A_109, %add3A_123], %broadcast_in_dim3A_1 : memref<32x136xf32, #tpu.memory_space<vmem>>[vector<16xi32>, vector<16xi32>], vector<16xf32>,
        %scan3A_124 = arith.constant 0 : i32
        scf.yield %scan3A_124 : i32
      }
      %scan3A_116 = arith.constant 136 : i32
      %scan3A_117 = arith.constant 0 : i32
      scf.yield %scan3A_117 : i32
    }
    %scan3A_14 = arith.constant 2 : i32
    %scan3A_15 = arith.constant 0 : i32
    %scan3A_16 = arith.constant 0 : i32
    %scan3A_17 = arith.constant 20 : i32
    %scan3A_18 = arith.addi %scan3A_16, %scan3A_17 : i32
    %scan3A_19 = arith.constant 1 : i32
    %scan3A_20 = scf.for %scan3A_104 = %scan3A_16 to %scan3A_18 step %scan3A_19 iter_args(%scan3A_105 = %scan3A_15) -> (i32)  : i32 {
      %mul3A_106 = arith.constant 640 : i32
      %mul3A_107 = arith.muli %arg1, %mul3A_106 : i32
      %mul3A_108 = arith.constant 32 : i32
      %mul3A_109 = arith.muli %scan3A_104, %mul3A_108 : i32
      %add3A_110 = arith.addi %mul3A_107, %mul3A_109 : i32
      "tpu.region"() ({
        %run_scoped3A = tpu.sem_alloc : memref<!tpu.dma_semaphore, #tpu.memory_space<semaphore_mem>>
        %dma_start3A_112 = arith.constant 0 : i32
        %dma_start3A_113 = tpu.memref_slice %arg22[%add3A_110, %dma_start3A_112] : memref<10240x136xf32, #tpu.memory_space<vmem_shared>> -> memref<32x136xf32, #tpu.memory_space<vmem_shared>>
        %dma_start3A_114 = arith.constant 0 : i32
        %dma_start3A_115 = tpu.memref_slice %arg22[%add3A_110, %dma_start3A_114] : memref<10240x136xf32, #tpu.memory_space<vmem_shared>> -> memref<32x136xf32, #tpu.memory_space<vmem_shared>>
        tpu.enqueue_dma source(%arg14 : memref<32x136xf32, #tpu.memory_space<vmem>>) target(%dma_start3A_115 : memref<32x136xf32, #tpu.memory_space<vmem_shared>>) target_semaphore(%run_scoped3A : memref<!tpu.dma_semaphore, #tpu.memory_space<semaphore_mem>>)
        %dma_wait3A_116 = arith.constant 0 : i32
        %dma_wait3A_117 = tpu.memref_slice %arg22[%add3A_110, %dma_wait3A_116] : memref<10240x136xf32, #tpu.memory_space<vmem_shared>> -> memref<32x136xf32, #tpu.memory_space<vmem_shared>>
        %dma_wait3A_118 = arith.constant 0 : i32
        %dma_wait3A_119 = tpu.memref_slice %arg22[%add3A_110, %dma_wait3A_118] : memref<10240x136xf32, #tpu.memory_space<vmem_shared>> -> memref<32x136xf32, #tpu.memory_space<vmem_shared>>
        tpu.wait_dma2 semaphore(%run_scoped3A : memref<!tpu.dma_semaphore, #tpu.memory_space<semaphore_mem>>) src(%arg14 : memref<32x136xf32, #tpu.memory_space<vmem>>) dst(%dma_wait3A_119 : memref<32x136xf32, #tpu.memory_space<vmem_shared>>)
        tpu.yield
      }) : () -> ()
      %scan3A_111 = arith.constant 0 : i32
      scf.yield %scan3A_111 : i32
    }
    %scan3A_21 = arith.constant 20 : i32
    %mul3A_22 = arith.constant 10240 : i32
    %mul3A_23 = arith.muli %add3A, %mul3A_22 : i32
    "tpu.region"() ({
      %run_scoped3A = tpu.sem_alloc : memref<!tpu.dma_semaphore, #tpu.memory_space<semaphore_mem>>
      %dma_start3A_104 = arith.constant 0 : i32
      %dma_start3A_105 = tpu.memref_slice %arg7[%dma_start3A_104] : memref<10304xi32, #tpu.memory_space<vmem>> -> memref<10240xi32, #tpu.memory_space<vmem>>
      %dma_start3A_106 = tpu.memref_slice %arg5[%mul3A_23] : memref<327680xi32, #tpu.memory_space<hbm>> -> memref<10240xi32, #tpu.memory_space<hbm>>
      %dma_start3A_107 = arith.constant 0 : i32
      %dma_start3A_108 = tpu.memref_slice %arg7[%dma_start3A_107] : memref<10304xi32, #tpu.memory_space<vmem>> -> memref<10240xi32, #tpu.memory_space<vmem>>
      %dma_start3A_109 = tpu.memref_slice %arg5[%mul3A_23] : memref<327680xi32, #tpu.memory_space<hbm>> -> memref<10240xi32, #tpu.memory_space<hbm>>
      tpu.enqueue_dma source(%dma_start3A_109 : memref<10240xi32, #tpu.memory_space<hbm>>) target(%dma_start3A_108 : memref<10240xi32, #tpu.memory_space<vmem>>) target_semaphore(%run_scoped3A : memref<!tpu.dma_semaphore, #tpu.memory_space<semaphore_mem>>)
      %dma_wait3A_110 = arith.constant 0 : i32
      %dma_wait3A_111 = tpu.memref_slice %arg7[%dma_wait3A_110] : memref<10304xi32, #tpu.memory_space<vmem>> -> memref<10240xi32, #tpu.memory_space<vmem>>
      %dma_wait3A_112 = tpu.memref_slice %arg5[%mul3A_23] : memref<327680xi32, #tpu.memory_space<hbm>> -> memref<10240xi32, #tpu.memory_space<hbm>>
      %dma_wait3A_113 = arith.constant 0 : i32
      %dma_wait3A_114 = tpu.memref_slice %arg7[%dma_wait3A_113] : memref<10304xi32, #tpu.memory_space<vmem>> -> memref<10240xi32, #tpu.memory_space<vmem>>
      %dma_wait3A_115 = tpu.memref_slice %arg5[%mul3A_23] : memref<327680xi32, #tpu.memory_space<hbm>> -> memref<10240xi32, #tpu.memory_space<hbm>>
      tpu.wait_dma2 semaphore(%run_scoped3A : memref<!tpu.dma_semaphore, #tpu.memory_space<semaphore_mem>>) src(%dma_wait3A_115 : memref<10240xi32, #tpu.memory_space<hbm>>) dst(%dma_wait3A_114 : memref<10240xi32, #tpu.memory_space<vmem>>)
      tpu.yield
    }) : () -> ()
    %broadcast_in_dim3A_24 = arith.constant 655370000 : i32
    %broadcast_in_dim3A_25 = vector.broadcast %broadcast_in_dim3A_24 : i32 to vector<16xi32>
    %broadcast_in_dim3A_26 = arith.constant 10000 : i32
    %broadcast_in_dim3A_27 = vector.broadcast %broadcast_in_dim3A_26 : i32 to vector<16xi32>
    %swap3A = arith.constant 10240 : index
    %swap3A_28 = tpu.vector_load %arg7[%swap3A] {strides = array<i32>} : memref<10304xi32, #tpu.memory_space<vmem>>, vector<16xi32>,
    tpu.vector_store %arg7[%swap3A], %broadcast_in_dim3A_25 {strides = array<i32>} : memref<10304xi32, #tpu.memory_space<vmem>>, vector<16xi32>,
    %swap3A_29 = arith.constant 10256 : index
    %swap3A_30 = tpu.vector_load %arg7[%swap3A_29] {strides = array<i32>} : memref<10304xi32, #tpu.memory_space<vmem>>, vector<16xi32>,
    tpu.vector_store %arg7[%swap3A_29], %broadcast_in_dim3A_25 {strides = array<i32>} : memref<10304xi32, #tpu.memory_space<vmem>>, vector<16xi32>,
    %swap3A_31 = arith.constant 10272 : index
    %swap3A_32 = tpu.vector_load %arg7[%swap3A_31] {strides = array<i32>} : memref<10304xi32, #tpu.memory_space<vmem>>, vector<16xi32>,
    tpu.vector_store %arg7[%swap3A_31], %broadcast_in_dim3A_25 {strides = array<i32>} : memref<10304xi32, #tpu.memory_space<vmem>>, vector<16xi32>,
    %swap3A_33 = arith.constant 10288 : index
    %swap3A_34 = tpu.vector_load %arg7[%swap3A_33] {strides = array<i32>} : memref<10304xi32, #tpu.memory_space<vmem>>, vector<16xi32>,
    tpu.vector_store %arg7[%swap3A_33], %broadcast_in_dim3A_25 {strides = array<i32>} : memref<10304xi32, #tpu.memory_space<vmem>>, vector<16xi32>,
    %swap3A_35 = arith.constant 0 : index
    %swap3A_36 = tpu.vector_load %arg10[%swap3A_35] {strides = array<i32>} : memref<32xi32, #tpu.memory_space<vmem>>, vector<16xi32>,
    tpu.vector_store %arg10[%swap3A_35], %broadcast_in_dim3A_27 {strides = array<i32>} : memref<32xi32, #tpu.memory_space<vmem>>, vector<16xi32>,
    %swap3A_37 = arith.constant 0 : index
    %swap3A_38 = tpu.vector_load %arg17[%swap3A_37] {strides = array<i32>} : memref<32xi32, #tpu.memory_space<vmem>>, vector<16xi32>,
    tpu.vector_store %arg17[%swap3A_37], %broadcast_in_dim3A_27 {strides = array<i32>} : memref<32xi32, #tpu.memory_space<vmem>>, vector<16xi32>,
    %swap3A_39 = arith.constant 16 : index
    %swap3A_40 = tpu.vector_load %arg10[%swap3A_39] {strides = array<i32>} : memref<32xi32, #tpu.memory_space<vmem>>, vector<16xi32>,
    tpu.vector_store %arg10[%swap3A_39], %broadcast_in_dim3A_27 {strides = array<i32>} : memref<32xi32, #tpu.memory_space<vmem>>, vector<16xi32>,
    %swap3A_41 = arith.constant 16 : index
    %swap3A_42 = tpu.vector_load %arg17[%swap3A_41] {strides = array<i32>} : memref<32xi32, #tpu.memory_space<vmem>>, vector<16xi32>,
    tpu.vector_store %arg17[%swap3A_41], %broadcast_in_dim3A_27 {strides = array<i32>} : memref<32xi32, #tpu.memory_space<vmem>>, vector<16xi32>,
    %barrier3A = arith.constant 0 : index
    tpu.barrier barrier_id(%barrier3A)
    %dma_start3A = arith.constant 0 : i32
    %dma_start3A_43 = arith.constant 0 : i32
    %dma_start3A_44 = tpu.memref_slice %arg22[%dma_start3A, %dma_start3A_43] : memref<10240x136xf32, #tpu.memory_space<vmem_shared>> -> memref<10240x136xf32, #tpu.memory_space<vmem_shared>>
    tpu.enqueue_indirect_dma source(%arg14 : memref<32x136xf32, #tpu.memory_space<vmem>>) target(%dma_start3A_44 : memref<10240x136xf32, #tpu.memory_space<vmem_shared>>) offsets(%arg10 : memref<32xi32, #tpu.memory_space<vmem>>) semaphore(%arg26 : memref<!tpu.dma_semaphore, #tpu.memory_space<semaphore_mem>>) {add = true}
    %dma_start3A_45 = arith.constant 0 : i32
    %dma_start3A_46 = arith.constant 0 : i32
    %dma_start3A_47 = tpu.memref_slice %arg22[%dma_start3A_45, %dma_start3A_46] : memref<10240x136xf32, #tpu.memory_space<vmem_shared>> -> memref<10240x136xf32, #tpu.memory_space<vmem_shared>>
    tpu.enqueue_indirect_dma source(%arg21 : memref<32x136xf32, #tpu.memory_space<vmem>>) target(%dma_start3A_47 : memref<10240x136xf32, #tpu.memory_space<vmem_shared>>) offsets(%arg17 : memref<32xi32, #tpu.memory_space<vmem>>) semaphore(%arg30 : memref<!tpu.dma_semaphore, #tpu.memory_space<semaphore_mem>>) {add = true}
    %get3A = arith.constant 0 : index
    %get3A_48 = tpu.vector_load %arg7[%get3A] {strides = array<i32>} : memref<10304xi32, #tpu.memory_space<vmem>>, vector<16xi32>,
    %and3A = arith.constant 65535 : i32
    %and3A_49 = vector.broadcast %and3A : i32 to vector<16xi32>
    %and3A_50 = arith.andi %get3A_48, %and3A_49 : vector<16xi32>
    %swap3A_51 = arith.constant 0 : index
    %swap3A_52 = tpu.vector_load %arg8[%swap3A_51] {strides = array<i32>} : memref<32xi32, #tpu.memory_space<vmem>>, vector<16xi32>,
    tpu.vector_store %arg8[%swap3A_51], %and3A_50 {strides = array<i32>} : memref<32xi32, #tpu.memory_space<vmem>>, vector<16xi32>,
    %shift_right_logical3A = arith.constant 16 : i32
    %shift_right_logical3A_53 = vector.broadcast %shift_right_logical3A : i32 to vector<16xi32>
    %shift_right_logical3A_54 = arith.shrui %get3A_48, %shift_right_logical3A_53 : vector<16xi32>
    %swap3A_55 = arith.constant 0 : index
    %swap3A_56 = tpu.vector_load %arg9[%swap3A_55] {strides = array<i32>} : memref<32xi32, #tpu.memory_space<vmem>>, vector<16xi32>,
    tpu.vector_store %arg9[%swap3A_55], %shift_right_logical3A_54 {strides = array<i32>} : memref<32xi32, #tpu.memory_space<vmem>>, vector<16xi32>,
    %get3A_57 = arith.constant 16 : index
    %get3A_58 = tpu.vector_load %arg7[%get3A_57] {strides = array<i32>} : memref<10304xi32, #tpu.memory_space<vmem>>, vector<16xi32>,
    %and3A_59 = arith.constant 65535 : i32
    %and3A_60 = vector.broadcast %and3A_59 : i32 to vector<16xi32>
    %and3A_61 = arith.andi %get3A_58, %and3A_60 : vector<16xi32>
    %swap3A_62 = arith.constant 16 : index
    %swap3A_63 = tpu.vector_load %arg8[%swap3A_62] {strides = array<i32>} : memref<32xi32, #tpu.memory_space<vmem>>, vector<16xi32>,
    tpu.vector_store %arg8[%swap3A_62], %and3A_61 {strides = array<i32>} : memref<32xi32, #tpu.memory_space<vmem>>, vector<16xi32>,
    %shift_right_logical3A_64 = arith.constant 16 : i32
    %shift_right_logical3A_65 = vector.broadcast %shift_right_logical3A_64 : i32 to vector<16xi32>
    %shift_right_logical3A_66 = arith.shrui %get3A_58, %shift_right_logical3A_65 : vector<16xi32>
    %swap3A_67 = arith.constant 16 : index
    %swap3A_68 = tpu.vector_load %arg9[%swap3A_67] {strides = array<i32>} : memref<32xi32, #tpu.memory_space<vmem>>, vector<16xi32>,
    tpu.vector_store %arg9[%swap3A_67], %shift_right_logical3A_66 {strides = array<i32>} : memref<32xi32, #tpu.memory_space<vmem>>, vector<16xi32>,
    %dma_start3A_69 = arith.constant 0 : i32
    %dma_start3A_70 = arith.constant 0 : i32
    %dma_start3A_71 = tpu.memref_slice %arg2[%dma_start3A_69, %dma_start3A_70] : memref<10240x64xi32, #tpu.memory_space<hbm>> -> memref<10240x64xi32, #tpu.memory_space<hbm>>
    tpu.enqueue_indirect_dma source(%dma_start3A_71 : memref<10240x64xi32, #tpu.memory_space<hbm>>) target(%arg11 : memref<32x64xi32, #tpu.memory_space<vmem>>) offsets(%arg9 : memref<32xi32, #tpu.memory_space<vmem>>) semaphore(%arg23 : memref<!tpu.dma_semaphore, #tpu.memory_space<semaphore_mem>>)
    %dma_start3A_72 = arith.constant 0 : i32
    %dma_start3A_73 = arith.constant 0 : i32
    %dma_start3A_74 = tpu.memref_slice %arg3[%dma_start3A_72, %dma_start3A_73] : memref<10240x64xi32, #tpu.memory_space<hbm>> -> memref<10240x64xi32, #tpu.memory_space<hbm>>
    tpu.enqueue_indirect_dma source(%dma_start3A_74 : memref<10240x64xi32, #tpu.memory_space<hbm>>) target(%arg12 : memref<32x64xi32, #tpu.memory_space<vmem>>) offsets(%arg8 : memref<32xi32, #tpu.memory_space<vmem>>) semaphore(%arg24 : memref<!tpu.dma_semaphore, #tpu.memory_space<semaphore_mem>>)
    %dma_start3A_75 = arith.constant 0 : i32
    %dma_start3A_76 = arith.constant 0 : i32
    %dma_start3A_77 = tpu.memref_slice %arg4[%dma_start3A_75, %dma_start3A_76] : memref<10240x64xi32, #tpu.memory_space<hbm>> -> memref<10240x64xi32, #tpu.memory_space<hbm>>
    tpu.enqueue_indirect_dma source(%dma_start3A_77 : memref<10240x64xi32, #tpu.memory_space<hbm>>) target(%arg13 : memref<32x64xi32, #tpu.memory_space<vmem>>) offsets(%arg8 : memref<32xi32, #tpu.memory_space<vmem>>) semaphore(%arg25 : memref<!tpu.dma_semaphore, #tpu.memory_space<semaphore_mem>>)
    %scan3A_78 = arith.constant 0 : i32
    %scan3A_79 = arith.constant 0 : i32
    %scan3A_80 = arith.constant 160 : i32
    %scan3A_81 = arith.addi %scan3A_79, %scan3A_80 : i32
    %scan3A_82 = arith.constant 1 : i32
    %scan3A_83 = scf.for %scan3A_104 = %scan3A_79 to %scan3A_81 step %scan3A_82 iter_args(%scan3A_105 = %scan3A_78) -> (i32)  : i32 {
      %mul3A_106 = arith.constant 2 : i32
      %mul3A_107 = arith.muli %scan3A_104, %mul3A_106 : i32
      %add3A_108 = arith.constant 1 : i32
      %add3A_109 = arith.addi %mul3A_107, %add3A_108 : i32
      %mul3A_110 = arith.constant 32 : i32
      %mul3A_111 = arith.muli %add3A_109, %mul3A_110 : i32
      %add3A_112 = arith.constant 0 : i32
      %add3A_113 = arith.addi %mul3A_111, %add3A_112 : i32
      %get3A_114 = arith.index_cast %add3A_113 : i32 to index
      %get3A_115 = tpu.vector_load %arg7[%get3A_114] {strides = array<i32>} : memref<10304xi32, #tpu.memory_space<vmem>>, vector<16xi32>,
      %and3A_116 = arith.constant 65535 : i32
      %and3A_117 = vector.broadcast %and3A_116 : i32 to vector<16xi32>
      %and3A_118 = arith.andi %get3A_115, %and3A_117 : vector<16xi32>
      %swap3A_119 = arith.constant 0 : index
      %swap3A_120 = tpu.vector_load %arg15[%swap3A_119] {strides = array<i32>} : memref<32xi32, #tpu.memory_space<vmem>>, vector<16xi32>,
      tpu.vector_store %arg15[%swap3A_119], %and3A_118 {strides = array<i32>} : memref<32xi32, #tpu.memory_space<vmem>>, vector<16xi32>,
      %shift_right_logical3A_121 = arith.constant 16 : i32
      %shift_right_logical3A_122 = vector.broadcast %shift_right_logical3A_121 : i32 to vector<16xi32>
      %shift_right_logical3A_123 = arith.shrui %get3A_115, %shift_right_logical3A_122 : vector<16xi32>
      %swap3A_124 = arith.constant 0 : index
      %swap3A_125 = tpu.vector_load %arg16[%swap3A_124] {strides = array<i32>} : memref<32xi32, #tpu.memory_space<vmem>>, vector<16xi32>,
      tpu.vector_store %arg16[%swap3A_124], %shift_right_logical3A_123 {strides = array<i32>} : memref<32xi32, #tpu.memory_space<vmem>>, vector<16xi32>,
      %mul3A_126 = arith.constant 32 : i32
      %mul3A_127 = arith.muli %add3A_109, %mul3A_126 : i32
      %add3A_128 = arith.constant 16 : i32
      %add3A_129 = arith.addi %mul3A_127, %add3A_128 : i32
      %get3A_130 = arith.index_cast %add3A_129 : i32 to index
      %get3A_131 = tpu.vector_load %arg7[%get3A_130] {strides = array<i32>} : memref<10304xi32, #tpu.memory_space<vmem>>, vector<16xi32>,
      %and3A_132 = arith.constant 65535 : i32
      %and3A_133 = vector.broadcast %and3A_132 : i32 to vector<16xi32>
      %and3A_134 = arith.andi %get3A_131, %and3A_133 : vector<16xi32>
      %swap3A_135 = arith.constant 16 : index
      %swap3A_136 = tpu.vector_load %arg15[%swap3A_135] {strides = array<i32>} : memref<32xi32, #tpu.memory_space<vmem>>, vector<16xi32>,
      tpu.vector_store %arg15[%swap3A_135], %and3A_134 {strides = array<i32>} : memref<32xi32, #tpu.memory_space<vmem>>, vector<16xi32>,
      %shift_right_logical3A_137 = arith.constant 16 : i32
      %shift_right_logical3A_138 = vector.broadcast %shift_right_logical3A_137 : i32 to vector<16xi32>
      %shift_right_logical3A_139 = arith.shrui %get3A_131, %shift_right_logical3A_138 : vector<16xi32>
      %swap3A_140 = arith.constant 16 : index
      %swap3A_141 = tpu.vector_load %arg16[%swap3A_140] {strides = array<i32>} : memref<32xi32, #tpu.memory_space<vmem>>, vector<16xi32>,
      tpu.vector_store %arg16[%swap3A_140], %shift_right_logical3A_139 {strides = array<i32>} : memref<32xi32, #tpu.memory_space<vmem>>, vector<16xi32>,
      %dma_start3A_142 = arith.constant 0 : i32
      %dma_start3A_143 = arith.constant 0 : i32
      %dma_start3A_144 = tpu.memref_slice %arg2[%dma_start3A_142, %dma_start3A_143] : memref<10240x64xi32, #tpu.memory_space<hbm>> -> memref<10240x64xi32, #tpu.memory_space<hbm>>
      tpu.enqueue_indirect_dma source(%dma_start3A_144 : memref<10240x64xi32, #tpu.memory_space<hbm>>) target(%arg18 : memref<32x64xi32, #tpu.memory_space<vmem>>) offsets(%arg16 : memref<32xi32, #tpu.memory_space<vmem>>) semaphore(%arg27 : memref<!tpu.dma_semaphore, #tpu.memory_space<semaphore_mem>>)
      %dma_start3A_145 = arith.constant 0 : i32
      %dma_start3A_146 = arith.constant 0 : i32
      %dma_start3A_147 = tpu.memref_slice %arg3[%dma_start3A_145, %dma_start3A_146] : memref<10240x64xi32, #tpu.memory_space<hbm>> -> memref<10240x64xi32, #tpu.memory_space<hbm>>
      tpu.enqueue_indirect_dma source(%dma_start3A_147 : memref<10240x64xi32, #tpu.memory_space<hbm>>) target(%arg19 : memref<32x64xi32, #tpu.memory_space<vmem>>) offsets(%arg15 : memref<32xi32, #tpu.memory_space<vmem>>) semaphore(%arg28 : memref<!tpu.dma_semaphore, #tpu.memory_space<semaphore_mem>>)
      %dma_start3A_148 = arith.constant 0 : i32
      %dma_start3A_149 = arith.constant 0 : i32
      %dma_start3A_150 = tpu.memref_slice %arg4[%dma_start3A_148, %dma_start3A_149] : memref<10240x64xi32, #tpu.memory_space<hbm>> -> memref<10240x64xi32, #tpu.memory_space<hbm>>
      tpu.enqueue_indirect_dma source(%dma_start3A_150 : memref<10240x64xi32, #tpu.memory_space<hbm>>) target(%arg20 : memref<32x64xi32, #tpu.memory_space<vmem>>) offsets(%arg15 : memref<32xi32, #tpu.memory_space<vmem>>) semaphore(%arg29 : memref<!tpu.dma_semaphore, #tpu.memory_space<semaphore_mem>>)
      %dma_wait3A_151 = arith.constant 0 : i32
      %dma_wait3A_152 = arith.constant 0 : i32
      %dma_wait3A_153 = tpu.memref_slice %arg2[%dma_wait3A_151, %dma_wait3A_152] : memref<10240x64xi32, #tpu.memory_space<hbm>> -> memref<10240x64xi32, #tpu.memory_space<hbm>>
      tpu.wait_indirect_dma semaphore(%arg23 : memref<!tpu.dma_semaphore, #tpu.memory_space<semaphore_mem>>) src(%dma_wait3A_153 : memref<10240x64xi32, #tpu.memory_space<hbm>>) dst(%arg11 : memref<32x64xi32, #tpu.memory_space<vmem>>)
      %dma_wait3A_154 = arith.constant 0 : i32
      %dma_wait3A_155 = arith.constant 0 : i32
      %dma_wait3A_156 = tpu.memref_slice %arg3[%dma_wait3A_154, %dma_wait3A_155] : memref<10240x64xi32, #tpu.memory_space<hbm>> -> memref<10240x64xi32, #tpu.memory_space<hbm>>
      tpu.wait_indirect_dma semaphore(%arg24 : memref<!tpu.dma_semaphore, #tpu.memory_space<semaphore_mem>>) src(%dma_wait3A_156 : memref<10240x64xi32, #tpu.memory_space<hbm>>) dst(%arg12 : memref<32x64xi32, #tpu.memory_space<vmem>>)
      %dma_wait3A_157 = arith.constant 0 : i32
      %dma_wait3A_158 = arith.constant 0 : i32
      %dma_wait3A_159 = tpu.memref_slice %arg4[%dma_wait3A_157, %dma_wait3A_158] : memref<10240x64xi32, #tpu.memory_space<hbm>> -> memref<10240x64xi32, #tpu.memory_space<hbm>>
      tpu.wait_indirect_dma semaphore(%arg25 : memref<!tpu.dma_semaphore, #tpu.memory_space<semaphore_mem>>) src(%dma_wait3A_159 : memref<10240x64xi32, #tpu.memory_space<hbm>>) dst(%arg13 : memref<32x64xi32, #tpu.memory_space<vmem>>)
      %dma_wait3A_160 = arith.constant 0 : i32
      %dma_wait3A_161 = arith.constant 0 : i32
      %dma_wait3A_162 = tpu.memref_slice %arg22[%dma_wait3A_160, %dma_wait3A_161] : memref<10240x136xf32, #tpu.memory_space<vmem_shared>> -> memref<10240x136xf32, #tpu.memory_space<vmem_shared>>
      tpu.wait_indirect_dma semaphore(%arg26 : memref<!tpu.dma_semaphore, #tpu.memory_space<semaphore_mem>>) src(%arg14 : memref<32x136xf32, #tpu.memory_space<vmem>>) dst(%dma_wait3A_162 : memref<10240x136xf32, #tpu.memory_space<vmem_shared>>)
      %scan3A_163 = arith.constant 0 : i32
      %scan3A_164 = arith.constant 0 : i32
      %scan3A_165 = arith.constant 2 : i32
      %scan3A_166 = arith.addi %scan3A_164, %scan3A_165 : i32
      %scan3A_167 = arith.constant 1 : i32
      %scan3A_168 = scf.for %scan3A_255 = %scan3A_164 to %scan3A_166 step %scan3A_167 iter_args(%scan3A_256 = %scan3A_163) -> (i32)  : i32 {
        %iota3A = tpu.iota {dimensions = array<i32: 0>} : vector<16xi32>
        %mul3A_257 = arith.constant 16 : i32
        %mul3A_258 = arith.muli %scan3A_255, %mul3A_257 : i32
        %add3A_259 = vector.broadcast %mul3A_258 : i32 to vector<16xi32>
        %add3A_260 = arith.addi %iota3A, %add3A_259 : vector<16xi32>
        %iota3A_261 = tpu.iota {dimensions = array<i32: 0>} : vector<16xi32>
        %scan3A_262 = arith.constant 0 : i32
        %scan3A_263 = arith.constant 0 : i32
        %scan3A_264 = arith.constant 8 : i32
        %scan3A_265 = arith.addi %scan3A_263, %scan3A_264 : i32
        %scan3A_266 = arith.constant 1 : i32
        %scan3A_267 = scf.for %scan3A_270 = %scan3A_263 to %scan3A_265 step %scan3A_266 iter_args(%scan3A_271 = %scan3A_262) -> (i32)  : i32 {
          %broadcast_in_dim3A_272 = arith.constant 0 : i32
          %broadcast_in_dim3A_273 = vector.broadcast %broadcast_in_dim3A_272 : i32 to vector<16xi32>
          %mul3A_274 = arith.constant 8 : i32
          %mul3A_275 = arith.muli %scan3A_270, %mul3A_274 : i32
          %add3A_276 = vector.broadcast %mul3A_275 : i32 to vector<16xi32>
          %add3A_277 = arith.addi %broadcast_in_dim3A_273, %add3A_276 : vector<16xi32>
          %add3A_278 = vector.broadcast %scan3A_270 : i32 to vector<16xi32>
          %add3A_279 = arith.addi %iota3A_261, %add3A_278 : vector<16xi32>
          %add3A_280 = arith.constant 0 : i32
          %add3A_281 = vector.broadcast %add3A_280 : i32 to vector<16xi32>
          %add3A_282 = arith.addi %add3A_279, %add3A_281 : vector<16xi32>
          %and3A_283 = arith.constant 7 : i32
          %and3A_284 = vector.broadcast %and3A_283 : i32 to vector<16xi32>
          %and3A_285 = arith.andi %add3A_282, %and3A_284 : vector<16xi32>
          %add3A_286 = arith.addi %add3A_277, %and3A_285 : vector<16xi32>
          %gather3A = tpu.vector_load_idx %arg11[%add3A_260, %add3A_286] : memref<32x64xi32, #tpu.memory_space<vmem>>[vector<16xi32>, vector<16xi32>], vector<16xi32>,
          %gather3A_287 = tpu.vector_load_idx %arg12[%add3A_260, %add3A_286] : memref<32x64xi32, #tpu.memory_space<vmem>>[vector<16xi32>, vector<16xi32>], vector<16xi32>,
          %bitcast3A = vector.bitcast %gather3A : vector<16xi32> to vector<32xbf16>
          %bitcast3A_288 = vector.bitcast %gather3A_287 : vector<16xi32> to vector<32xbf16>
          %mul3A_289 = arith.mulf %bitcast3A, %bitcast3A_288 : vector<32xbf16>
          %unpack3A = tpu.unpack_subelements %mul3A_289, 0 {pack_format = #tpu.pack_format<interleaved>} : vector<32xbf16> -> vector<16xf32>
          %unpack3A_290 = tpu.unpack_subelements %mul3A_289, 1 {pack_format = #tpu.pack_format<interleaved>} : vector<32xbf16> -> vector<16xf32>
          %add3A_291 = arith.constant 1 : i32
          %add3A_292 = vector.broadcast %add3A_291 : i32 to vector<16xi32>
          %add3A_293 = arith.addi %add3A_279, %add3A_292 : vector<16xi32>
          %and3A_294 = arith.constant 7 : i32
          %and3A_295 = vector.broadcast %and3A_294 : i32 to vector<16xi32>
          %and3A_296 = arith.andi %add3A_293, %and3A_295 : vector<16xi32>
          %add3A_297 = arith.addi %add3A_277, %and3A_296 : vector<16xi32>
          %gather3A_298 = tpu.vector_load_idx %arg11[%add3A_260, %add3A_297] : memref<32x64xi32, #tpu.memory_space<vmem>>[vector<16xi32>, vector<16xi32>], vector<16xi32>,
          %gather3A_299 = tpu.vector_load_idx %arg12[%add3A_260, %add3A_297] : memref<32x64xi32, #tpu.memory_space<vmem>>[vector<16xi32>, vector<16xi32>], vector<16xi32>,
          %bitcast3A_300 = vector.bitcast %gather3A_298 : vector<16xi32> to vector<32xbf16>
          %bitcast3A_301 = vector.bitcast %gather3A_299 : vector<16xi32> to vector<32xbf16>
          %mul3A_302 = arith.mulf %bitcast3A_300, %bitcast3A_301 : vector<32xbf16>
          %unpack3A_303 = tpu.unpack_subelements %mul3A_302, 0 {pack_format = #tpu.pack_format<interleaved>} : vector<32xbf16> -> vector<16xf32>
          %unpack3A_304 = tpu.unpack_subelements %mul3A_302, 1 {pack_format = #tpu.pack_format<interleaved>} : vector<32xbf16> -> vector<16xf32>
          %add3A_305 = arith.addf %unpack3A, %unpack3A_303 : vector<16xf32>
          %add3A_306 = arith.addf %unpack3A_290, %unpack3A_304 : vector<16xf32>
          %add3A_307 = arith.constant 2 : i32
          %add3A_308 = vector.broadcast %add3A_307 : i32 to vector<16xi32>
          %add3A_309 = arith.addi %add3A_279, %add3A_308 : vector<16xi32>
          %and3A_310 = arith.constant 7 : i32
          %and3A_311 = vector.broadcast %and3A_310 : i32 to vector<16xi32>
          %and3A_312 = arith.andi %add3A_309, %and3A_311 : vector<16xi32>
          %add3A_313 = arith.addi %add3A_277, %and3A_312 : vector<16xi32>
          %gather3A_314 = tpu.vector_load_idx %arg11[%add3A_260, %add3A_313] : memref<32x64xi32, #tpu.memory_space<vmem>>[vector<16xi32>, vector<16xi32>], vector<16xi32>,
          %gather3A_315 = tpu.vector_load_idx %arg12[%add3A_260, %add3A_313] : memref<32x64xi32, #tpu.memory_space<vmem>>[vector<16xi32>, vector<16xi32>], vector<16xi32>,
          %bitcast3A_316 = vector.bitcast %gather3A_314 : vector<16xi32> to vector<32xbf16>
          %bitcast3A_317 = vector.bitcast %gather3A_315 : vector<16xi32> to vector<32xbf16>
          %mul3A_318 = arith.mulf %bitcast3A_316, %bitcast3A_317 : vector<32xbf16>
          %unpack3A_319 = tpu.unpack_subelements %mul3A_318, 0 {pack_format = #tpu.pack_format<interleaved>} : vector<32xbf16> -> vector<16xf32>
          %unpack3A_320 = tpu.unpack_subelements %mul3A_318, 1 {pack_format = #tpu.pack_format<interleaved>} : vector<32xbf16> -> vector<16xf32>
          %add3A_321 = arith.addf %add3A_305, %unpack3A_319 : vector<16xf32>
          %add3A_322 = arith.addf %add3A_306, %unpack3A_320 : vector<16xf32>
          %add3A_323 = arith.constant 3 : i32
          %add3A_324 = vector.broadcast %add3A_323 : i32 to vector<16xi32>
          %add3A_325 = arith.addi %add3A_279, %add3A_324 : vector<16xi32>
          %and3A_326 = arith.constant 7 : i32
          %and3A_327 = vector.broadcast %and3A_326 : i32 to vector<16xi32>
          %and3A_328 = arith.andi %add3A_325, %and3A_327 : vector<16xi32>
          %add3A_329 = arith.addi %add3A_277, %and3A_328 : vector<16xi32>
          %gather3A_330 = tpu.vector_load_idx %arg11[%add3A_260, %add3A_329] : memref<32x64xi32, #tpu.memory_space<vmem>>[vector<16xi32>, vector<16xi32>], vector<16xi32>,
          %gather3A_331 = tpu.vector_load_idx %arg12[%add3A_260, %add3A_329] : memref<32x64xi32, #tpu.memory_space<vmem>>[vector<16xi32>, vector<16xi32>], vector<16xi32>,
          %bitcast3A_332 = vector.bitcast %gather3A_330 : vector<16xi32> to vector<32xbf16>
          %bitcast3A_333 = vector.bitcast %gather3A_331 : vector<16xi32> to vector<32xbf16>
          %mul3A_334 = arith.mulf %bitcast3A_332, %bitcast3A_333 : vector<32xbf16>
          %unpack3A_335 = tpu.unpack_subelements %mul3A_334, 0 {pack_format = #tpu.pack_format<interleaved>} : vector<32xbf16> -> vector<16xf32>
          %unpack3A_336 = tpu.unpack_subelements %mul3A_334, 1 {pack_format = #tpu.pack_format<interleaved>} : vector<32xbf16> -> vector<16xf32>
          %add3A_337 = arith.addf %add3A_321, %unpack3A_335 : vector<16xf32>
          %add3A_338 = arith.addf %add3A_322, %unpack3A_336 : vector<16xf32>
          %add3A_339 = arith.constant 4 : i32
          %add3A_340 = vector.broadcast %add3A_339 : i32 to vector<16xi32>
          %add3A_341 = arith.addi %add3A_279, %add3A_340 : vector<16xi32>
          %and3A_342 = arith.constant 7 : i32
          %and3A_343 = vector.broadcast %and3A_342 : i32 to vector<16xi32>
          %and3A_344 = arith.andi %add3A_341, %and3A_343 : vector<16xi32>
          %add3A_345 = arith.addi %add3A_277, %and3A_344 : vector<16xi32>
          %gather3A_346 = tpu.vector_load_idx %arg11[%add3A_260, %add3A_345] : memref<32x64xi32, #tpu.memory_space<vmem>>[vector<16xi32>, vector<16xi32>], vector<16xi32>,
          %gather3A_347 = tpu.vector_load_idx %arg12[%add3A_260, %add3A_345] : memref<32x64xi32, #tpu.memory_space<vmem>>[vector<16xi32>, vector<16xi32>], vector<16xi32>,
          %bitcast3A_348 = vector.bitcast %gather3A_346 : vector<16xi32> to vector<32xbf16>
          %bitcast3A_349 = vector.bitcast %gather3A_347 : vector<16xi32> to vector<32xbf16>
          %mul3A_350 = arith.mulf %bitcast3A_348, %bitcast3A_349 : vector<32xbf16>
          %unpack3A_351 = tpu.unpack_subelements %mul3A_350, 0 {pack_format = #tpu.pack_format<interleaved>} : vector<32xbf16> -> vector<16xf32>
          %unpack3A_352 = tpu.unpack_subelements %mul3A_350, 1 {pack_format = #tpu.pack_format<interleaved>} : vector<32xbf16> -> vector<16xf32>
          %add3A_353 = arith.addf %add3A_337, %unpack3A_351 : vector<16xf32>
          %add3A_354 = arith.addf %add3A_338, %unpack3A_352 : vector<16xf32>
          %add3A_355 = arith.constant 5 : i32
          %add3A_356 = vector.broadcast %add3A_355 : i32 to vector<16xi32>
          %add3A_357 = arith.addi %add3A_279, %add3A_356 : vector<16xi32>
          %and3A_358 = arith.constant 7 : i32
          %and3A_359 = vector.broadcast %and3A_358 : i32 to vector<16xi32>
          %and3A_360 = arith.andi %add3A_357, %and3A_359 : vector<16xi32>
          %add3A_361 = arith.addi %add3A_277, %and3A_360 : vector<16xi32>
          %gather3A_362 = tpu.vector_load_idx %arg11[%add3A_260, %add3A_361] : memref<32x64xi32, #tpu.memory_space<vmem>>[vector<16xi32>, vector<16xi32>], vector<16xi32>,
          %gather3A_363 = tpu.vector_load_idx %arg12[%add3A_260, %add3A_361] : memref<32x64xi32, #tpu.memory_space<vmem>>[vector<16xi32>, vector<16xi32>], vector<16xi32>,
          %bitcast3A_364 = vector.bitcast %gather3A_362 : vector<16xi32> to vector<32xbf16>
          %bitcast3A_365 = vector.bitcast %gather3A_363 : vector<16xi32> to vector<32xbf16>
          %mul3A_366 = arith.mulf %bitcast3A_364, %bitcast3A_365 : vector<32xbf16>
          %unpack3A_367 = tpu.unpack_subelements %mul3A_366, 0 {pack_format = #tpu.pack_format<interleaved>} : vector<32xbf16> -> vector<16xf32>
          %unpack3A_368 = tpu.unpack_subelements %mul3A_366, 1 {pack_format = #tpu.pack_format<interleaved>} : vector<32xbf16> -> vector<16xf32>
          %add3A_369 = arith.addf %add3A_353, %unpack3A_367 : vector<16xf32>
          %add3A_370 = arith.addf %add3A_354, %unpack3A_368 : vector<16xf32>
          %add3A_371 = arith.constant 6 : i32
          %add3A_372 = vector.broadcast %add3A_371 : i32 to vector<16xi32>
          %add3A_373 = arith.addi %add3A_279, %add3A_372 : vector<16xi32>
          %and3A_374 = arith.constant 7 : i32
          %and3A_375 = vector.broadcast %and3A_374 : i32 to vector<16xi32>
          %and3A_376 = arith.andi %add3A_373, %and3A_375 : vector<16xi32>
          %add3A_377 = arith.addi %add3A_277, %and3A_376 : vector<16xi32>
          %gather3A_378 = tpu.vector_load_idx %arg11[%add3A_260, %add3A_377] : memref<32x64xi32, #tpu.memory_space<vmem>>[vector<16xi32>, vector<16xi32>], vector<16xi32>,
          %gather3A_379 = tpu.vector_load_idx %arg12[%add3A_260, %add3A_377] : memref<32x64xi32, #tpu.memory_space<vmem>>[vector<16xi32>, vector<16xi32>], vector<16xi32>,
          %bitcast3A_380 = vector.bitcast %gather3A_378 : vector<16xi32> to vector<32xbf16>
          %bitcast3A_381 = vector.bitcast %gather3A_379 : vector<16xi32> to vector<32xbf16>
          %mul3A_382 = arith.mulf %bitcast3A_380, %bitcast3A_381 : vector<32xbf16>
          %unpack3A_383 = tpu.unpack_subelements %mul3A_382, 0 {pack_format = #tpu.pack_format<interleaved>} : vector<32xbf16> -> vector<16xf32>
          %unpack3A_384 = tpu.unpack_subelements %mul3A_382, 1 {pack_format = #tpu.pack_format<interleaved>} : vector<32xbf16> -> vector<16xf32>
          %add3A_385 = arith.addf %add3A_369, %unpack3A_383 : vector<16xf32>
          %add3A_386 = arith.addf %add3A_370, %unpack3A_384 : vector<16xf32>
          %add3A_387 = arith.constant 7 : i32
          %add3A_388 = vector.broadcast %add3A_387 : i32 to vector<16xi32>
          %add3A_389 = arith.addi %add3A_279, %add3A_388 : vector<16xi32>
          %and3A_390 = arith.constant 7 : i32
          %and3A_391 = vector.broadcast %and3A_390 : i32 to vector<16xi32>
          %and3A_392 = arith.andi %add3A_389, %and3A_391 : vector<16xi32>
          %add3A_393 = arith.addi %add3A_277, %and3A_392 : vector<16xi32>
          %gather3A_394 = tpu.vector_load_idx %arg11[%add3A_260, %add3A_393] : memref<32x64xi32, #tpu.memory_space<vmem>>[vector<16xi32>, vector<16xi32>], vector<16xi32>,
          %gather3A_395 = tpu.vector_load_idx %arg12[%add3A_260, %add3A_393] : memref<32x64xi32, #tpu.memory_space<vmem>>[vector<16xi32>, vector<16xi32>], vector<16xi32>,
          %bitcast3A_396 = vector.bitcast %gather3A_394 : vector<16xi32> to vector<32xbf16>
          %bitcast3A_397 = vector.bitcast %gather3A_395 : vector<16xi32> to vector<32xbf16>
          %mul3A_398 = arith.mulf %bitcast3A_396, %bitcast3A_397 : vector<32xbf16>
          %unpack3A_399 = tpu.unpack_subelements %mul3A_398, 0 {pack_format = #tpu.pack_format<interleaved>} : vector<32xbf16> -> vector<16xf32>
          %unpack3A_400 = tpu.unpack_subelements %mul3A_398, 1 {pack_format = #tpu.pack_format<interleaved>} : vector<32xbf16> -> vector<16xf32>
          %add3A_401 = arith.addf %add3A_385, %unpack3A_399 : vector<16xf32>
          %add3A_402 = arith.addf %add3A_386, %unpack3A_400 : vector<16xf32>
          %add3A_403 = arith.addf %add3A_401, %add3A_402 : vector<16xf32>
          %mul3A_404 = arith.constant 2.500000e-01 : f32
          %mul3A_405 = vector.broadcast %mul3A_404 : f32 to vector<16xf32>
          %mul3A_406 = arith.mulf %add3A_403, %mul3A_405 : vector<16xf32>
          %exp3A = math.exp %mul3A_406 : vector<16xf32>
          %broadcast_in_dim3A_407 = arith.constant 0 : i32
          %broadcast_in_dim3A_408 = vector.broadcast %broadcast_in_dim3A_407 : i32 to vector<16xi32>
          %add3A_409 = arith.constant 128 : i32
          %add3A_410 = arith.addi %add3A_409, %scan3A_270 : i32
          %add3A_411 = vector.broadcast %add3A_410 : i32 to vector<16xi32>
          %add3A_412 = arith.addi %broadcast_in_dim3A_408, %add3A_411 : vector<16xi32>
          tpu.vector_store_idx %arg14[%add3A_260, %add3A_412], %exp3A : memref<32x136xf32, #tpu.memory_space<vmem>>[vector<16xi32>, vector<16xi32>], vector<16xf32>,
          %sub3A = arith.constant 0 : i32
          %sub3A_413 = vector.broadcast %sub3A : i32 to vector<16xi32>
          %sub3A_414 = arith.subi %add3A_279, %sub3A_413 : vector<16xi32>
          %and3A_415 = arith.constant 7 : i32
          %and3A_416 = vector.broadcast %and3A_415 : i32 to vector<16xi32>
          %and3A_417 = arith.andi %sub3A_414, %and3A_416 : vector<16xi32>
          %add3A_418 = arith.addi %add3A_277, %and3A_417 : vector<16xi32>
          %gather3A_419 = tpu.vector_load_idx %arg13[%add3A_260, %add3A_418] : memref<32x64xi32, #tpu.memory_space<vmem>>[vector<16xi32>, vector<16xi32>], vector<16xi32>,
          %bitcast3A_420 = vector.bitcast %gather3A_419 : vector<16xi32> to vector<32xbf16>
          %unpack3A_421 = tpu.unpack_subelements %bitcast3A_420, 0 {pack_format = #tpu.pack_format<interleaved>} : vector<32xbf16> -> vector<16xf32>
          %unpack3A_422 = tpu.unpack_subelements %bitcast3A_420, 1 {pack_format = #tpu.pack_format<interleaved>} : vector<32xbf16> -> vector<16xf32>
          %add3A_423 = arith.addi %add3A_418, %add3A_277 : vector<16xi32>
          %mul3A_424 = arith.mulf %exp3A, %unpack3A_421 : vector<16xf32>
          tpu.vector_store_idx %arg14[%add3A_260, %add3A_423], %mul3A_424 : memref<32x136xf32, #tpu.memory_space<vmem>>[vector<16xi32>, vector<16xi32>], vector<16xf32>,
          %add3A_425 = arith.constant 8 : i32
          %add3A_426 = vector.broadcast %add3A_425 : i32 to vector<16xi32>
          %add3A_427 = arith.addi %add3A_423, %add3A_426 : vector<16xi32>
          %mul3A_428 = arith.mulf %exp3A, %unpack3A_422 : vector<16xf32>
          tpu.vector_store_idx %arg14[%add3A_260, %add3A_427], %mul3A_428 : memref<32x136xf32, #tpu.memory_space<vmem>>[vector<16xi32>, vector<16xi32>], vector<16xf32>,
          %sub3A_429 = arith.constant 1 : i32
          %sub3A_430 = vector.broadcast %sub3A_429 : i32 to vector<16xi32>
          %sub3A_431 = arith.subi %add3A_279, %sub3A_430 : vector<16xi32>
          %and3A_432 = arith.constant 7 : i32
          %and3A_433 = vector.broadcast %and3A_432 : i32 to vector<16xi32>
          %and3A_434 = arith.andi %sub3A_431, %and3A_433 : vector<16xi32>
          %add3A_435 = arith.addi %add3A_277, %and3A_434 : vector<16xi32>
          %gather3A_436 = tpu.vector_load_idx %arg13[%add3A_260, %add3A_435] : memref<32x64xi32, #tpu.memory_space<vmem>>[vector<16xi32>, vector<16xi32>], vector<16xi32>,
          %bitcast3A_437 = vector.bitcast %gather3A_436 : vector<16xi32> to vector<32xbf16>
          %unpack3A_438 = tpu.unpack_subelements %bitcast3A_437, 0 {pack_format = #tpu.pack_format<interleaved>} : vector<32xbf16> -> vector<16xf32>
          %unpack3A_439 = tpu.unpack_subelements %bitcast3A_437, 1 {pack_format = #tpu.pack_format<interleaved>} : vector<32xbf16> -> vector<16xf32>
          %add3A_440 = arith.addi %add3A_435, %add3A_277 : vector<16xi32>
          %mul3A_441 = arith.mulf %exp3A, %unpack3A_438 : vector<16xf32>
          tpu.vector_store_idx %arg14[%add3A_260, %add3A_440], %mul3A_441 : memref<32x136xf32, #tpu.memory_space<vmem>>[vector<16xi32>, vector<16xi32>], vector<16xf32>,
          %add3A_442 = arith.constant 8 : i32
          %add3A_443 = vector.broadcast %add3A_442 : i32 to vector<16xi32>
          %add3A_444 = arith.addi %add3A_440, %add3A_443 : vector<16xi32>
          %mul3A_445 = arith.mulf %exp3A, %unpack3A_439 : vector<16xf32>
          tpu.vector_store_idx %arg14[%add3A_260, %add3A_444], %mul3A_445 : memref<32x136xf32, #tpu.memory_space<vmem>>[vector<16xi32>, vector<16xi32>], vector<16xf32>,
          %sub3A_446 = arith.constant 2 : i32
          %sub3A_447 = vector.broadcast %sub3A_446 : i32 to vector<16xi32>
          %sub3A_448 = arith.subi %add3A_279, %sub3A_447 : vector<16xi32>
          %and3A_449 = arith.constant 7 : i32
          %and3A_450 = vector.broadcast %and3A_449 : i32 to vector<16xi32>
          %and3A_451 = arith.andi %sub3A_448, %and3A_450 : vector<16xi32>
          %add3A_452 = arith.addi %add3A_277, %and3A_451 : vector<16xi32>
          %gather3A_453 = tpu.vector_load_idx %arg13[%add3A_260, %add3A_452] : memref<32x64xi32, #tpu.memory_space<vmem>>[vector<16xi32>, vector<16xi32>], vector<16xi32>,
          %bitcast3A_454 = vector.bitcast %gather3A_453 : vector<16xi32> to vector<32xbf16>
          %unpack3A_455 = tpu.unpack_subelements %bitcast3A_454, 0 {pack_format = #tpu.pack_format<interleaved>} : vector<32xbf16> -> vector<16xf32>
          %unpack3A_456 = tpu.unpack_subelements %bitcast3A_454, 1 {pack_format = #tpu.pack_format<interleaved>} : vector<32xbf16> -> vector<16xf32>
          %add3A_457 = arith.addi %add3A_452, %add3A_277 : vector<16xi32>
          %mul3A_458 = arith.mulf %exp3A, %unpack3A_455 : vector<16xf32>
          tpu.vector_store_idx %arg14[%add3A_260, %add3A_457], %mul3A_458 : memref<32x136xf32, #tpu.memory_space<vmem>>[vector<16xi32>, vector<16xi32>], vector<16xf32>,
          %add3A_459 = arith.constant 8 : i32
          %add3A_460 = vector.broadcast %add3A_459 : i32 to vector<16xi32>
          %add3A_461 = arith.addi %add3A_457, %add3A_460 : vector<16xi32>
          %mul3A_462 = arith.mulf %exp3A, %unpack3A_456 : vector<16xf32>
          tpu.vector_store_idx %arg14[%add3A_260, %add3A_461], %mul3A_462 : memref<32x136xf32, #tpu.memory_space<vmem>>[vector<16xi32>, vector<16xi32>], vector<16xf32>,
          %sub3A_463 = arith.constant 3 : i32
          %sub3A_464 = vector.broadcast %sub3A_463 : i32 to vector<16xi32>
          %sub3A_465 = arith.subi %add3A_279, %sub3A_464 : vector<16xi32>
          %and3A_466 = arith.constant 7 : i32
          %and3A_467 = vector.broadcast %and3A_466 : i32 to vector<16xi32>
          %and3A_468 = arith.andi %sub3A_465, %and3A_467 : vector<16xi32>
          %add3A_469 = arith.addi %add3A_277, %and3A_468 : vector<16xi32>
          %gather3A_470 = tpu.vector_load_idx %arg13[%add3A_260, %add3A_469] : memref<32x64xi32, #tpu.memory_space<vmem>>[vector<16xi32>, vector<16xi32>], vector<16xi32>,
          %bitcast3A_471 = vector.bitcast %gather3A_470 : vector<16xi32> to vector<32xbf16>
          %unpack3A_472 = tpu.unpack_subelements %bitcast3A_471, 0 {pack_format = #tpu.pack_format<interleaved>} : vector<32xbf16> -> vector<16xf32>
          %unpack3A_473 = tpu.unpack_subelements %bitcast3A_471, 1 {pack_format = #tpu.pack_format<interleaved>} : vector<32xbf16> -> vector<16xf32>
          %add3A_474 = arith.addi %add3A_469, %add3A_277 : vector<16xi32>
          %mul3A_475 = arith.mulf %exp3A, %unpack3A_472 : vector<16xf32>
          tpu.vector_store_idx %arg14[%add3A_260, %add3A_474], %mul3A_475 : memref<32x136xf32, #tpu.memory_space<vmem>>[vector<16xi32>, vector<16xi32>], vector<16xf32>,
          %add3A_476 = arith.constant 8 : i32
          %add3A_477 = vector.broadcast %add3A_476 : i32 to vector<16xi32>
          %add3A_478 = arith.addi %add3A_474, %add3A_477 : vector<16xi32>
          %mul3A_479 = arith.mulf %exp3A, %unpack3A_473 : vector<16xf32>
          tpu.vector_store_idx %arg14[%add3A_260, %add3A_478], %mul3A_479 : memref<32x136xf32, #tpu.memory_space<vmem>>[vector<16xi32>, vector<16xi32>], vector<16xf32>,
          %sub3A_480 = arith.constant 4 : i32
          %sub3A_481 = vector.broadcast %sub3A_480 : i32 to vector<16xi32>
          %sub3A_482 = arith.subi %add3A_279, %sub3A_481 : vector<16xi32>
          %and3A_483 = arith.constant 7 : i32
          %and3A_484 = vector.broadcast %and3A_483 : i32 to vector<16xi32>
          %and3A_485 = arith.andi %sub3A_482, %and3A_484 : vector<16xi32>
          %add3A_486 = arith.addi %add3A_277, %and3A_485 : vector<16xi32>
          %gather3A_487 = tpu.vector_load_idx %arg13[%add3A_260, %add3A_486] : memref<32x64xi32, #tpu.memory_space<vmem>>[vector<16xi32>, vector<16xi32>], vector<16xi32>,
          %bitcast3A_488 = vector.bitcast %gather3A_487 : vector<16xi32> to vector<32xbf16>
          %unpack3A_489 = tpu.unpack_subelements %bitcast3A_488, 0 {pack_format = #tpu.pack_format<interleaved>} : vector<32xbf16> -> vector<16xf32>
          %unpack3A_490 = tpu.unpack_subelements %bitcast3A_488, 1 {pack_format = #tpu.pack_format<interleaved>} : vector<32xbf16> -> vector<16xf32>
          %add3A_491 = arith.addi %add3A_486, %add3A_277 : vector<16xi32>
          %mul3A_492 = arith.mulf %exp3A, %unpack3A_489 : vector<16xf32>
          tpu.vector_store_idx %arg14[%add3A_260, %add3A_491], %mul3A_492 : memref<32x136xf32, #tpu.memory_space<vmem>>[vector<16xi32>, vector<16xi32>], vector<16xf32>,
          %add3A_493 = arith.constant 8 : i32
          %add3A_494 = vector.broadcast %add3A_493 : i32 to vector<16xi32>
          %add3A_495 = arith.addi %add3A_491, %add3A_494 : vector<16xi32>
          %mul3A_496 = arith.mulf %exp3A, %unpack3A_490 : vector<16xf32>
          tpu.vector_store_idx %arg14[%add3A_260, %add3A_495], %mul3A_496 : memref<32x136xf32, #tpu.memory_space<vmem>>[vector<16xi32>, vector<16xi32>], vector<16xf32>,
          %sub3A_497 = arith.constant 5 : i32
          %sub3A_498 = vector.broadcast %sub3A_497 : i32 to vector<16xi32>
          %sub3A_499 = arith.subi %add3A_279, %sub3A_498 : vector<16xi32>
          %and3A_500 = arith.constant 7 : i32
          %and3A_501 = vector.broadcast %and3A_500 : i32 to vector<16xi32>
          %and3A_502 = arith.andi %sub3A_499, %and3A_501 : vector<16xi32>
          %add3A_503 = arith.addi %add3A_277, %and3A_502 : vector<16xi32>
          %gather3A_504 = tpu.vector_load_idx %arg13[%add3A_260, %add3A_503] : memref<32x64xi32, #tpu.memory_space<vmem>>[vector<16xi32>, vector<16xi32>], vector<16xi32>,
          %bitcast3A_505 = vector.bitcast %gather3A_504 : vector<16xi32> to vector<32xbf16>
          %unpack3A_506 = tpu.unpack_subelements %bitcast3A_505, 0 {pack_format = #tpu.pack_format<interleaved>} : vector<32xbf16> -> vector<16xf32>
          %unpack3A_507 = tpu.unpack_subelements %bitcast3A_505, 1 {pack_format = #tpu.pack_format<interleaved>} : vector<32xbf16> -> vector<16xf32>
          %add3A_508 = arith.addi %add3A_503, %add3A_277 : vector<16xi32>
          %mul3A_509 = arith.mulf %exp3A, %unpack3A_506 : vector<16xf32>
          tpu.vector_store_idx %arg14[%add3A_260, %add3A_508], %mul3A_509 : memref<32x136xf32, #tpu.memory_space<vmem>>[vector<16xi32>, vector<16xi32>], vector<16xf32>,
          %add3A_510 = arith.constant 8 : i32
          %add3A_511 = vector.broadcast %add3A_510 : i32 to vector<16xi32>
          %add3A_512 = arith.addi %add3A_508, %add3A_511 : vector<16xi32>
          %mul3A_513 = arith.mulf %exp3A, %unpack3A_507 : vector<16xf32>
          tpu.vector_store_idx %arg14[%add3A_260, %add3A_512], %mul3A_513 : memref<32x136xf32, #tpu.memory_space<vmem>>[vector<16xi32>, vector<16xi32>], vector<16xf32>,
          %sub3A_514 = arith.constant 6 : i32
          %sub3A_515 = vector.broadcast %sub3A_514 : i32 to vector<16xi32>
          %sub3A_516 = arith.subi %add3A_279, %sub3A_515 : vector<16xi32>
          %and3A_517 = arith.constant 7 : i32
          %and3A_518 = vector.broadcast %and3A_517 : i32 to vector<16xi32>
          %and3A_519 = arith.andi %sub3A_516, %and3A_518 : vector<16xi32>
          %add3A_520 = arith.addi %add3A_277, %and3A_519 : vector<16xi32>
          %gather3A_521 = tpu.vector_load_idx %arg13[%add3A_260, %add3A_520] : memref<32x64xi32, #tpu.memory_space<vmem>>[vector<16xi32>, vector<16xi32>], vector<16xi32>,
          %bitcast3A_522 = vector.bitcast %gather3A_521 : vector<16xi32> to vector<32xbf16>
          %unpack3A_523 = tpu.unpack_subelements %bitcast3A_522, 0 {pack_format = #tpu.pack_format<interleaved>} : vector<32xbf16> -> vector<16xf32>
          %unpack3A_524 = tpu.unpack_subelements %bitcast3A_522, 1 {pack_format = #tpu.pack_format<interleaved>} : vector<32xbf16> -> vector<16xf32>
          %add3A_525 = arith.addi %add3A_520, %add3A_277 : vector<16xi32>
          %mul3A_526 = arith.mulf %exp3A, %unpack3A_523 : vector<16xf32>
          tpu.vector_store_idx %arg14[%add3A_260, %add3A_525], %mul3A_526 : memref<32x136xf32, #tpu.memory_space<vmem>>[vector<16xi32>, vector<16xi32>], vector<16xf32>,
          %add3A_527 = arith.constant 8 : i32
          %add3A_528 = vector.broadcast %add3A_527 : i32 to vector<16xi32>
          %add3A_529 = arith.addi %add3A_525, %add3A_528 : vector<16xi32>
          %mul3A_530 = arith.mulf %exp3A, %unpack3A_524 : vector<16xf32>
          tpu.vector_store_idx %arg14[%add3A_260, %add3A_529], %mul3A_530 : memref<32x136xf32, #tpu.memory_space<vmem>>[vector<16xi32>, vector<16xi32>], vector<16xf32>,
          %sub3A_531 = arith.constant 7 : i32
          %sub3A_532 = vector.broadcast %sub3A_531 : i32 to vector<16xi32>
          %sub3A_533 = arith.subi %add3A_279, %sub3A_532 : vector<16xi32>
          %and3A_534 = arith.constant 7 : i32
          %and3A_535 = vector.broadcast %and3A_534 : i32 to vector<16xi32>
          %and3A_536 = arith.andi %sub3A_533, %and3A_535 : vector<16xi32>
          %add3A_537 = arith.addi %add3A_277, %and3A_536 : vector<16xi32>
          %gather3A_538 = tpu.vector_load_idx %arg13[%add3A_260, %add3A_537] : memref<32x64xi32, #tpu.memory_space<vmem>>[vector<16xi32>, vector<16xi32>], vector<16xi32>,
          %bitcast3A_539 = vector.bitcast %gather3A_538 : vector<16xi32> to vector<32xbf16>
          %unpack3A_540 = tpu.unpack_subelements %bitcast3A_539, 0 {pack_format = #tpu.pack_format<interleaved>} : vector<32xbf16> -> vector<16xf32>
          %unpack3A_541 = tpu.unpack_subelements %bitcast3A_539, 1 {pack_format = #tpu.pack_format<interleaved>} : vector<32xbf16> -> vector<16xf32>
          %add3A_542 = arith.addi %add3A_537, %add3A_277 : vector<16xi32>
          %mul3A_543 = arith.mulf %exp3A, %unpack3A_540 : vector<16xf32>
          tpu.vector_store_idx %arg14[%add3A_260, %add3A_542], %mul3A_543 : memref<32x136xf32, #tpu.memory_space<vmem>>[vector<16xi32>, vector<16xi32>], vector<16xf32>,
          %add3A_544 = arith.constant 8 : i32
          %add3A_545 = vector.broadcast %add3A_544 : i32 to vector<16xi32>
          %add3A_546 = arith.addi %add3A_542, %add3A_545 : vector<16xi32>
          %mul3A_547 = arith.mulf %exp3A, %unpack3A_541 : vector<16xf32>
          tpu.vector_store_idx %arg14[%add3A_260, %add3A_546], %mul3A_547 : memref<32x136xf32, #tpu.memory_space<vmem>>[vector<16xi32>, vector<16xi32>], vector<16xf32>,
          %scan3A_548 = arith.constant 0 : i32
          scf.yield %scan3A_548 : i32
        }
        %scan3A_268 = arith.constant 8 : i32
        %scan3A_269 = arith.constant 0 : i32
        scf.yield %scan3A_269 : i32
      }
      %scan3A_169 = arith.constant 2 : i32
      %get3A_170 = arith.constant 0 : index
      %get3A_171 = tpu.vector_load %arg9[%get3A_170] {strides = array<i32>} : memref<32xi32, #tpu.memory_space<vmem>>, vector<16xi32>,
      %swap3A_172 = arith.constant 0 : index
      %swap3A_173 = tpu.vector_load %arg10[%swap3A_172] {strides = array<i32>} : memref<32xi32, #tpu.memory_space<vmem>>, vector<16xi32>,
      tpu.vector_store %arg10[%swap3A_172], %get3A_171 {strides = array<i32>} : memref<32xi32, #tpu.memory_space<vmem>>, vector<16xi32>,
      %get3A_174 = arith.constant 16 : index
      %get3A_175 = tpu.vector_load %arg9[%get3A_174] {strides = array<i32>} : memref<32xi32, #tpu.memory_space<vmem>>, vector<16xi32>,
      %swap3A_176 = arith.constant 16 : index
      %swap3A_177 = tpu.vector_load %arg10[%swap3A_176] {strides = array<i32>} : memref<32xi32, #tpu.memory_space<vmem>>, vector<16xi32>,
      tpu.vector_store %arg10[%swap3A_176], %get3A_175 {strides = array<i32>} : memref<32xi32, #tpu.memory_space<vmem>>, vector<16xi32>,
      %dma_start3A_178 = arith.constant 0 : i32
      %dma_start3A_179 = arith.constant 0 : i32
      %dma_start3A_180 = tpu.memref_slice %arg22[%dma_start3A_178, %dma_start3A_179] : memref<10240x136xf32, #tpu.memory_space<vmem_shared>> -> memref<10240x136xf32, #tpu.memory_space<vmem_shared>>
      tpu.enqueue_indirect_dma source(%arg14 : memref<32x136xf32, #tpu.memory_space<vmem>>) target(%dma_start3A_180 : memref<10240x136xf32, #tpu.memory_space<vmem_shared>>) offsets(%arg10 : memref<32xi32, #tpu.memory_space<vmem>>) semaphore(%arg26 : memref<!tpu.dma_semaphore, #tpu.memory_space<semaphore_mem>>) {add = true}
      %add3A_181 = arith.constant 2 : i32
      %add3A_182 = arith.addi %mul3A_107, %add3A_181 : i32
      %mul3A_183 = arith.constant 32 : i32
      %mul3A_184 = arith.muli %add3A_182, %mul3A_183 : i32
      %add3A_185 = arith.constant 0 : i32
      %add3A_186 = arith.addi %mul3A_184, %add3A_185 : i32
      %get3A_187 = arith.index_cast %add3A_186 : i32 to index
      %get3A_188 = tpu.vector_load %arg7[%get3A_187] {strides = array<i32>} : memref<10304xi32, #tpu.memory_space<vmem>>, vector<16xi32>,
      %and3A_189 = arith.constant 65535 : i32
      %and3A_190 = vector.broadcast %and3A_189 : i32 to vector<16xi32>
      %and3A_191 = arith.andi %get3A_188, %and3A_190 : vector<16xi32>
      %swap3A_192 = arith.constant 0 : index
      %swap3A_193 = tpu.vector_load %arg8[%swap3A_192] {strides = array<i32>} : memref<32xi32, #tpu.memory_space<vmem>>, vector<16xi32>,
      tpu.vector_store %arg8[%swap3A_192], %and3A_191 {strides = array<i32>} : memref<32xi32, #tpu.memory_space<vmem>>, vector<16xi32>,
      %shift_right_logical3A_194 = arith.constant 16 : i32
      %shift_right_logical3A_195 = vector.broadcast %shift_right_logical3A_194 : i32 to vector<16xi32>
      %shift_right_logical3A_196 = arith.shrui %get3A_188, %shift_right_logical3A_195 : vector<16xi32>
      %swap3A_197 = arith.constant 0 : index
      %swap3A_198 = tpu.vector_load %arg9[%swap3A_197] {strides = array<i32>} : memref<32xi32, #tpu.memory_space<vmem>>, vector<16xi32>,
      tpu.vector_store %arg9[%swap3A_197], %shift_right_logical3A_196 {strides = array<i32>} : memref<32xi32, #tpu.memory_space<vmem>>, vector<16xi32>,
      %mul3A_199 = arith.constant 32 : i32
      %mul3A_200 = arith.muli %add3A_182, %mul3A_199 : i32
      %add3A_201 = arith.constant 16 : i32
      %add3A_202 = arith.addi %mul3A_200, %add3A_201 : i32
      %get3A_203 = arith.index_cast %add3A_202 : i32 to index
      %get3A_204 = tpu.vector_load %arg7[%get3A_203] {strides = array<i32>} : memref<10304xi32, #tpu.memory_space<vmem>>, vector<16xi32>,
      %and3A_205 = arith.constant 65535 : i32
      %and3A_206 = vector.broadcast %and3A_205 : i32 to vector<16xi32>
      %and3A_207 = arith.andi %get3A_204, %and3A_206 : vector<16xi32>
      %swap3A_208 = arith.constant 16 : index
      %swap3A_209 = tpu.vector_load %arg8[%swap3A_208] {strides = array<i32>} : memref<32xi32, #tpu.memory_space<vmem>>, vector<16xi32>,
      tpu.vector_store %arg8[%swap3A_208], %and3A_207 {strides = array<i32>} : memref<32xi32, #tpu.memory_space<vmem>>, vector<16xi32>,
      %shift_right_logical3A_210 = arith.constant 16 : i32
      %shift_right_logical3A_211 = vector.broadcast %shift_right_logical3A_210 : i32 to vector<16xi32>
      %shift_right_logical3A_212 = arith.shrui %get3A_204, %shift_right_logical3A_211 : vector<16xi32>
      %swap3A_213 = arith.constant 16 : index
      %swap3A_214 = tpu.vector_load %arg9[%swap3A_213] {strides = array<i32>} : memref<32xi32, #tpu.memory_space<vmem>>, vector<16xi32>,
      tpu.vector_store %arg9[%swap3A_213], %shift_right_logical3A_212 {strides = array<i32>} : memref<32xi32, #tpu.memory_space<vmem>>, vector<16xi32>,
      %dma_start3A_215 = arith.constant 0 : i32
      %dma_start3A_216 = arith.constant 0 : i32
      %dma_start3A_217 = tpu.memref_slice %arg2[%dma_start3A_215, %dma_start3A_216] : memref<10240x64xi32, #tpu.memory_space<hbm>> -> memref<10240x64xi32, #tpu.memory_space<hbm>>
      tpu.enqueue_indirect_dma source(%dma_start3A_217 : memref<10240x64xi32, #tpu.memory_space<hbm>>) target(%arg11 : memref<32x64xi32, #tpu.memory_space<vmem>>) offsets(%arg9 : memref<32xi32, #tpu.memory_space<vmem>>) semaphore(%arg23 : memref<!tpu.dma_semaphore, #tpu.memory_space<semaphore_mem>>)
      %dma_start3A_218 = arith.constant 0 : i32
      %dma_start3A_219 = arith.constant 0 : i32
      %dma_start3A_220 = tpu.memref_slice %arg3[%dma_start3A_218, %dma_start3A_219] : memref<10240x64xi32, #tpu.memory_space<hbm>> -> memref<10240x64xi32, #tpu.memory_space<hbm>>
      tpu.enqueue_indirect_dma source(%dma_start3A_220 : memref<10240x64xi32, #tpu.memory_space<hbm>>) target(%arg12 : memref<32x64xi32, #tpu.memory_space<vmem>>) offsets(%arg8 : memref<32xi32, #tpu.memory_space<vmem>>) semaphore(%arg24 : memref<!tpu.dma_semaphore, #tpu.memory_space<semaphore_mem>>)
      %dma_start3A_221 = arith.constant 0 : i32
      %dma_start3A_222 = arith.constant 0 : i32
      %dma_start3A_223 = tpu.memref_slice %arg4[%dma_start3A_221, %dma_start3A_222] : memref<10240x64xi32, #tpu.memory_space<hbm>> -> memref<10240x64xi32, #tpu.memory_space<hbm>>
      tpu.enqueue_indirect_dma source(%dma_start3A_223 : memref<10240x64xi32, #tpu.memory_space<hbm>>) target(%arg13 : memref<32x64xi32, #tpu.memory_space<vmem>>) offsets(%arg8 : memref<32xi32, #tpu.memory_space<vmem>>) semaphore(%arg25 : memref<!tpu.dma_semaphore, #tpu.memory_space<semaphore_mem>>)
      %dma_wait3A_224 = arith.constant 0 : i32
      %dma_wait3A_225 = arith.constant 0 : i32
      %dma_wait3A_226 = tpu.memref_slice %arg2[%dma_wait3A_224, %dma_wait3A_225] : memref<10240x64xi32, #tpu.memory_space<hbm>> -> memref<10240x64xi32, #tpu.memory_space<hbm>>
      tpu.wait_indirect_dma semaphore(%arg27 : memref<!tpu.dma_semaphore, #tpu.memory_space<semaphore_mem>>) src(%dma_wait3A_226 : memref<10240x64xi32, #tpu.memory_space<hbm>>) dst(%arg18 : memref<32x64xi32, #tpu.memory_space<vmem>>)
      %dma_wait3A_227 = arith.constant 0 : i32
      %dma_wait3A_228 = arith.constant 0 : i32
      %dma_wait3A_229 = tpu.memref_slice %arg3[%dma_wait3A_227, %dma_wait3A_228] : memref<10240x64xi32, #tpu.memory_space<hbm>> -> memref<10240x64xi32, #tpu.memory_space<hbm>>
      tpu.wait_indirect_dma semaphore(%arg28 : memref<!tpu.dma_semaphore, #tpu.memory_space<semaphore_mem>>) src(%dma_wait3A_229 : memref<10240x64xi32, #tpu.memory_space<hbm>>) dst(%arg19 : memref<32x64xi32, #tpu.memory_space<vmem>>)
      %dma_wait3A_230 = arith.constant 0 : i32
      %dma_wait3A_231 = arith.constant 0 : i32
      %dma_wait3A_232 = tpu.memref_slice %arg4[%dma_wait3A_230, %dma_wait3A_231] : memref<10240x64xi32, #tpu.memory_space<hbm>> -> memref<10240x64xi32, #tpu.memory_space<hbm>>
      tpu.wait_indirect_dma semaphore(%arg29 : memref<!tpu.dma_semaphore, #tpu.memory_space<semaphore_mem>>) src(%dma_wait3A_232 : memref<10240x64xi32, #tpu.memory_space<hbm>>) dst(%arg20 : memref<32x64xi32, #tpu.memory_space<vmem>>)
      %dma_wait3A_233 = arith.constant 0 : i32
      %dma_wait3A_234 = arith.constant 0 : i32
      %dma_wait3A_235 = tpu.memref_slice %arg22[%dma_wait3A_233, %dma_wait3A_234] : memref<10240x136xf32, #tpu.memory_space<vmem_shared>> -> memref<10240x136xf32, #tpu.memory_space<vmem_shared>>
      tpu.wait_indirect_dma semaphore(%arg30 : memref<!tpu.dma_semaphore, #tpu.memory_space<semaphore_mem>>) src(%arg21 : memref<32x136xf32, #tpu.memory_space<vmem>>) dst(%dma_wait3A_235 : memref<10240x136xf32, #tpu.memory_space<vmem_shared>>)
      %scan3A_236 = arith.constant 0 : i32
      %scan3A_237 = arith.constant 0 : i32
      %scan3A_238 = arith.constant 2 : i32
      %scan3A_239 = arith.addi %scan3A_237, %scan3A_238 : i32
      %scan3A_240 = arith.constant 1 : i32
      %scan3A_241 = scf.for %scan3A_255 = %scan3A_237 to %scan3A_239 step %scan3A_240 iter_args(%scan3A_256 = %scan3A_236) -> (i32)  : i32 {
        %iota3A = tpu.iota {dimensions = array<i32: 0>} : vector<16xi32>
        %mul3A_257 = arith.constant 16 : i32
        %mul3A_258 = arith.muli %scan3A_255, %mul3A_257 : i32
        %add3A_259 = vector.broadcast %mul3A_258 : i32 to vector<16xi32>
        %add3A_260 = arith.addi %iota3A, %add3A_259 : vector<16xi32>
        %iota3A_261 = tpu.iota {dimensions = array<i32: 0>} : vector<16xi32>
        %scan3A_262 = arith.constant 0 : i32
        %scan3A_263 = arith.constant 0 : i32
        %scan3A_264 = arith.constant 8 : i32
        %scan3A_265 = arith.addi %scan3A_263, %scan3A_264 : i32
        %scan3A_266 = arith.constant 1 : i32
        %scan3A_267 = scf.for %scan3A_270 = %scan3A_263 to %scan3A_265 step %scan3A_266 iter_args(%scan3A_271 = %scan3A_262) -> (i32)  : i32 {
          %broadcast_in_dim3A_272 = arith.constant 0 : i32
          %broadcast_in_dim3A_273 = vector.broadcast %broadcast_in_dim3A_272 : i32 to vector<16xi32>
          %mul3A_274 = arith.constant 8 : i32
          %mul3A_275 = arith.muli %scan3A_270, %mul3A_274 : i32
          %add3A_276 = vector.broadcast %mul3A_275 : i32 to vector<16xi32>
          %add3A_277 = arith.addi %broadcast_in_dim3A_273, %add3A_276 : vector<16xi32>
          %add3A_278 = vector.broadcast %scan3A_270 : i32 to vector<16xi32>
          %add3A_279 = arith.addi %iota3A_261, %add3A_278 : vector<16xi32>
          %add3A_280 = arith.constant 0 : i32
          %add3A_281 = vector.broadcast %add3A_280 : i32 to vector<16xi32>
          %add3A_282 = arith.addi %add3A_279, %add3A_281 : vector<16xi32>
          %and3A_283 = arith.constant 7 : i32
          %and3A_284 = vector.broadcast %and3A_283 : i32 to vector<16xi32>
          %and3A_285 = arith.andi %add3A_282, %and3A_284 : vector<16xi32>
          %add3A_286 = arith.addi %add3A_277, %and3A_285 : vector<16xi32>
          %gather3A = tpu.vector_load_idx %arg18[%add3A_260, %add3A_286] : memref<32x64xi32, #tpu.memory_space<vmem>>[vector<16xi32>, vector<16xi32>], vector<16xi32>,
          %gather3A_287 = tpu.vector_load_idx %arg19[%add3A_260, %add3A_286] : memref<32x64xi32, #tpu.memory_space<vmem>>[vector<16xi32>, vector<16xi32>], vector<16xi32>,
          %bitcast3A = vector.bitcast %gather3A : vector<16xi32> to vector<32xbf16>
          %bitcast3A_288 = vector.bitcast %gather3A_287 : vector<16xi32> to vector<32xbf16>
          %mul3A_289 = arith.mulf %bitcast3A, %bitcast3A_288 : vector<32xbf16>
          %unpack3A = tpu.unpack_subelements %mul3A_289, 0 {pack_format = #tpu.pack_format<interleaved>} : vector<32xbf16> -> vector<16xf32>
          %unpack3A_290 = tpu.unpack_subelements %mul3A_289, 1 {pack_format = #tpu.pack_format<interleaved>} : vector<32xbf16> -> vector<16xf32>
          %add3A_291 = arith.constant 1 : i32
          %add3A_292 = vector.broadcast %add3A_291 : i32 to vector<16xi32>
          %add3A_293 = arith.addi %add3A_279, %add3A_292 : vector<16xi32>
          %and3A_294 = arith.constant 7 : i32
          %and3A_295 = vector.broadcast %and3A_294 : i32 to vector<16xi32>
          %and3A_296 = arith.andi %add3A_293, %and3A_295 : vector<16xi32>
          %add3A_297 = arith.addi %add3A_277, %and3A_296 : vector<16xi32>
          %gather3A_298 = tpu.vector_load_idx %arg18[%add3A_260, %add3A_297] : memref<32x64xi32, #tpu.memory_space<vmem>>[vector<16xi32>, vector<16xi32>], vector<16xi32>,
          %gather3A_299 = tpu.vector_load_idx %arg19[%add3A_260, %add3A_297] : memref<32x64xi32, #tpu.memory_space<vmem>>[vector<16xi32>, vector<16xi32>], vector<16xi32>,
          %bitcast3A_300 = vector.bitcast %gather3A_298 : vector<16xi32> to vector<32xbf16>
          %bitcast3A_301 = vector.bitcast %gather3A_299 : vector<16xi32> to vector<32xbf16>
          %mul3A_302 = arith.mulf %bitcast3A_300, %bitcast3A_301 : vector<32xbf16>
          %unpack3A_303 = tpu.unpack_subelements %mul3A_302, 0 {pack_format = #tpu.pack_format<interleaved>} : vector<32xbf16> -> vector<16xf32>
          %unpack3A_304 = tpu.unpack_subelements %mul3A_302, 1 {pack_format = #tpu.pack_format<interleaved>} : vector<32xbf16> -> vector<16xf32>
          %add3A_305 = arith.addf %unpack3A, %unpack3A_303 : vector<16xf32>
          %add3A_306 = arith.addf %unpack3A_290, %unpack3A_304 : vector<16xf32>
          %add3A_307 = arith.constant 2 : i32
          %add3A_308 = vector.broadcast %add3A_307 : i32 to vector<16xi32>
          %add3A_309 = arith.addi %add3A_279, %add3A_308 : vector<16xi32>
          %and3A_310 = arith.constant 7 : i32
          %and3A_311 = vector.broadcast %and3A_310 : i32 to vector<16xi32>
          %and3A_312 = arith.andi %add3A_309, %and3A_311 : vector<16xi32>
          %add3A_313 = arith.addi %add3A_277, %and3A_312 : vector<16xi32>
          %gather3A_314 = tpu.vector_load_idx %arg18[%add3A_260, %add3A_313] : memref<32x64xi32, #tpu.memory_space<vmem>>[vector<16xi32>, vector<16xi32>], vector<16xi32>,
          %gather3A_315 = tpu.vector_load_idx %arg19[%add3A_260, %add3A_313] : memref<32x64xi32, #tpu.memory_space<vmem>>[vector<16xi32>, vector<16xi32>], vector<16xi32>,
          %bitcast3A_316 = vector.bitcast %gather3A_314 : vector<16xi32> to vector<32xbf16>
          %bitcast3A_317 = vector.bitcast %gather3A_315 : vector<16xi32> to vector<32xbf16>
          %mul3A_318 = arith.mulf %bitcast3A_316, %bitcast3A_317 : vector<32xbf16>
          %unpack3A_319 = tpu.unpack_subelements %mul3A_318, 0 {pack_format = #tpu.pack_format<interleaved>} : vector<32xbf16> -> vector<16xf32>
          %unpack3A_320 = tpu.unpack_subelements %mul3A_318, 1 {pack_format = #tpu.pack_format<interleaved>} : vector<32xbf16> -> vector<16xf32>
          %add3A_321 = arith.addf %add3A_305, %unpack3A_319 : vector<16xf32>
          %add3A_322 = arith.addf %add3A_306, %unpack3A_320 : vector<16xf32>
          %add3A_323 = arith.constant 3 : i32
          %add3A_324 = vector.broadcast %add3A_323 : i32 to vector<16xi32>
          %add3A_325 = arith.addi %add3A_279, %add3A_324 : vector<16xi32>
          %and3A_326 = arith.constant 7 : i32
          %and3A_327 = vector.broadcast %and3A_326 : i32 to vector<16xi32>
          %and3A_328 = arith.andi %add3A_325, %and3A_327 : vector<16xi32>
          %add3A_329 = arith.addi %add3A_277, %and3A_328 : vector<16xi32>
          %gather3A_330 = tpu.vector_load_idx %arg18[%add3A_260, %add3A_329] : memref<32x64xi32, #tpu.memory_space<vmem>>[vector<16xi32>, vector<16xi32>], vector<16xi32>,
          %gather3A_331 = tpu.vector_load_idx %arg19[%add3A_260, %add3A_329] : memref<32x64xi32, #tpu.memory_space<vmem>>[vector<16xi32>, vector<16xi32>], vector<16xi32>,
          %bitcast3A_332 = vector.bitcast %gather3A_330 : vector<16xi32> to vector<32xbf16>
          %bitcast3A_333 = vector.bitcast %gather3A_331 : vector<16xi32> to vector<32xbf16>
          %mul3A_334 = arith.mulf %bitcast3A_332, %bitcast3A_333 : vector<32xbf16>
          %unpack3A_335 = tpu.unpack_subelements %mul3A_334, 0 {pack_format = #tpu.pack_format<interleaved>} : vector<32xbf16> -> vector<16xf32>
          %unpack3A_336 = tpu.unpack_subelements %mul3A_334, 1 {pack_format = #tpu.pack_format<interleaved>} : vector<32xbf16> -> vector<16xf32>
          %add3A_337 = arith.addf %add3A_321, %unpack3A_335 : vector<16xf32>
          %add3A_338 = arith.addf %add3A_322, %unpack3A_336 : vector<16xf32>
          %add3A_339 = arith.constant 4 : i32
          %add3A_340 = vector.broadcast %add3A_339 : i32 to vector<16xi32>
          %add3A_341 = arith.addi %add3A_279, %add3A_340 : vector<16xi32>
          %and3A_342 = arith.constant 7 : i32
          %and3A_343 = vector.broadcast %and3A_342 : i32 to vector<16xi32>
          %and3A_344 = arith.andi %add3A_341, %and3A_343 : vector<16xi32>
          %add3A_345 = arith.addi %add3A_277, %and3A_344 : vector<16xi32>
          %gather3A_346 = tpu.vector_load_idx %arg18[%add3A_260, %add3A_345] : memref<32x64xi32, #tpu.memory_space<vmem>>[vector<16xi32>, vector<16xi32>], vector<16xi32>,
          %gather3A_347 = tpu.vector_load_idx %arg19[%add3A_260, %add3A_345] : memref<32x64xi32, #tpu.memory_space<vmem>>[vector<16xi32>, vector<16xi32>], vector<16xi32>,
          %bitcast3A_348 = vector.bitcast %gather3A_346 : vector<16xi32> to vector<32xbf16>
          %bitcast3A_349 = vector.bitcast %gather3A_347 : vector<16xi32> to vector<32xbf16>
          %mul3A_350 = arith.mulf %bitcast3A_348, %bitcast3A_349 : vector<32xbf16>
          %unpack3A_351 = tpu.unpack_subelements %mul3A_350, 0 {pack_format = #tpu.pack_format<interleaved>} : vector<32xbf16> -> vector<16xf32>
          %unpack3A_352 = tpu.unpack_subelements %mul3A_350, 1 {pack_format = #tpu.pack_format<interleaved>} : vector<32xbf16> -> vector<16xf32>
          %add3A_353 = arith.addf %add3A_337, %unpack3A_351 : vector<16xf32>
          %add3A_354 = arith.addf %add3A_338, %unpack3A_352 : vector<16xf32>
          %add3A_355 = arith.constant 5 : i32
          %add3A_356 = vector.broadcast %add3A_355 : i32 to vector<16xi32>
          %add3A_357 = arith.addi %add3A_279, %add3A_356 : vector<16xi32>
          %and3A_358 = arith.constant 7 : i32
          %and3A_359 = vector.broadcast %and3A_358 : i32 to vector<16xi32>
          %and3A_360 = arith.andi %add3A_357, %and3A_359 : vector<16xi32>
          %add3A_361 = arith.addi %add3A_277, %and3A_360 : vector<16xi32>
          %gather3A_362 = tpu.vector_load_idx %arg18[%add3A_260, %add3A_361] : memref<32x64xi32, #tpu.memory_space<vmem>>[vector<16xi32>, vector<16xi32>], vector<16xi32>,
          %gather3A_363 = tpu.vector_load_idx %arg19[%add3A_260, %add3A_361] : memref<32x64xi32, #tpu.memory_space<vmem>>[vector<16xi32>, vector<16xi32>], vector<16xi32>,
          %bitcast3A_364 = vector.bitcast %gather3A_362 : vector<16xi32> to vector<32xbf16>
          %bitcast3A_365 = vector.bitcast %gather3A_363 : vector<16xi32> to vector<32xbf16>
          %mul3A_366 = arith.mulf %bitcast3A_364, %bitcast3A_365 : vector<32xbf16>
          %unpack3A_367 = tpu.unpack_subelements %mul3A_366, 0 {pack_format = #tpu.pack_format<interleaved>} : vector<32xbf16> -> vector<16xf32>
          %unpack3A_368 = tpu.unpack_subelements %mul3A_366, 1 {pack_format = #tpu.pack_format<interleaved>} : vector<32xbf16> -> vector<16xf32>
          %add3A_369 = arith.addf %add3A_353, %unpack3A_367 : vector<16xf32>
          %add3A_370 = arith.addf %add3A_354, %unpack3A_368 : vector<16xf32>
          %add3A_371 = arith.constant 6 : i32
          %add3A_372 = vector.broadcast %add3A_371 : i32 to vector<16xi32>
          %add3A_373 = arith.addi %add3A_279, %add3A_372 : vector<16xi32>
          %and3A_374 = arith.constant 7 : i32
          %and3A_375 = vector.broadcast %and3A_374 : i32 to vector<16xi32>
          %and3A_376 = arith.andi %add3A_373, %and3A_375 : vector<16xi32>
          %add3A_377 = arith.addi %add3A_277, %and3A_376 : vector<16xi32>
          %gather3A_378 = tpu.vector_load_idx %arg18[%add3A_260, %add3A_377] : memref<32x64xi32, #tpu.memory_space<vmem>>[vector<16xi32>, vector<16xi32>], vector<16xi32>,
          %gather3A_379 = tpu.vector_load_idx %arg19[%add3A_260, %add3A_377] : memref<32x64xi32, #tpu.memory_space<vmem>>[vector<16xi32>, vector<16xi32>], vector<16xi32>,
          %bitcast3A_380 = vector.bitcast %gather3A_378 : vector<16xi32> to vector<32xbf16>
          %bitcast3A_381 = vector.bitcast %gather3A_379 : vector<16xi32> to vector<32xbf16>
          %mul3A_382 = arith.mulf %bitcast3A_380, %bitcast3A_381 : vector<32xbf16>
          %unpack3A_383 = tpu.unpack_subelements %mul3A_382, 0 {pack_format = #tpu.pack_format<interleaved>} : vector<32xbf16> -> vector<16xf32>
          %unpack3A_384 = tpu.unpack_subelements %mul3A_382, 1 {pack_format = #tpu.pack_format<interleaved>} : vector<32xbf16> -> vector<16xf32>
          %add3A_385 = arith.addf %add3A_369, %unpack3A_383 : vector<16xf32>
          %add3A_386 = arith.addf %add3A_370, %unpack3A_384 : vector<16xf32>
          %add3A_387 = arith.constant 7 : i32
          %add3A_388 = vector.broadcast %add3A_387 : i32 to vector<16xi32>
          %add3A_389 = arith.addi %add3A_279, %add3A_388 : vector<16xi32>
          %and3A_390 = arith.constant 7 : i32
          %and3A_391 = vector.broadcast %and3A_390 : i32 to vector<16xi32>
          %and3A_392 = arith.andi %add3A_389, %and3A_391 : vector<16xi32>
          %add3A_393 = arith.addi %add3A_277, %and3A_392 : vector<16xi32>
          %gather3A_394 = tpu.vector_load_idx %arg18[%add3A_260, %add3A_393] : memref<32x64xi32, #tpu.memory_space<vmem>>[vector<16xi32>, vector<16xi32>], vector<16xi32>,
          %gather3A_395 = tpu.vector_load_idx %arg19[%add3A_260, %add3A_393] : memref<32x64xi32, #tpu.memory_space<vmem>>[vector<16xi32>, vector<16xi32>], vector<16xi32>,
          %bitcast3A_396 = vector.bitcast %gather3A_394 : vector<16xi32> to vector<32xbf16>
          %bitcast3A_397 = vector.bitcast %gather3A_395 : vector<16xi32> to vector<32xbf16>
          %mul3A_398 = arith.mulf %bitcast3A_396, %bitcast3A_397 : vector<32xbf16>
          %unpack3A_399 = tpu.unpack_subelements %mul3A_398, 0 {pack_format = #tpu.pack_format<interleaved>} : vector<32xbf16> -> vector<16xf32>
          %unpack3A_400 = tpu.unpack_subelements %mul3A_398, 1 {pack_format = #tpu.pack_format<interleaved>} : vector<32xbf16> -> vector<16xf32>
          %add3A_401 = arith.addf %add3A_385, %unpack3A_399 : vector<16xf32>
          %add3A_402 = arith.addf %add3A_386, %unpack3A_400 : vector<16xf32>
          %add3A_403 = arith.addf %add3A_401, %add3A_402 : vector<16xf32>
          %mul3A_404 = arith.constant 2.500000e-01 : f32
          %mul3A_405 = vector.broadcast %mul3A_404 : f32 to vector<16xf32>
          %mul3A_406 = arith.mulf %add3A_403, %mul3A_405 : vector<16xf32>
          %exp3A = math.exp %mul3A_406 : vector<16xf32>
          %broadcast_in_dim3A_407 = arith.constant 0 : i32
          %broadcast_in_dim3A_408 = vector.broadcast %broadcast_in_dim3A_407 : i32 to vector<16xi32>
          %add3A_409 = arith.constant 128 : i32
          %add3A_410 = arith.addi %add3A_409, %scan3A_270 : i32
          %add3A_411 = vector.broadcast %add3A_410 : i32 to vector<16xi32>
          %add3A_412 = arith.addi %broadcast_in_dim3A_408, %add3A_411 : vector<16xi32>
          tpu.vector_store_idx %arg21[%add3A_260, %add3A_412], %exp3A : memref<32x136xf32, #tpu.memory_space<vmem>>[vector<16xi32>, vector<16xi32>], vector<16xf32>,
          %sub3A = arith.constant 0 : i32
          %sub3A_413 = vector.broadcast %sub3A : i32 to vector<16xi32>
          %sub3A_414 = arith.subi %add3A_279, %sub3A_413 : vector<16xi32>
          %and3A_415 = arith.constant 7 : i32
          %and3A_416 = vector.broadcast %and3A_415 : i32 to vector<16xi32>
          %and3A_417 = arith.andi %sub3A_414, %and3A_416 : vector<16xi32>
          %add3A_418 = arith.addi %add3A_277, %and3A_417 : vector<16xi32>
          %gather3A_419 = tpu.vector_load_idx %arg20[%add3A_260, %add3A_418] : memref<32x64xi32, #tpu.memory_space<vmem>>[vector<16xi32>, vector<16xi32>], vector<16xi32>,
          %bitcast3A_420 = vector.bitcast %gather3A_419 : vector<16xi32> to vector<32xbf16>
          %unpack3A_421 = tpu.unpack_subelements %bitcast3A_420, 0 {pack_format = #tpu.pack_format<interleaved>} : vector<32xbf16> -> vector<16xf32>
          %unpack3A_422 = tpu.unpack_subelements %bitcast3A_420, 1 {pack_format = #tpu.pack_format<interleaved>} : vector<32xbf16> -> vector<16xf32>
          %add3A_423 = arith.addi %add3A_418, %add3A_277 : vector<16xi32>
          %mul3A_424 = arith.mulf %exp3A, %unpack3A_421 : vector<16xf32>
          tpu.vector_store_idx %arg21[%add3A_260, %add3A_423], %mul3A_424 : memref<32x136xf32, #tpu.memory_space<vmem>>[vector<16xi32>, vector<16xi32>], vector<16xf32>,
          %add3A_425 = arith.constant 8 : i32
          %add3A_426 = vector.broadcast %add3A_425 : i32 to vector<16xi32>
          %add3A_427 = arith.addi %add3A_423, %add3A_426 : vector<16xi32>
          %mul3A_428 = arith.mulf %exp3A, %unpack3A_422 : vector<16xf32>
          tpu.vector_store_idx %arg21[%add3A_260, %add3A_427], %mul3A_428 : memref<32x136xf32, #tpu.memory_space<vmem>>[vector<16xi32>, vector<16xi32>], vector<16xf32>,
          %sub3A_429 = arith.constant 1 : i32
          %sub3A_430 = vector.broadcast %sub3A_429 : i32 to vector<16xi32>
          %sub3A_431 = arith.subi %add3A_279, %sub3A_430 : vector<16xi32>
          %and3A_432 = arith.constant 7 : i32
          %and3A_433 = vector.broadcast %and3A_432 : i32 to vector<16xi32>
          %and3A_434 = arith.andi %sub3A_431, %and3A_433 : vector<16xi32>
          %add3A_435 = arith.addi %add3A_277, %and3A_434 : vector<16xi32>
          %gather3A_436 = tpu.vector_load_idx %arg20[%add3A_260, %add3A_435] : memref<32x64xi32, #tpu.memory_space<vmem>>[vector<16xi32>, vector<16xi32>], vector<16xi32>,
          %bitcast3A_437 = vector.bitcast %gather3A_436 : vector<16xi32> to vector<32xbf16>
          %unpack3A_438 = tpu.unpack_subelements %bitcast3A_437, 0 {pack_format = #tpu.pack_format<interleaved>} : vector<32xbf16> -> vector<16xf32>
          %unpack3A_439 = tpu.unpack_subelements %bitcast3A_437, 1 {pack_format = #tpu.pack_format<interleaved>} : vector<32xbf16> -> vector<16xf32>
          %add3A_440 = arith.addi %add3A_435, %add3A_277 : vector<16xi32>
          %mul3A_441 = arith.mulf %exp3A, %unpack3A_438 : vector<16xf32>
          tpu.vector_store_idx %arg21[%add3A_260, %add3A_440], %mul3A_441 : memref<32x136xf32, #tpu.memory_space<vmem>>[vector<16xi32>, vector<16xi32>], vector<16xf32>,
          %add3A_442 = arith.constant 8 : i32
          %add3A_443 = vector.broadcast %add3A_442 : i32 to vector<16xi32>
          %add3A_444 = arith.addi %add3A_440, %add3A_443 : vector<16xi32>
          %mul3A_445 = arith.mulf %exp3A, %unpack3A_439 : vector<16xf32>
          tpu.vector_store_idx %arg21[%add3A_260, %add3A_444], %mul3A_445 : memref<32x136xf32, #tpu.memory_space<vmem>>[vector<16xi32>, vector<16xi32>], vector<16xf32>,
          %sub3A_446 = arith.constant 2 : i32
          %sub3A_447 = vector.broadcast %sub3A_446 : i32 to vector<16xi32>
          %sub3A_448 = arith.subi %add3A_279, %sub3A_447 : vector<16xi32>
          %and3A_449 = arith.constant 7 : i32
          %and3A_450 = vector.broadcast %and3A_449 : i32 to vector<16xi32>
          %and3A_451 = arith.andi %sub3A_448, %and3A_450 : vector<16xi32>
          %add3A_452 = arith.addi %add3A_277, %and3A_451 : vector<16xi32>
          %gather3A_453 = tpu.vector_load_idx %arg20[%add3A_260, %add3A_452] : memref<32x64xi32, #tpu.memory_space<vmem>>[vector<16xi32>, vector<16xi32>], vector<16xi32>,
          %bitcast3A_454 = vector.bitcast %gather3A_453 : vector<16xi32> to vector<32xbf16>
          %unpack3A_455 = tpu.unpack_subelements %bitcast3A_454, 0 {pack_format = #tpu.pack_format<interleaved>} : vector<32xbf16> -> vector<16xf32>
          %unpack3A_456 = tpu.unpack_subelements %bitcast3A_454, 1 {pack_format = #tpu.pack_format<interleaved>} : vector<32xbf16> -> vector<16xf32>
          %add3A_457 = arith.addi %add3A_452, %add3A_277 : vector<16xi32>
          %mul3A_458 = arith.mulf %exp3A, %unpack3A_455 : vector<16xf32>
          tpu.vector_store_idx %arg21[%add3A_260, %add3A_457], %mul3A_458 : memref<32x136xf32, #tpu.memory_space<vmem>>[vector<16xi32>, vector<16xi32>], vector<16xf32>,
          %add3A_459 = arith.constant 8 : i32
          %add3A_460 = vector.broadcast %add3A_459 : i32 to vector<16xi32>
          %add3A_461 = arith.addi %add3A_457, %add3A_460 : vector<16xi32>
          %mul3A_462 = arith.mulf %exp3A, %unpack3A_456 : vector<16xf32>
          tpu.vector_store_idx %arg21[%add3A_260, %add3A_461], %mul3A_462 : memref<32x136xf32, #tpu.memory_space<vmem>>[vector<16xi32>, vector<16xi32>], vector<16xf32>,
          %sub3A_463 = arith.constant 3 : i32
          %sub3A_464 = vector.broadcast %sub3A_463 : i32 to vector<16xi32>
          %sub3A_465 = arith.subi %add3A_279, %sub3A_464 : vector<16xi32>
          %and3A_466 = arith.constant 7 : i32
          %and3A_467 = vector.broadcast %and3A_466 : i32 to vector<16xi32>
          %and3A_468 = arith.andi %sub3A_465, %and3A_467 : vector<16xi32>
          %add3A_469 = arith.addi %add3A_277, %and3A_468 : vector<16xi32>
          %gather3A_470 = tpu.vector_load_idx %arg20[%add3A_260, %add3A_469] : memref<32x64xi32, #tpu.memory_space<vmem>>[vector<16xi32>, vector<16xi32>], vector<16xi32>,
          %bitcast3A_471 = vector.bitcast %gather3A_470 : vector<16xi32> to vector<32xbf16>
          %unpack3A_472 = tpu.unpack_subelements %bitcast3A_471, 0 {pack_format = #tpu.pack_format<interleaved>} : vector<32xbf16> -> vector<16xf32>
          %unpack3A_473 = tpu.unpack_subelements %bitcast3A_471, 1 {pack_format = #tpu.pack_format<interleaved>} : vector<32xbf16> -> vector<16xf32>
          %add3A_474 = arith.addi %add3A_469, %add3A_277 : vector<16xi32>
          %mul3A_475 = arith.mulf %exp3A, %unpack3A_472 : vector<16xf32>
          tpu.vector_store_idx %arg21[%add3A_260, %add3A_474], %mul3A_475 : memref<32x136xf32, #tpu.memory_space<vmem>>[vector<16xi32>, vector<16xi32>], vector<16xf32>,
          %add3A_476 = arith.constant 8 : i32
          %add3A_477 = vector.broadcast %add3A_476 : i32 to vector<16xi32>
          %add3A_478 = arith.addi %add3A_474, %add3A_477 : vector<16xi32>
          %mul3A_479 = arith.mulf %exp3A, %unpack3A_473 : vector<16xf32>
          tpu.vector_store_idx %arg21[%add3A_260, %add3A_478], %mul3A_479 : memref<32x136xf32, #tpu.memory_space<vmem>>[vector<16xi32>, vector<16xi32>], vector<16xf32>,
          %sub3A_480 = arith.constant 4 : i32
          %sub3A_481 = vector.broadcast %sub3A_480 : i32 to vector<16xi32>
          %sub3A_482 = arith.subi %add3A_279, %sub3A_481 : vector<16xi32>
          %and3A_483 = arith.constant 7 : i32
          %and3A_484 = vector.broadcast %and3A_483 : i32 to vector<16xi32>
          %and3A_485 = arith.andi %sub3A_482, %and3A_484 : vector<16xi32>
          %add3A_486 = arith.addi %add3A_277, %and3A_485 : vector<16xi32>
          %gather3A_487 = tpu.vector_load_idx %arg20[%add3A_260, %add3A_486] : memref<32x64xi32, #tpu.memory_space<vmem>>[vector<16xi32>, vector<16xi32>], vector<16xi32>,
          %bitcast3A_488 = vector.bitcast %gather3A_487 : vector<16xi32> to vector<32xbf16>
          %unpack3A_489 = tpu.unpack_subelements %bitcast3A_488, 0 {pack_format = #tpu.pack_format<interleaved>} : vector<32xbf16> -> vector<16xf32>
          %unpack3A_490 = tpu.unpack_subelements %bitcast3A_488, 1 {pack_format = #tpu.pack_format<interleaved>} : vector<32xbf16> -> vector<16xf32>
          %add3A_491 = arith.addi %add3A_486, %add3A_277 : vector<16xi32>
          %mul3A_492 = arith.mulf %exp3A, %unpack3A_489 : vector<16xf32>
          tpu.vector_store_idx %arg21[%add3A_260, %add3A_491], %mul3A_492 : memref<32x136xf32, #tpu.memory_space<vmem>>[vector<16xi32>, vector<16xi32>], vector<16xf32>,
          %add3A_493 = arith.constant 8 : i32
          %add3A_494 = vector.broadcast %add3A_493 : i32 to vector<16xi32>
          %add3A_495 = arith.addi %add3A_491, %add3A_494 : vector<16xi32>
          %mul3A_496 = arith.mulf %exp3A, %unpack3A_490 : vector<16xf32>
          tpu.vector_store_idx %arg21[%add3A_260, %add3A_495], %mul3A_496 : memref<32x136xf32, #tpu.memory_space<vmem>>[vector<16xi32>, vector<16xi32>], vector<16xf32>,
          %sub3A_497 = arith.constant 5 : i32
          %sub3A_498 = vector.broadcast %sub3A_497 : i32 to vector<16xi32>
          %sub3A_499 = arith.subi %add3A_279, %sub3A_498 : vector<16xi32>
          %and3A_500 = arith.constant 7 : i32
          %and3A_501 = vector.broadcast %and3A_500 : i32 to vector<16xi32>
          %and3A_502 = arith.andi %sub3A_499, %and3A_501 : vector<16xi32>
          %add3A_503 = arith.addi %add3A_277, %and3A_502 : vector<16xi32>
          %gather3A_504 = tpu.vector_load_idx %arg20[%add3A_260, %add3A_503] : memref<32x64xi32, #tpu.memory_space<vmem>>[vector<16xi32>, vector<16xi32>], vector<16xi32>,
          %bitcast3A_505 = vector.bitcast %gather3A_504 : vector<16xi32> to vector<32xbf16>
          %unpack3A_506 = tpu.unpack_subelements %bitcast3A_505, 0 {pack_format = #tpu.pack_format<interleaved>} : vector<32xbf16> -> vector<16xf32>
          %unpack3A_507 = tpu.unpack_subelements %bitcast3A_505, 1 {pack_format = #tpu.pack_format<interleaved>} : vector<32xbf16> -> vector<16xf32>
          %add3A_508 = arith.addi %add3A_503, %add3A_277 : vector<16xi32>
          %mul3A_509 = arith.mulf %exp3A, %unpack3A_506 : vector<16xf32>
          tpu.vector_store_idx %arg21[%add3A_260, %add3A_508], %mul3A_509 : memref<32x136xf32, #tpu.memory_space<vmem>>[vector<16xi32>, vector<16xi32>], vector<16xf32>,
          %add3A_510 = arith.constant 8 : i32
          %add3A_511 = vector.broadcast %add3A_510 : i32 to vector<16xi32>
          %add3A_512 = arith.addi %add3A_508, %add3A_511 : vector<16xi32>
          %mul3A_513 = arith.mulf %exp3A, %unpack3A_507 : vector<16xf32>
          tpu.vector_store_idx %arg21[%add3A_260, %add3A_512], %mul3A_513 : memref<32x136xf32, #tpu.memory_space<vmem>>[vector<16xi32>, vector<16xi32>], vector<16xf32>,
          %sub3A_514 = arith.constant 6 : i32
          %sub3A_515 = vector.broadcast %sub3A_514 : i32 to vector<16xi32>
          %sub3A_516 = arith.subi %add3A_279, %sub3A_515 : vector<16xi32>
          %and3A_517 = arith.constant 7 : i32
          %and3A_518 = vector.broadcast %and3A_517 : i32 to vector<16xi32>
          %and3A_519 = arith.andi %sub3A_516, %and3A_518 : vector<16xi32>
          %add3A_520 = arith.addi %add3A_277, %and3A_519 : vector<16xi32>
          %gather3A_521 = tpu.vector_load_idx %arg20[%add3A_260, %add3A_520] : memref<32x64xi32, #tpu.memory_space<vmem>>[vector<16xi32>, vector<16xi32>], vector<16xi32>,
          %bitcast3A_522 = vector.bitcast %gather3A_521 : vector<16xi32> to vector<32xbf16>
          %unpack3A_523 = tpu.unpack_subelements %bitcast3A_522, 0 {pack_format = #tpu.pack_format<interleaved>} : vector<32xbf16> -> vector<16xf32>
          %unpack3A_524 = tpu.unpack_subelements %bitcast3A_522, 1 {pack_format = #tpu.pack_format<interleaved>} : vector<32xbf16> -> vector<16xf32>
          %add3A_525 = arith.addi %add3A_520, %add3A_277 : vector<16xi32>
          %mul3A_526 = arith.mulf %exp3A, %unpack3A_523 : vector<16xf32>
          tpu.vector_store_idx %arg21[%add3A_260, %add3A_525], %mul3A_526 : memref<32x136xf32, #tpu.memory_space<vmem>>[vector<16xi32>, vector<16xi32>], vector<16xf32>,
          %add3A_527 = arith.constant 8 : i32
          %add3A_528 = vector.broadcast %add3A_527 : i32 to vector<16xi32>
          %add3A_529 = arith.addi %add3A_525, %add3A_528 : vector<16xi32>
          %mul3A_530 = arith.mulf %exp3A, %unpack3A_524 : vector<16xf32>
          tpu.vector_store_idx %arg21[%add3A_260, %add3A_529], %mul3A_530 : memref<32x136xf32, #tpu.memory_space<vmem>>[vector<16xi32>, vector<16xi32>], vector<16xf32>,
          %sub3A_531 = arith.constant 7 : i32
          %sub3A_532 = vector.broadcast %sub3A_531 : i32 to vector<16xi32>
          %sub3A_533 = arith.subi %add3A_279, %sub3A_532 : vector<16xi32>
          %and3A_534 = arith.constant 7 : i32
          %and3A_535 = vector.broadcast %and3A_534 : i32 to vector<16xi32>
          %and3A_536 = arith.andi %sub3A_533, %and3A_535 : vector<16xi32>
          %add3A_537 = arith.addi %add3A_277, %and3A_536 : vector<16xi32>
          %gather3A_538 = tpu.vector_load_idx %arg20[%add3A_260, %add3A_537] : memref<32x64xi32, #tpu.memory_space<vmem>>[vector<16xi32>, vector<16xi32>], vector<16xi32>,
          %bitcast3A_539 = vector.bitcast %gather3A_538 : vector<16xi32> to vector<32xbf16>
          %unpack3A_540 = tpu.unpack_subelements %bitcast3A_539, 0 {pack_format = #tpu.pack_format<interleaved>} : vector<32xbf16> -> vector<16xf32>
          %unpack3A_541 = tpu.unpack_subelements %bitcast3A_539, 1 {pack_format = #tpu.pack_format<interleaved>} : vector<32xbf16> -> vector<16xf32>
          %add3A_542 = arith.addi %add3A_537, %add3A_277 : vector<16xi32>
          %mul3A_543 = arith.mulf %exp3A, %unpack3A_540 : vector<16xf32>
          tpu.vector_store_idx %arg21[%add3A_260, %add3A_542], %mul3A_543 : memref<32x136xf32, #tpu.memory_space<vmem>>[vector<16xi32>, vector<16xi32>], vector<16xf32>,
          %add3A_544 = arith.constant 8 : i32
          %add3A_545 = vector.broadcast %add3A_544 : i32 to vector<16xi32>
          %add3A_546 = arith.addi %add3A_542, %add3A_545 : vector<16xi32>
          %mul3A_547 = arith.mulf %exp3A, %unpack3A_541 : vector<16xf32>
          tpu.vector_store_idx %arg21[%add3A_260, %add3A_546], %mul3A_547 : memref<32x136xf32, #tpu.memory_space<vmem>>[vector<16xi32>, vector<16xi32>], vector<16xf32>,
          %scan3A_548 = arith.constant 0 : i32
          scf.yield %scan3A_548 : i32
        }
        %scan3A_268 = arith.constant 8 : i32
        %scan3A_269 = arith.constant 0 : i32
        scf.yield %scan3A_269 : i32
      }
      %scan3A_242 = arith.constant 2 : i32
      %get3A_243 = arith.constant 0 : index
      %get3A_244 = tpu.vector_load %arg16[%get3A_243] {strides = array<i32>} : memref<32xi32, #tpu.memory_space<vmem>>, vector<16xi32>,
      %swap3A_245 = arith.constant 0 : index
      %swap3A_246 = tpu.vector_load %arg17[%swap3A_245] {strides = array<i32>} : memref<32xi32, #tpu.memory_space<vmem>>, vector<16xi32>,
      tpu.vector_store %arg17[%swap3A_245], %get3A_244 {strides = array<i32>} : memref<32xi32, #tpu.memory_space<vmem>>, vector<16xi32>,
      %get3A_247 = arith.constant 16 : index
      %get3A_248 = tpu.vector_load %arg16[%get3A_247] {strides = array<i32>} : memref<32xi32, #tpu.memory_space<vmem>>, vector<16xi32>,
      %swap3A_249 = arith.constant 16 : index
      %swap3A_250 = tpu.vector_load %arg17[%swap3A_249] {strides = array<i32>} : memref<32xi32, #tpu.memory_space<vmem>>, vector<16xi32>,
      tpu.vector_store %arg17[%swap3A_249], %get3A_248 {strides = array<i32>} : memref<32xi32, #tpu.memory_space<vmem>>, vector<16xi32>,
      %dma_start3A_251 = arith.constant 0 : i32
      %dma_start3A_252 = arith.constant 0 : i32
      %dma_start3A_253 = tpu.memref_slice %arg22[%dma_start3A_251, %dma_start3A_252] : memref<10240x136xf32, #tpu.memory_space<vmem_shared>> -> memref<10240x136xf32, #tpu.memory_space<vmem_shared>>
      tpu.enqueue_indirect_dma source(%arg21 : memref<32x136xf32, #tpu.memory_space<vmem>>) target(%dma_start3A_253 : memref<10240x136xf32, #tpu.memory_space<vmem_shared>>) offsets(%arg17 : memref<32xi32, #tpu.memory_space<vmem>>) semaphore(%arg30 : memref<!tpu.dma_semaphore, #tpu.memory_space<semaphore_mem>>) {add = true}
      %scan3A_254 = arith.constant 0 : i32
      scf.yield %scan3A_254 : i32
    }
    %scan3A_84 = arith.constant 160 : i32
    %dma_wait3A = arith.constant 0 : i32
    %dma_wait3A_85 = arith.constant 0 : i32
    %dma_wait3A_86 = tpu.memref_slice %arg2[%dma_wait3A, %dma_wait3A_85] : memref<10240x64xi32, #tpu.memory_space<hbm>> -> memref<10240x64xi32, #tpu.memory_space<hbm>>
    tpu.wait_indirect_dma semaphore(%arg23 : memref<!tpu.dma_semaphore, #tpu.memory_space<semaphore_mem>>) src(%dma_wait3A_86 : memref<10240x64xi32, #tpu.memory_space<hbm>>) dst(%arg11 : memref<32x64xi32, #tpu.memory_space<vmem>>)
    %dma_wait3A_87 = arith.constant 0 : i32
    %dma_wait3A_88 = arith.constant 0 : i32
    %dma_wait3A_89 = tpu.memref_slice %arg3[%dma_wait3A_87, %dma_wait3A_88] : memref<10240x64xi32, #tpu.memory_space<hbm>> -> memref<10240x64xi32, #tpu.memory_space<hbm>>
    tpu.wait_indirect_dma semaphore(%arg24 : memref<!tpu.dma_semaphore, #tpu.memory_space<semaphore_mem>>) src(%dma_wait3A_89 : memref<10240x64xi32, #tpu.memory_space<hbm>>) dst(%arg12 : memref<32x64xi32, #tpu.memory_space<vmem>>)
    %dma_wait3A_90 = arith.constant 0 : i32
    %dma_wait3A_91 = arith.constant 0 : i32
    %dma_wait3A_92 = tpu.memref_slice %arg4[%dma_wait3A_90, %dma_wait3A_91] : memref<10240x64xi32, #tpu.memory_space<hbm>> -> memref<10240x64xi32, #tpu.memory_space<hbm>>
    tpu.wait_indirect_dma semaphore(%arg25 : memref<!tpu.dma_semaphore, #tpu.memory_space<semaphore_mem>>) src(%dma_wait3A_92 : memref<10240x64xi32, #tpu.memory_space<hbm>>) dst(%arg13 : memref<32x64xi32, #tpu.memory_space<vmem>>)
    %dma_wait3A_93 = arith.constant 0 : i32
    %dma_wait3A_94 = arith.constant 0 : i32
    %dma_wait3A_95 = tpu.memref_slice %arg22[%dma_wait3A_93, %dma_wait3A_94] : memref<10240x136xf32, #tpu.memory_space<vmem_shared>> -> memref<10240x136xf32, #tpu.memory_space<vmem_shared>>
    tpu.wait_indirect_dma semaphore(%arg26 : memref<!tpu.dma_semaphore, #tpu.memory_space<semaphore_mem>>) src(%arg14 : memref<32x136xf32, #tpu.memory_space<vmem>>) dst(%dma_wait3A_95 : memref<10240x136xf32, #tpu.memory_space<vmem_shared>>)
    %dma_wait3A_96 = arith.constant 0 : i32
    %dma_wait3A_97 = arith.constant 0 : i32
    %dma_wait3A_98 = tpu.memref_slice %arg22[%dma_wait3A_96, %dma_wait3A_97] : memref<10240x136xf32, #tpu.memory_space<vmem_shared>> -> memref<10240x136xf32, #tpu.memory_space<vmem_shared>>
    tpu.wait_indirect_dma semaphore(%arg30 : memref<!tpu.dma_semaphore, #tpu.memory_space<semaphore_mem>>) src(%arg21 : memref<32x136xf32, #tpu.memory_space<vmem>>) dst(%dma_wait3A_98 : memref<10240x136xf32, #tpu.memory_space<vmem_shared>>)
    %barrier3A_99 = arith.constant 0 : index
    tpu.barrier barrier_id(%barrier3A_99)
    %mul3A_100 = arith.constant 640 : i32
    %mul3A_101 = arith.muli %arg1, %mul3A_100 : i32
    %mul3A_102 = arith.constant 640 : i32
    %mul3A_103 = arith.muli %arg1, %mul3A_102 : i32
    "tpu.region"() ({
      %run_scoped3A = tpu.sem_alloc : memref<!tpu.dma_semaphore, #tpu.memory_space<semaphore_mem>>
      %dma_start3A_104 = arith.constant 0 : i32
      %dma_start3A_105 = tpu.memref_slice %arg6[%arg0, %mul3A_103, %dma_start3A_104] : memref<2x10240x136xf32, #tpu.memory_space<hbm>> -> memref<1x640x136xf32, #tpu.memory_space<hbm>>
      %dma_start3A_106 = tpu.memref_squeeze %dma_start3A_105 : memref<1x640x136xf32, #tpu.memory_space<hbm>> -> memref<640x136xf32, #tpu.memory_space<hbm>>
      %dma_start3A_107 = arith.constant 0 : i32
      %dma_start3A_108 = tpu.memref_slice %arg22[%mul3A_101, %dma_start3A_107] : memref<10240x136xf32, #tpu.memory_space<vmem_shared>> -> memref<640x136xf32, #tpu.memory_space<vmem_shared>>
      tpu.enqueue_dma source(%dma_start3A_108 : memref<640x136xf32, #tpu.memory_space<vmem_shared>>) target(%dma_start3A_106 : memref<640x136xf32, #tpu.memory_space<hbm>>) target_semaphore(%run_scoped3A : memref<!tpu.dma_semaphore, #tpu.memory_space<semaphore_mem>>)
      %dma_wait3A_109 = arith.constant 0 : i32
      %dma_wait3A_110 = tpu.memref_slice %arg6[%arg0, %mul3A_103, %dma_wait3A_109] : memref<2x10240x136xf32, #tpu.memory_space<hbm>> -> memref<1x640x136xf32, #tpu.memory_space<hbm>>
      %dma_wait3A_111 = tpu.memref_squeeze %dma_wait3A_110 : memref<1x640x136xf32, #tpu.memory_space<hbm>> -> memref<640x136xf32, #tpu.memory_space<hbm>>
      %dma_wait3A_112 = arith.constant 0 : i32
      %dma_wait3A_113 = tpu.memref_slice %arg22[%mul3A_101, %dma_wait3A_112] : memref<10240x136xf32, #tpu.memory_space<vmem_shared>> -> memref<640x136xf32, #tpu.memory_space<vmem_shared>>
      tpu.wait_dma2 semaphore(%run_scoped3A : memref<!tpu.dma_semaphore, #tpu.memory_space<semaphore_mem>>) src(%dma_wait3A_113 : memref<640x136xf32, #tpu.memory_space<vmem_shared>>) dst(%dma_wait3A_111 : memref<640x136xf32, #tpu.memory_space<hbm>>)
      tpu.yield
    }) : () -> ()
    return
  }
}

module attributes {stable_mosaic.version = 14 : i64} {
  func.func @_qkv_body(%arg0: i32, %arg1: memref<256x128xf32, #tpu.memory_space<vmem>>, %arg2: memref<64x128xf32, #tpu.memory_space<vmem>>, %arg3: memref<64x128xf32, #tpu.memory_space<vmem>>, %arg4: memref<64x128xf32, #tpu.memory_space<vmem>>, %arg5: memref<64x128xf32, #tpu.memory_space<vmem>>, %arg6: memref<64x128xf32, #tpu.memory_space<vmem>>, %arg7: memref<64x128xf32, #tpu.memory_space<vmem>>, %arg8: memref<256x64xi32, #tpu.memory_space<vmem>>, %arg9: memref<256x64xi32, #tpu.memory_space<vmem>>, %arg10: memref<256x64xi32, #tpu.memory_space<vmem>>) attributes {dimension_semantics = [#tpu.dimension_semantics<arbitrary>], iteration_bounds = array<i64: 40>, scalar_prefetch = 0 : i64, scratch_operands = 0 : i64, tpu.core_type = #tpu.core_type<tc>, window_params = [{transform_indices = @transform_0, window_bounds = array<i64: 256, 128>}, {pipeline_mode = #tpu.pipeline_mode<synchronous>, transform_indices = @transform_1, window_bounds = array<i64: 64, 128>}, {pipeline_mode = #tpu.pipeline_mode<synchronous>, transform_indices = @transform_2, window_bounds = array<i64: 64, 128>}, {pipeline_mode = #tpu.pipeline_mode<synchronous>, transform_indices = @transform_3, window_bounds = array<i64: 64, 128>}, {pipeline_mode = #tpu.pipeline_mode<synchronous>, transform_indices = @transform_4, window_bounds = array<i64: 64, 128>}, {pipeline_mode = #tpu.pipeline_mode<synchronous>, transform_indices = @transform_5, window_bounds = array<i64: 64, 128>}, {pipeline_mode = #tpu.pipeline_mode<synchronous>, transform_indices = @transform_6, window_bounds = array<i64: 64, 128>}, {transform_indices = @transform_7, window_bounds = array<i64: 256, 64>}, {transform_indices = @transform_8, window_bounds = array<i64: 256, 64>}, {transform_indices = @transform_9, window_bounds = array<i64: 256, 64>}]} {
    %get3A = arith.constant 0 : index
    %get3A_0 = arith.constant 0 : index
    %get3A_1 = vector.load %arg1[%get3A, %get3A_0] : memref<256x128xf32, #tpu.memory_space<vmem>>, vector<256x128xf32>
    %get3A_2 = arith.constant 0 : index
    %get3A_3 = arith.constant 0 : index
    %get3A_4 = vector.load %arg2[%get3A_2, %get3A_3] : memref<64x128xf32, #tpu.memory_space<vmem>>, vector<64x128xf32>
    %dot_general3A = arith.constant dense<0.000000e+00> : vector<256x64xf32>
    %dot_general3A_5 = tpu.matmul %get3A_1, %get3A_4, %dot_general3A {dimension_numbers = #tpu.dot_dimension_numbers<[1], [1], [0], [0], [0, 0, 1, 0], [], []>, transpose_lhs_hint = false} : vector<256x128xf32>, vector<64x128xf32>, vector<256x64xf32> -> vector<256x64xf32>
    %get3A_6 = arith.constant 0 : index
    %get3A_7 = arith.constant 0 : index
    %get3A_8 = vector.load %arg3[%get3A_6, %get3A_7] : memref<64x128xf32, #tpu.memory_space<vmem>>, vector<64x128xf32>
    %dot_general3A_9 = arith.constant dense<0.000000e+00> : vector<256x64xf32>
    %dot_general3A_10 = tpu.matmul %get3A_1, %get3A_8, %dot_general3A_9 {dimension_numbers = #tpu.dot_dimension_numbers<[1], [1], [0], [0], [0, 0, 1, 0], [], []>, transpose_lhs_hint = false} : vector<256x128xf32>, vector<64x128xf32>, vector<256x64xf32> -> vector<256x64xf32>
    %bitcast_convert_type3A = tpu.bitcast %dot_general3A_5 : vector<256x64xf32> -> vector<256x64xi32>
    %bitcast_convert_type3A_11 = tpu.bitcast %dot_general3A_10 : vector<256x64xf32> -> vector<256x64xi32>
    %add3A = arith.constant 32767 : i32
    %add3A_12 = vector.broadcast %add3A : i32 to vector<256x64xi32>
    %add3A_13 = arith.addi %bitcast_convert_type3A, %add3A_12 : vector<256x64xi32>
    %shift_right_logical3A = arith.constant 16 : i32
    %shift_right_logical3A_14 = vector.broadcast %shift_right_logical3A : i32 to vector<256x64xi32>
    %shift_right_logical3A_15 = arith.shrui %bitcast_convert_type3A, %shift_right_logical3A_14 : vector<256x64xi32>
    %and3A = arith.constant 1 : i32
    %and3A_16 = vector.broadcast %and3A : i32 to vector<256x64xi32>
    %and3A_17 = arith.andi %shift_right_logical3A_15, %and3A_16 : vector<256x64xi32>
    %add3A_18 = arith.addi %add3A_13, %and3A_17 : vector<256x64xi32>
    %shift_right_logical3A_19 = arith.constant 16 : i32
    %shift_right_logical3A_20 = vector.broadcast %shift_right_logical3A_19 : i32 to vector<256x64xi32>
    %shift_right_logical3A_21 = arith.shrui %add3A_18, %shift_right_logical3A_20 : vector<256x64xi32>
    %add3A_22 = arith.constant 32767 : i32
    %add3A_23 = vector.broadcast %add3A_22 : i32 to vector<256x64xi32>
    %add3A_24 = arith.addi %bitcast_convert_type3A_11, %add3A_23 : vector<256x64xi32>
    %shift_right_logical3A_25 = arith.constant 16 : i32
    %shift_right_logical3A_26 = vector.broadcast %shift_right_logical3A_25 : i32 to vector<256x64xi32>
    %shift_right_logical3A_27 = arith.shrui %bitcast_convert_type3A_11, %shift_right_logical3A_26 : vector<256x64xi32>
    %and3A_28 = arith.constant 1 : i32
    %and3A_29 = vector.broadcast %and3A_28 : i32 to vector<256x64xi32>
    %and3A_30 = arith.andi %shift_right_logical3A_27, %and3A_29 : vector<256x64xi32>
    %add3A_31 = arith.addi %add3A_24, %and3A_30 : vector<256x64xi32>
    %shift_right_logical3A_32 = arith.constant 16 : i32
    %shift_right_logical3A_33 = vector.broadcast %shift_right_logical3A_32 : i32 to vector<256x64xi32>
    %shift_right_logical3A_34 = arith.shrui %add3A_31, %shift_right_logical3A_33 : vector<256x64xi32>
    %shift_left3A = arith.constant 16 : i32
    %shift_left3A_35 = vector.broadcast %shift_left3A : i32 to vector<256x64xi32>
    %shift_left3A_36 = arith.shli %shift_right_logical3A_34, %shift_left3A_35 : vector<256x64xi32>
    %or3A = arith.ori %shift_right_logical3A_21, %shift_left3A_36 : vector<256x64xi32>
    %bitcast_convert_type3A_37 = tpu.bitcast %or3A : vector<256x64xi32> -> vector<256x64xi32>
    %swap3A = arith.constant 0 : index
    %swap3A_38 = arith.constant 0 : index
    %swap3A_39 = vector.load %arg8[%swap3A, %swap3A_38] : memref<256x64xi32, #tpu.memory_space<vmem>>, vector<256x64xi32>
    tpu.vector_store %arg8[%swap3A, %swap3A_38], %bitcast_convert_type3A_37 {strides = array<i32>} : memref<256x64xi32, #tpu.memory_space<vmem>>, vector<256x64xi32>,
    %get3A_40 = arith.constant 0 : index
    %get3A_41 = arith.constant 0 : index
    %get3A_42 = vector.load %arg4[%get3A_40, %get3A_41] : memref<64x128xf32, #tpu.memory_space<vmem>>, vector<64x128xf32>
    %dot_general3A_43 = arith.constant dense<0.000000e+00> : vector<256x64xf32>
    %dot_general3A_44 = tpu.matmul %get3A_1, %get3A_42, %dot_general3A_43 {dimension_numbers = #tpu.dot_dimension_numbers<[1], [1], [0], [0], [0, 0, 1, 0], [], []>, transpose_lhs_hint = false} : vector<256x128xf32>, vector<64x128xf32>, vector<256x64xf32> -> vector<256x64xf32>
    %get3A_45 = arith.constant 0 : index
    %get3A_46 = arith.constant 0 : index
    %get3A_47 = vector.load %arg5[%get3A_45, %get3A_46] : memref<64x128xf32, #tpu.memory_space<vmem>>, vector<64x128xf32>
    %dot_general3A_48 = arith.constant dense<0.000000e+00> : vector<256x64xf32>
    %dot_general3A_49 = tpu.matmul %get3A_1, %get3A_47, %dot_general3A_48 {dimension_numbers = #tpu.dot_dimension_numbers<[1], [1], [0], [0], [0, 0, 1, 0], [], []>, transpose_lhs_hint = false} : vector<256x128xf32>, vector<64x128xf32>, vector<256x64xf32> -> vector<256x64xf32>
    %bitcast_convert_type3A_50 = tpu.bitcast %dot_general3A_44 : vector<256x64xf32> -> vector<256x64xi32>
    %bitcast_convert_type3A_51 = tpu.bitcast %dot_general3A_49 : vector<256x64xf32> -> vector<256x64xi32>
    %add3A_52 = arith.constant 32767 : i32
    %add3A_53 = vector.broadcast %add3A_52 : i32 to vector<256x64xi32>
    %add3A_54 = arith.addi %bitcast_convert_type3A_50, %add3A_53 : vector<256x64xi32>
    %shift_right_logical3A_55 = arith.constant 16 : i32
    %shift_right_logical3A_56 = vector.broadcast %shift_right_logical3A_55 : i32 to vector<256x64xi32>
    %shift_right_logical3A_57 = arith.shrui %bitcast_convert_type3A_50, %shift_right_logical3A_56 : vector<256x64xi32>
    %and3A_58 = arith.constant 1 : i32
    %and3A_59 = vector.broadcast %and3A_58 : i32 to vector<256x64xi32>
    %and3A_60 = arith.andi %shift_right_logical3A_57, %and3A_59 : vector<256x64xi32>
    %add3A_61 = arith.addi %add3A_54, %and3A_60 : vector<256x64xi32>
    %shift_right_logical3A_62 = arith.constant 16 : i32
    %shift_right_logical3A_63 = vector.broadcast %shift_right_logical3A_62 : i32 to vector<256x64xi32>
    %shift_right_logical3A_64 = arith.shrui %add3A_61, %shift_right_logical3A_63 : vector<256x64xi32>
    %add3A_65 = arith.constant 32767 : i32
    %add3A_66 = vector.broadcast %add3A_65 : i32 to vector<256x64xi32>
    %add3A_67 = arith.addi %bitcast_convert_type3A_51, %add3A_66 : vector<256x64xi32>
    %shift_right_logical3A_68 = arith.constant 16 : i32
    %shift_right_logical3A_69 = vector.broadcast %shift_right_logical3A_68 : i32 to vector<256x64xi32>
    %shift_right_logical3A_70 = arith.shrui %bitcast_convert_type3A_51, %shift_right_logical3A_69 : vector<256x64xi32>
    %and3A_71 = arith.constant 1 : i32
    %and3A_72 = vector.broadcast %and3A_71 : i32 to vector<256x64xi32>
    %and3A_73 = arith.andi %shift_right_logical3A_70, %and3A_72 : vector<256x64xi32>
    %add3A_74 = arith.addi %add3A_67, %and3A_73 : vector<256x64xi32>
    %shift_right_logical3A_75 = arith.constant 16 : i32
    %shift_right_logical3A_76 = vector.broadcast %shift_right_logical3A_75 : i32 to vector<256x64xi32>
    %shift_right_logical3A_77 = arith.shrui %add3A_74, %shift_right_logical3A_76 : vector<256x64xi32>
    %shift_left3A_78 = arith.constant 16 : i32
    %shift_left3A_79 = vector.broadcast %shift_left3A_78 : i32 to vector<256x64xi32>
    %shift_left3A_80 = arith.shli %shift_right_logical3A_77, %shift_left3A_79 : vector<256x64xi32>
    %or3A_81 = arith.ori %shift_right_logical3A_64, %shift_left3A_80 : vector<256x64xi32>
    %bitcast_convert_type3A_82 = tpu.bitcast %or3A_81 : vector<256x64xi32> -> vector<256x64xi32>
    %swap3A_83 = arith.constant 0 : index
    %swap3A_84 = arith.constant 0 : index
    %swap3A_85 = vector.load %arg9[%swap3A_83, %swap3A_84] : memref<256x64xi32, #tpu.memory_space<vmem>>, vector<256x64xi32>
    tpu.vector_store %arg9[%swap3A_83, %swap3A_84], %bitcast_convert_type3A_82 {strides = array<i32>} : memref<256x64xi32, #tpu.memory_space<vmem>>, vector<256x64xi32>,
    %get3A_86 = arith.constant 0 : index
    %get3A_87 = arith.constant 0 : index
    %get3A_88 = vector.load %arg6[%get3A_86, %get3A_87] : memref<64x128xf32, #tpu.memory_space<vmem>>, vector<64x128xf32>
    %dot_general3A_89 = arith.constant dense<0.000000e+00> : vector<256x64xf32>
    %dot_general3A_90 = tpu.matmul %get3A_1, %get3A_88, %dot_general3A_89 {dimension_numbers = #tpu.dot_dimension_numbers<[1], [1], [0], [0], [0, 0, 1, 0], [], []>, transpose_lhs_hint = false} : vector<256x128xf32>, vector<64x128xf32>, vector<256x64xf32> -> vector<256x64xf32>
    %get3A_91 = arith.constant 0 : index
    %get3A_92 = arith.constant 0 : index
    %get3A_93 = vector.load %arg7[%get3A_91, %get3A_92] : memref<64x128xf32, #tpu.memory_space<vmem>>, vector<64x128xf32>
    %dot_general3A_94 = arith.constant dense<0.000000e+00> : vector<256x64xf32>
    %dot_general3A_95 = tpu.matmul %get3A_1, %get3A_93, %dot_general3A_94 {dimension_numbers = #tpu.dot_dimension_numbers<[1], [1], [0], [0], [0, 0, 1, 0], [], []>, transpose_lhs_hint = false} : vector<256x128xf32>, vector<64x128xf32>, vector<256x64xf32> -> vector<256x64xf32>
    %bitcast_convert_type3A_96 = tpu.bitcast %dot_general3A_90 : vector<256x64xf32> -> vector<256x64xi32>
    %bitcast_convert_type3A_97 = tpu.bitcast %dot_general3A_95 : vector<256x64xf32> -> vector<256x64xi32>
    %add3A_98 = arith.constant 32767 : i32
    %add3A_99 = vector.broadcast %add3A_98 : i32 to vector<256x64xi32>
    %add3A_100 = arith.addi %bitcast_convert_type3A_96, %add3A_99 : vector<256x64xi32>
    %shift_right_logical3A_101 = arith.constant 16 : i32
    %shift_right_logical3A_102 = vector.broadcast %shift_right_logical3A_101 : i32 to vector<256x64xi32>
    %shift_right_logical3A_103 = arith.shrui %bitcast_convert_type3A_96, %shift_right_logical3A_102 : vector<256x64xi32>
    %and3A_104 = arith.constant 1 : i32
    %and3A_105 = vector.broadcast %and3A_104 : i32 to vector<256x64xi32>
    %and3A_106 = arith.andi %shift_right_logical3A_103, %and3A_105 : vector<256x64xi32>
    %add3A_107 = arith.addi %add3A_100, %and3A_106 : vector<256x64xi32>
    %shift_right_logical3A_108 = arith.constant 16 : i32
    %shift_right_logical3A_109 = vector.broadcast %shift_right_logical3A_108 : i32 to vector<256x64xi32>
    %shift_right_logical3A_110 = arith.shrui %add3A_107, %shift_right_logical3A_109 : vector<256x64xi32>
    %add3A_111 = arith.constant 32767 : i32
    %add3A_112 = vector.broadcast %add3A_111 : i32 to vector<256x64xi32>
    %add3A_113 = arith.addi %bitcast_convert_type3A_97, %add3A_112 : vector<256x64xi32>
    %shift_right_logical3A_114 = arith.constant 16 : i32
    %shift_right_logical3A_115 = vector.broadcast %shift_right_logical3A_114 : i32 to vector<256x64xi32>
    %shift_right_logical3A_116 = arith.shrui %bitcast_convert_type3A_97, %shift_right_logical3A_115 : vector<256x64xi32>
    %and3A_117 = arith.constant 1 : i32
    %and3A_118 = vector.broadcast %and3A_117 : i32 to vector<256x64xi32>
    %and3A_119 = arith.andi %shift_right_logical3A_116, %and3A_118 : vector<256x64xi32>
    %add3A_120 = arith.addi %add3A_113, %and3A_119 : vector<256x64xi32>
    %shift_right_logical3A_121 = arith.constant 16 : i32
    %shift_right_logical3A_122 = vector.broadcast %shift_right_logical3A_121 : i32 to vector<256x64xi32>
    %shift_right_logical3A_123 = arith.shrui %add3A_120, %shift_right_logical3A_122 : vector<256x64xi32>
    %shift_left3A_124 = arith.constant 16 : i32
    %shift_left3A_125 = vector.broadcast %shift_left3A_124 : i32 to vector<256x64xi32>
    %shift_left3A_126 = arith.shli %shift_right_logical3A_123, %shift_left3A_125 : vector<256x64xi32>
    %or3A_127 = arith.ori %shift_right_logical3A_110, %shift_left3A_126 : vector<256x64xi32>
    %bitcast_convert_type3A_128 = tpu.bitcast %or3A_127 : vector<256x64xi32> -> vector<256x64xi32>
    %swap3A_129 = arith.constant 0 : index
    %swap3A_130 = arith.constant 0 : index
    %swap3A_131 = vector.load %arg10[%swap3A_129, %swap3A_130] : memref<256x64xi32, #tpu.memory_space<vmem>>, vector<256x64xi32>
    tpu.vector_store %arg10[%swap3A_129, %swap3A_130], %bitcast_convert_type3A_128 {strides = array<i32>} : memref<256x64xi32, #tpu.memory_space<vmem>>, vector<256x64xi32>,
    return
  }
  func.func @transform_0(%arg0: i32) -> (i32, i32) {
    %c0_i32 = arith.constant 0 : i32
    %c0_i32_0 = arith.constant 0 : i32
    return %arg0, %c0_i32 : i32, i32
  }
  func.func @transform_1(%arg0: i32) -> (i32, i32) {
    %c0_i32 = arith.constant 0 : i32
    %c0_i32_0 = arith.constant 0 : i32
    %c0_i32_1 = arith.constant 0 : i32
    return %c0_i32, %c0_i32_0 : i32, i32
  }
  func.func @transform_2(%arg0: i32) -> (i32, i32) {
    %c0_i32 = arith.constant 0 : i32
    %c0_i32_0 = arith.constant 0 : i32
    %c0_i32_1 = arith.constant 0 : i32
    return %c0_i32, %c0_i32_0 : i32, i32
  }
  func.func @transform_3(%arg0: i32) -> (i32, i32) {
    %c0_i32 = arith.constant 0 : i32
    %c0_i32_0 = arith.constant 0 : i32
    %c0_i32_1 = arith.constant 0 : i32
    return %c0_i32, %c0_i32_0 : i32, i32
  }
  func.func @transform_4(%arg0: i32) -> (i32, i32) {
    %c0_i32 = arith.constant 0 : i32
    %c0_i32_0 = arith.constant 0 : i32
    %c0_i32_1 = arith.constant 0 : i32
    return %c0_i32, %c0_i32_0 : i32, i32
  }
  func.func @transform_5(%arg0: i32) -> (i32, i32) {
    %c0_i32 = arith.constant 0 : i32
    %c0_i32_0 = arith.constant 0 : i32
    %c0_i32_1 = arith.constant 0 : i32
    return %c0_i32, %c0_i32_0 : i32, i32
  }
  func.func @transform_6(%arg0: i32) -> (i32, i32) {
    %c0_i32 = arith.constant 0 : i32
    %c0_i32_0 = arith.constant 0 : i32
    %c0_i32_1 = arith.constant 0 : i32
    return %c0_i32, %c0_i32_0 : i32, i32
  }
  func.func @transform_7(%arg0: i32) -> (i32, i32) {
    %c0_i32 = arith.constant 0 : i32
    %c0_i32_0 = arith.constant 0 : i32
    return %arg0, %c0_i32 : i32, i32
  }
  func.func @transform_8(%arg0: i32) -> (i32, i32) {
    %c0_i32 = arith.constant 0 : i32
    %c0_i32_0 = arith.constant 0 : i32
    return %arg0, %c0_i32 : i32, i32
  }
  func.func @transform_9(%arg0: i32) -> (i32, i32) {
    %c0_i32 = arith.constant 0 : i32
    %c0_i32_0 = arith.constant 0 : i32
    return %arg0, %c0_i32 : i32, i32
  }
}

module attributes {stable_mosaic.version = 14 : i64} {
  func.func @_post_body(%arg0: i32, %arg1: memref<1x400x136xf32, #tpu.memory_space<vmem>>, %arg2: memref<1x400x136xf32, #tpu.memory_space<vmem>>, %arg3: memref<400x128xf32, #tpu.memory_space<vmem>>, %arg4: memref<8x128xf32, #tpu.memory_space<vmem>>, %arg5: memref<128x128xf32, #tpu.memory_space<vmem>>, %arg6: memref<1x128xf32, #tpu.memory_space<vmem>>, %arg7: memref<1x128xf32, #tpu.memory_space<vmem>>, %arg8: memref<1x128xf32, #tpu.memory_space<vmem>>, %arg9: memref<256x128xf32, #tpu.memory_space<vmem>>, %arg10: memref<1x256xf32, #tpu.memory_space<vmem>>, %arg11: memref<128x256xf32, #tpu.memory_space<vmem>>, %arg12: memref<1x128xf32, #tpu.memory_space<vmem>>, %arg13: memref<1x128xf32, #tpu.memory_space<vmem>>, %arg14: memref<1x128xf32, #tpu.memory_space<vmem>>, %arg15: memref<400x128xf32, #tpu.memory_space<vmem>>) attributes {dimension_semantics = [#tpu.dimension_semantics<arbitrary>], iteration_bounds = array<i64: 25>, scalar_prefetch = 0 : i64, scratch_operands = 0 : i64, tpu.core_type = #tpu.core_type<tc>, window_params = [{transform_indices = @transform_0, window_bounds = array<i64: 1, 400, 136>}, {transform_indices = @transform_1, window_bounds = array<i64: 1, 400, 136>}, {transform_indices = @transform_2, window_bounds = array<i64: 400, 128>}, {pipeline_mode = #tpu.pipeline_mode<synchronous>, transform_indices = @transform_3, window_bounds = array<i64: 8, 128>}, {pipeline_mode = #tpu.pipeline_mode<synchronous>, transform_indices = @transform_4, window_bounds = array<i64: 128, 128>}, {pipeline_mode = #tpu.pipeline_mode<synchronous>, transform_indices = @transform_5, window_bounds = array<i64: 1, 128>}, {pipeline_mode = #tpu.pipeline_mode<synchronous>, transform_indices = @transform_6, window_bounds = array<i64: 1, 128>}, {pipeline_mode = #tpu.pipeline_mode<synchronous>, transform_indices = @transform_7, window_bounds = array<i64: 1, 128>}, {pipeline_mode = #tpu.pipeline_mode<synchronous>, transform_indices = @transform_8, window_bounds = array<i64: 256, 128>}, {pipeline_mode = #tpu.pipeline_mode<synchronous>, transform_indices = @transform_9, window_bounds = array<i64: 1, 256>}, {pipeline_mode = #tpu.pipeline_mode<synchronous>, transform_indices = @transform_10, window_bounds = array<i64: 128, 256>}, {pipeline_mode = #tpu.pipeline_mode<synchronous>, transform_indices = @transform_11, window_bounds = array<i64: 1, 128>}, {pipeline_mode = #tpu.pipeline_mode<synchronous>, transform_indices = @transform_12, window_bounds = array<i64: 1, 128>}, {pipeline_mode = #tpu.pipeline_mode<synchronous>, transform_indices = @transform_13, window_bounds = array<i64: 1, 128>}, {transform_indices = @transform_14, window_bounds = array<i64: 400, 128>}]} {
    %get3A = arith.constant 0 : index
    %get3A_0 = arith.constant 0 : index
    %get3A_1 = arith.constant 0 : index
    %get3A_2 = vector.load %arg1[%get3A, %get3A_0, %get3A_1] : memref<1x400x136xf32, #tpu.memory_space<vmem>>, vector<1x400x136xf32>
    %get3A_3 = vector.shape_cast %get3A_2 : vector<1x400x136xf32> to vector<400x136xf32>
    %get3A_4 = arith.constant 0 : index
    %get3A_5 = arith.constant 0 : index
    %get3A_6 = arith.constant 0 : index
    %get3A_7 = vector.load %arg2[%get3A_4, %get3A_5, %get3A_6] : memref<1x400x136xf32, #tpu.memory_space<vmem>>, vector<1x400x136xf32>
    %get3A_8 = vector.shape_cast %get3A_7 : vector<1x400x136xf32> to vector<400x136xf32>
    %slice3A = vector.extract_strided_slice %get3A_3 {offsets = [0, 0], sizes = [400, 128], strides = [1, 1]} : vector<400x136xf32> to vector<400x128xf32>
    %slice3A_9 = vector.extract_strided_slice %get3A_8 {offsets = [0, 0], sizes = [400, 128], strides = [1, 1]} : vector<400x136xf32> to vector<400x128xf32>
    %add3A = arith.addf %slice3A, %slice3A_9 : vector<400x128xf32>
    %slice3A_10 = vector.extract_strided_slice %get3A_3 {offsets = [0, 128], sizes = [400, 8], strides = [1, 1]} : vector<400x136xf32> to vector<400x8xf32>
    %slice3A_11 = vector.extract_strided_slice %get3A_8 {offsets = [0, 128], sizes = [400, 8], strides = [1, 1]} : vector<400x136xf32> to vector<400x8xf32>
    %add3A_12 = arith.addf %slice3A_10, %slice3A_11 : vector<400x8xf32>
    %eq3A = arith.constant 0.000000e+00 : f32
    %eq3A_13 = vector.broadcast %eq3A : f32 to vector<400x8xf32>
    %eq3A_14 = arith.cmpf oeq, %add3A_12, %eq3A_13 : vector<400x8xf32>
    %jit3A = arith.constant 1.000000e+00 : f32
    %broadcast_in_dim3A = vector.broadcast %jit3A : f32 to vector<400x8xf32>
    %select_n3A = arith.select %eq3A_14, %broadcast_in_dim3A, %add3A_12 : vector<400x8xi1>, vector<400x8xf32>
    %get3A_15 = arith.constant 0 : index
    %get3A_16 = arith.constant 0 : index
    %get3A_17 = vector.load %arg4[%get3A_15, %get3A_16] : memref<8x128xf32, #tpu.memory_space<vmem>>, vector<8x128xf32>
    %dot_general3A = arith.constant dense<0.000000e+00> : vector<400x128xf32>
    %dot_general3A_18 = tpu.matmul %select_n3A, %get3A_17, %dot_general3A {dimension_numbers = #tpu.dot_dimension_numbers<[1], [0], [0], [1], [0, 0, 1, 1], [], []>, transpose_lhs_hint = false} : vector<400x8xf32>, vector<8x128xf32>, vector<400x128xf32> -> vector<400x128xf32>
    %div3A = arith.divf %add3A, %dot_general3A_18 : vector<400x128xf32>
    %get3A_19 = arith.constant 0 : index
    %get3A_20 = arith.constant 0 : index
    %get3A_21 = vector.load %arg3[%get3A_19, %get3A_20] : memref<400x128xf32, #tpu.memory_space<vmem>>, vector<400x128xf32>
    %get3A_22 = arith.constant 0 : index
    %get3A_23 = arith.constant 0 : index
    %get3A_24 = vector.load %arg5[%get3A_22, %get3A_23] : memref<128x128xf32, #tpu.memory_space<vmem>>, vector<128x128xf32>
    %dot_general3A_25 = arith.constant dense<0.000000e+00> : vector<400x128xf32>
    %dot_general3A_26 = tpu.matmul %div3A, %get3A_24, %dot_general3A_25 {dimension_numbers = #tpu.dot_dimension_numbers<[1], [1], [0], [0], [0, 0, 1, 0], [], []>, transpose_lhs_hint = false} : vector<400x128xf32>, vector<128x128xf32>, vector<400x128xf32> -> vector<400x128xf32>
    %get3A_27 = arith.constant 0 : index
    %get3A_28 = arith.constant 0 : index
    %get3A_29 = vector.load %arg6[%get3A_27, %get3A_28] : memref<1x128xf32, #tpu.memory_space<vmem>>, vector<1x128xf32>
    %add3A_30 = vector.broadcast %get3A_29 : vector<1x128xf32> to vector<400x128xf32>
    %add3A_31 = arith.addf %dot_general3A_26, %add3A_30 : vector<400x128xf32>
    %add3A_32 = arith.addf %add3A_31, %get3A_21 : vector<400x128xf32>
    %get3A_33 = arith.constant 0 : index
    %get3A_34 = arith.constant 0 : index
    %get3A_35 = vector.load %arg7[%get3A_33, %get3A_34] : memref<1x128xf32, #tpu.memory_space<vmem>>, vector<1x128xf32>
    %get3A_36 = arith.constant 0 : index
    %get3A_37 = arith.constant 0 : index
    %get3A_38 = vector.load %arg8[%get3A_36, %get3A_37] : memref<1x128xf32, #tpu.memory_space<vmem>>, vector<1x128xf32>
    %reduce_sum3A = arith.constant dense<0.000000e+00> : vector<400xf32>
    %reduce_sum3A_39 = vector.multi_reduction <add>, %add3A_32, %reduce_sum3A [1] : vector<400x128xf32> to vector<400xf32>
    %broadcast_in_dim3A_40 = vector.shape_cast %reduce_sum3A_39 : vector<400xf32> to vector<400x1xf32>
    %div3A_41 = arith.constant 1.280000e+02 : f32
    %div3A_42 = vector.broadcast %div3A_41 : f32 to vector<400x1xf32>
    %div3A_43 = arith.divf %broadcast_in_dim3A_40, %div3A_42 : vector<400x1xf32>
    %sub3A = vector.broadcast %div3A_43 : vector<400x1xf32> to vector<400x128xf32>
    %sub3A_44 = arith.subf %add3A_32, %sub3A : vector<400x128xf32>
    %integer_pow3A = arith.mulf %sub3A_44, %sub3A_44 : vector<400x128xf32>
    %reduce_sum3A_45 = arith.constant dense<0.000000e+00> : vector<400xf32>
    %reduce_sum3A_46 = vector.multi_reduction <add>, %integer_pow3A, %reduce_sum3A_45 [1] : vector<400x128xf32> to vector<400xf32>
    %broadcast_in_dim3A_47 = vector.shape_cast %reduce_sum3A_46 : vector<400xf32> to vector<400x1xf32>
    %div3A_48 = arith.constant 1.280000e+02 : f32
    %div3A_49 = vector.broadcast %div3A_48 : f32 to vector<400x1xf32>
    %div3A_50 = arith.divf %broadcast_in_dim3A_47, %div3A_49 : vector<400x1xf32>
    %sub3A_51 = vector.broadcast %div3A_43 : vector<400x1xf32> to vector<400x128xf32>
    %sub3A_52 = arith.subf %add3A_32, %sub3A_51 : vector<400x128xf32>
    %add3A_53 = arith.constant 9.99999974E-6 : f32
    %add3A_54 = vector.broadcast %add3A_53 : f32 to vector<400x1xf32>
    %add3A_55 = arith.addf %div3A_50, %add3A_54 : vector<400x1xf32>
    %sqrt3A = math.sqrt %add3A_55 : vector<400x1xf32>
    %div3A_56 = vector.broadcast %sqrt3A : vector<400x1xf32> to vector<400x128xf32>
    %div3A_57 = arith.divf %sub3A_52, %div3A_56 : vector<400x128xf32>
    %mul3A = vector.broadcast %get3A_35 : vector<1x128xf32> to vector<400x128xf32>
    %mul3A_58 = arith.mulf %div3A_57, %mul3A : vector<400x128xf32>
    %add3A_59 = vector.broadcast %get3A_38 : vector<1x128xf32> to vector<400x128xf32>
    %add3A_60 = arith.addf %mul3A_58, %add3A_59 : vector<400x128xf32>
    %get3A_61 = arith.constant 0 : index
    %get3A_62 = arith.constant 0 : index
    %get3A_63 = vector.load %arg9[%get3A_61, %get3A_62] : memref<256x128xf32, #tpu.memory_space<vmem>>, vector<256x128xf32>
    %dot_general3A_64 = arith.constant dense<0.000000e+00> : vector<400x256xf32>
    %dot_general3A_65 = tpu.matmul %add3A_60, %get3A_63, %dot_general3A_64 {dimension_numbers = #tpu.dot_dimension_numbers<[1], [1], [0], [0], [0, 0, 1, 0], [], []>, transpose_lhs_hint = false} : vector<400x128xf32>, vector<256x128xf32>, vector<400x256xf32> -> vector<400x256xf32>
    %get3A_66 = arith.constant 0 : index
    %get3A_67 = arith.constant 0 : index
    %get3A_68 = vector.load %arg10[%get3A_66, %get3A_67] : memref<1x256xf32, #tpu.memory_space<vmem>>, vector<1x256xf32>
    %add3A_69 = vector.broadcast %get3A_68 : vector<1x256xf32> to vector<400x256xf32>
    %add3A_70 = arith.addf %dot_general3A_65, %add3A_69 : vector<400x256xf32>
    %max3A = arith.constant 0.000000e+00 : f32
    %max3A_71 = vector.broadcast %max3A : f32 to vector<400x256xf32>
    %max3A_72 = arith.maximumf %add3A_70, %max3A_71 : vector<400x256xf32>
    %get3A_73 = arith.constant 0 : index
    %get3A_74 = arith.constant 0 : index
    %get3A_75 = vector.load %arg11[%get3A_73, %get3A_74] : memref<128x256xf32, #tpu.memory_space<vmem>>, vector<128x256xf32>
    %dot_general3A_76 = arith.constant dense<0.000000e+00> : vector<400x128xf32>
    %dot_general3A_77 = tpu.matmul %max3A_72, %get3A_75, %dot_general3A_76 {dimension_numbers = #tpu.dot_dimension_numbers<[1], [1], [0], [0], [0, 0, 1, 0], [], []>, transpose_lhs_hint = false} : vector<400x256xf32>, vector<128x256xf32>, vector<400x128xf32> -> vector<400x128xf32>
    %get3A_78 = arith.constant 0 : index
    %get3A_79 = arith.constant 0 : index
    %get3A_80 = vector.load %arg12[%get3A_78, %get3A_79] : memref<1x128xf32, #tpu.memory_space<vmem>>, vector<1x128xf32>
    %add3A_81 = vector.broadcast %get3A_80 : vector<1x128xf32> to vector<400x128xf32>
    %add3A_82 = arith.addf %dot_general3A_77, %add3A_81 : vector<400x128xf32>
    %add3A_83 = arith.addf %add3A_82, %add3A_60 : vector<400x128xf32>
    %get3A_84 = arith.constant 0 : index
    %get3A_85 = arith.constant 0 : index
    %get3A_86 = vector.load %arg13[%get3A_84, %get3A_85] : memref<1x128xf32, #tpu.memory_space<vmem>>, vector<1x128xf32>
    %get3A_87 = arith.constant 0 : index
    %get3A_88 = arith.constant 0 : index
    %get3A_89 = vector.load %arg14[%get3A_87, %get3A_88] : memref<1x128xf32, #tpu.memory_space<vmem>>, vector<1x128xf32>
    %reduce_sum3A_90 = arith.constant dense<0.000000e+00> : vector<400xf32>
    %reduce_sum3A_91 = vector.multi_reduction <add>, %add3A_83, %reduce_sum3A_90 [1] : vector<400x128xf32> to vector<400xf32>
    %broadcast_in_dim3A_92 = vector.shape_cast %reduce_sum3A_91 : vector<400xf32> to vector<400x1xf32>
    %div3A_93 = arith.constant 1.280000e+02 : f32
    %div3A_94 = vector.broadcast %div3A_93 : f32 to vector<400x1xf32>
    %div3A_95 = arith.divf %broadcast_in_dim3A_92, %div3A_94 : vector<400x1xf32>
    %sub3A_96 = vector.broadcast %div3A_95 : vector<400x1xf32> to vector<400x128xf32>
    %sub3A_97 = arith.subf %add3A_83, %sub3A_96 : vector<400x128xf32>
    %integer_pow3A_98 = arith.mulf %sub3A_97, %sub3A_97 : vector<400x128xf32>
    %reduce_sum3A_99 = arith.constant dense<0.000000e+00> : vector<400xf32>
    %reduce_sum3A_100 = vector.multi_reduction <add>, %integer_pow3A_98, %reduce_sum3A_99 [1] : vector<400x128xf32> to vector<400xf32>
    %broadcast_in_dim3A_101 = vector.shape_cast %reduce_sum3A_100 : vector<400xf32> to vector<400x1xf32>
    %div3A_102 = arith.constant 1.280000e+02 : f32
    %div3A_103 = vector.broadcast %div3A_102 : f32 to vector<400x1xf32>
    %div3A_104 = arith.divf %broadcast_in_dim3A_101, %div3A_103 : vector<400x1xf32>
    %sub3A_105 = vector.broadcast %div3A_95 : vector<400x1xf32> to vector<400x128xf32>
    %sub3A_106 = arith.subf %add3A_83, %sub3A_105 : vector<400x128xf32>
    %add3A_107 = arith.constant 9.99999974E-6 : f32
    %add3A_108 = vector.broadcast %add3A_107 : f32 to vector<400x1xf32>
    %add3A_109 = arith.addf %div3A_104, %add3A_108 : vector<400x1xf32>
    %sqrt3A_110 = math.sqrt %add3A_109 : vector<400x1xf32>
    %div3A_111 = vector.broadcast %sqrt3A_110 : vector<400x1xf32> to vector<400x128xf32>
    %div3A_112 = arith.divf %sub3A_106, %div3A_111 : vector<400x128xf32>
    %mul3A_113 = vector.broadcast %get3A_86 : vector<1x128xf32> to vector<400x128xf32>
    %mul3A_114 = arith.mulf %div3A_112, %mul3A_113 : vector<400x128xf32>
    %add3A_115 = vector.broadcast %get3A_89 : vector<1x128xf32> to vector<400x128xf32>
    %add3A_116 = arith.addf %mul3A_114, %add3A_115 : vector<400x128xf32>
    %swap3A = arith.constant 0 : index
    %swap3A_117 = arith.constant 0 : index
    %swap3A_118 = vector.load %arg15[%swap3A, %swap3A_117] : memref<400x128xf32, #tpu.memory_space<vmem>>, vector<400x128xf32>
    tpu.vector_store %arg15[%swap3A, %swap3A_117], %add3A_116 {strides = array<i32>} : memref<400x128xf32, #tpu.memory_space<vmem>>, vector<400x128xf32>,
    return
  }
  func.func @transform_0(%arg0: i32) -> (i32, i32, i32) {
    %c0_i32 = arith.constant 0 : i32
    %c0_i32_0 = arith.constant 0 : i32
    %c0_i32_1 = arith.constant 0 : i32
    return %c0_i32, %arg0, %c0_i32_0 : i32, i32, i32
  }
  func.func @transform_1(%arg0: i32) -> (i32, i32, i32) {
    %c1_i32 = arith.constant 1 : i32
    %c0_i32 = arith.constant 0 : i32
    %c0_i32_0 = arith.constant 0 : i32
    return %c1_i32, %arg0, %c0_i32 : i32, i32, i32
  }
  func.func @transform_2(%arg0: i32) -> (i32, i32) {
    %c0_i32 = arith.constant 0 : i32
    %c0_i32_0 = arith.constant 0 : i32
    return %arg0, %c0_i32 : i32, i32
  }
  func.func @transform_3(%arg0: i32) -> (i32, i32) {
    %c0_i32 = arith.constant 0 : i32
    %c0_i32_0 = arith.constant 0 : i32
    %c0_i32_1 = arith.constant 0 : i32
    return %c0_i32, %c0_i32_0 : i32, i32
  }
  func.func @transform_4(%arg0: i32) -> (i32, i32) {
    %c0_i32 = arith.constant 0 : i32
    %c0_i32_0 = arith.constant 0 : i32
    %c0_i32_1 = arith.constant 0 : i32
    return %c0_i32, %c0_i32_0 : i32, i32
  }
  func.func @transform_5(%arg0: i32) -> (i32, i32) {
    %c0_i32 = arith.constant 0 : i32
    %c0_i32_0 = arith.constant 0 : i32
    %c0_i32_1 = arith.constant 0 : i32
    return %c0_i32, %c0_i32_0 : i32, i32
  }
  func.func @transform_6(%arg0: i32) -> (i32, i32) {
    %c0_i32 = arith.constant 0 : i32
    %c0_i32_0 = arith.constant 0 : i32
    %c0_i32_1 = arith.constant 0 : i32
    return %c0_i32, %c0_i32_0 : i32, i32
  }
  func.func @transform_7(%arg0: i32) -> (i32, i32) {
    %c0_i32 = arith.constant 0 : i32
    %c0_i32_0 = arith.constant 0 : i32
    %c0_i32_1 = arith.constant 0 : i32
    return %c0_i32, %c0_i32_0 : i32, i32
  }
  func.func @transform_8(%arg0: i32) -> (i32, i32) {
    %c0_i32 = arith.constant 0 : i32
    %c0_i32_0 = arith.constant 0 : i32
    %c0_i32_1 = arith.constant 0 : i32
    return %c0_i32, %c0_i32_0 : i32, i32
  }
  func.func @transform_9(%arg0: i32) -> (i32, i32) {
    %c0_i32 = arith.constant 0 : i32
    %c0_i32_0 = arith.constant 0 : i32
    %c0_i32_1 = arith.constant 0 : i32
    return %c0_i32, %c0_i32_0 : i32, i32
  }
  func.func @transform_10(%arg0: i32) -> (i32, i32) {
    %c0_i32 = arith.constant 0 : i32
    %c0_i32_0 = arith.constant 0 : i32
    %c0_i32_1 = arith.constant 0 : i32
    return %c0_i32, %c0_i32_0 : i32, i32
  }
  func.func @transform_11(%arg0: i32) -> (i32, i32) {
    %c0_i32 = arith.constant 0 : i32
    %c0_i32_0 = arith.constant 0 : i32
    %c0_i32_1 = arith.constant 0 : i32
    return %c0_i32, %c0_i32_0 : i32, i32
  }
  func.func @transform_12(%arg0: i32) -> (i32, i32) {
    %c0_i32 = arith.constant 0 : i32
    %c0_i32_0 = arith.constant 0 : i32
    %c0_i32_1 = arith.constant 0 : i32
    return %c0_i32, %c0_i32_0 : i32, i32
  }
  func.func @transform_13(%arg0: i32) -> (i32, i32) {
    %c0_i32 = arith.constant 0 : i32
    %c0_i32_0 = arith.constant 0 : i32
    %c0_i32_1 = arith.constant 0 : i32
    return %c0_i32, %c0_i32_0 : i32, i32
  }
  func.func @transform_14(%arg0: i32) -> (i32, i32) {
    %c0_i32 = arith.constant 0 : i32
    %c0_i32_0 = arith.constant 0 : i32
    return %arg0, %c0_i32 : i32, i32
  }
}

</mosaic_0001>

<sc_bundles>
// kernel: kernel.5.cloned.1.call-start
scs
__scs_entry_jumppad:
0x0: {  	(pc) =	sbr.rel $0x88, $3  }
0x1: {  	(tag) =	ssettag $0x0;
	lr =	simm.s32 $0x1  }
0x2: {  	[smem:$0x3F92] =	sst lr;
	_ =	strace $0xD0000000  }
0x3: {  	_ = 	snop  }
0x4: {  	_ = 	snop  }
0x5: {  	_ = 	snop  }
0x6: {  	_ = 	snop  }
0x7: {  	_ = 	snop  }
__scs_overlays_trampoline_lowered:
0x8: {  	[smem:$0x3FA1] =	sst s0  }
0x9: {  	[smem:$0x3FA2] =	sst s1  }
0xa: {  	[smem:$0x3FA3] =	sst s2  }
0xb: {  	[smem:$0x3FA4] =	sst s3  }
0xc: {  	[smem:$0x3FA5] =	sst s4  }
0xd: {  	[smem:$0x3FA6] =	sst s5  }
0xe: {  	[smem:$0x3FA7] =	sst s6  }
0xf: {  	[smem:$0x3FA8] =	sst s7  }
0x10: {  	[smem:$0x3FA9] =	sst s8  }
0x11: {  	[smem:$0x3FAA] =	sst s9;
	s0 =	simm.s32 @!p0 $0x0  }
0x12: {  	s1 =	sld [smem:$0x3F90];
	s0 =	simm.s32 @p0 $0x1  }
0x13: {  	[smem:$0x3FAB] =	sst s0;
	s0 =	simm.s32 @!p1 $0x0  }
0x14: {  	s2 =	sld [smem:$0x3F8F];
	s0 =	simm.s32 @p1 $0x1  }
0x15: {  	[smem:$0x3FAC] =	sst s0;
	s0 =	simm.s32 @!p2 $0x0  }
0x16: {  	s3 =	sld [smem:$0x3FDB];
	s0 =	simm.s32 @p2 $0x1  }
0x17: {  	s4 =	simm.s32 $0x1BF5;
	[smem:$0x3FAE] =	sst s0  }
0x18: {  	s0 =	sld [smem:$0x3F91];
	_ =	swait.ge [sflag:s4], $0x0  }
0x19: {  	s7 =	sld [smem:$0x3F92]  }
0x1a: {  	s8 =	sadd.s32 $0xFFFFE003, lr  }
0x1b: {  	s9 =	sadd.s32 $0xFFFFFEF7, lr;
	s5 =	simm.s32 $0xFFFFFFFF;
	p2 =	slt.u32 s8, $0xFFFFF086  }
0x1c: {  	p1 =	slt.u32 s9, $0xF7A;
	s5 =	simm.s32 @!p2 $0x0  }
0x1d: {  	s5 =	simm.s32 @p1 $0x1;
	p0 =	seq.s32 s7, s2  }
0x1e: {  	s7 =	smul.u32 @!p0 $0xF7A, s2;
	p2 =	seq.s32 @!p0 s5, $0x0  }
0x1f: {  	s9 =	smul.u32 $0xF7A, s1;
	s8 =	simm.s32 @!p0 $0x1BF5;
	p2 =	por !p2, p0  }
0x20: {  	[sflag:s8] =	ssyncset.s32 @!p0 $0xFFFFF086;
	s6 =	sadd.s32 @!p0 s3, s7;
	s7 =	simm.s32 @!p0 $0x108  }
0x21: {  	s3 =	sadd.s32 s3, s9;
	s6 =	sadd.s32 @!p0 $0x88, s6;
	s7 =	simm.s32 @p2 $0x1082  }
0x22: {  	[simem:s7], [sflag:s8] =	dma.local @!p0 [hbm:s6], $0xF7A  }
0x23: {  	s9 =	sor.u32 $0xD0000000, s2;
	s6 =	simm.s32 $0x108;
	_ =	swait.ge @!p0 [sflag:s8], $0x0  }
0x24: {  	s3 =	sadd.s32 $0x88, s3;
	s6 =	simm.s32 @!p1 $0x1082;
	[sflag:s4] =	ssyncset.s32 $0xFFFFF086  }
0x25: {  	[simem:s6], [sflag:s4] =	dma.local [hbm:s3], $0xF7A  }
0x26: {  	[smem:$0x3F92] =	sst s1;
	(tag) =	ssettag s2;
	_ =	strace s9  }
0x27: {  	s1 =	sld [smem:$0x3FA2]  }
0x28: {  	s2 =	sld [smem:$0x3FA3]  }
0x29: {  	s4 =	sld [smem:$0x3FA5]  }
0x2a: {  	p0 =	seq.s32 s5, $0x0;
	s5 =	sld [smem:$0x3FA6]  }
0x2b: {  	s6 =	sld [smem:$0x3FA7]  }
0x2c: {  	s7 =	sld [smem:$0x3FA8]  }
0x2d: {  	s3 =	simm.s32 $0x108;
	s8 =	sld [smem:$0x3FA9]  }
0x2e: {  	s3 =	simm.s32 @!p0 $0x1082;
	s9 =	sld [smem:$0x3FAA]  }
0x2f: {  	lr =	sadd.s32 s0, s3;
	s0 =	sld [smem:$0x3FA1]  }
0x30: {  	s3 =	sld [smem:$0x3FA4]  }
0x31: {  	[smem:$0x3FAD] =	sst s10  }
0x32: {  	s10 =	sld [smem:$0x3FAB];
	_ =	sdelay $0x3  }
0x33: {  	p0 =	seq.s32 s10, $0x1;
	s10 =	sld [smem:$0x3FAD];
	_ =	sdelay $0x3  }
0x34: {  	[smem:$0x3FAD] =	sst s10  }
0x35: {  	s10 =	sld [smem:$0x3FAC];
	_ =	sdelay $0x3  }
0x36: {  	p1 =	seq.s32 s10, $0x1;
	s10 =	sld [smem:$0x3FAD];
	_ =	sdelay $0x3  }
0x37: {  	[smem:$0x3FAD] =	sst s10  }
0x38: {  	s10 =	sld [smem:$0x3FAE]  }
0x39: {  	_ = 	snop;
	(pc) =	sbr.ind lr, $3  }
0x3a: {  	_ = 	snop  }
0x3b: {  	_ = 	snop  }
0x3c: {  	p2 =	seq.s32 s10, $0x1;
	s10 =	sld [smem:$0x3FAD]  }
0x3d: {  	_ =	shalt  }
0x3e: {  	_ =	shalt  }
0x3f: {  	_ =	shalt  }
0x40: {  	_ =	shalt  }
0x41: {  	_ =	shalt  }
0x42: {  	_ =	shalt  }
0x43: {  	_ =	shalt  }
0x44: {  	_ =	shalt  }
0x45: {  	_ =	shalt  }
0x46: {  	_ =	shalt  }
0x47: {  	_ =	shalt  }
0x48: {  	_ =	shalt  }
0x49: {  	_ =	shalt  }
0x4a: {  	_ =	shalt  }
0x4b: {  	_ =	shalt  }
0x4c: {  	_ =	shalt  }
0x4d: {  	_ =	shalt  }
0x4e: {  	_ =	shalt  }
0x4f: {  	_ =	shalt  }
0x50: {  	_ =	shalt  }
0x51: {  	_ =	shalt  }
0x52: {  	_ =	shalt  }
0x53: {  	_ =	shalt  }
0x54: {  	_ =	shalt  }
0x55: {  	_ =	shalt  }
0x56: {  	_ =	shalt  }
0x57: {  	_ =	shalt  }
0x58: {  	_ =	shalt  }
0x59: {  	_ =	shalt  }
0x5a: {  	_ =	shalt  }
0x5b: {  	_ =	shalt  }
0x5c: {  	_ =	shalt  }
0x5d: {  	_ =	shalt  }
0x5e: {  	_ =	shalt  }
0x5f: {  	_ =	shalt  }
0x60: {  	_ =	shalt  }
0x61: {  	_ =	shalt  }
0x62: {  	_ =	shalt  }
0x63: {  	_ =	shalt  }
0x64: {  	_ =	shalt  }
0x65: {  	_ =	shalt  }
0x66: {  	_ =	shalt  }
0x67: {  	_ =	shalt  }
0x68: {  	_ =	shalt  }
0x69: {  	_ =	shalt  }
0x6a: {  	_ =	shalt  }
0x6b: {  	_ =	shalt  }
0x6c: {  	_ =	shalt  }
0x6d: {  	_ =	shalt  }
0x6e: {  	_ =	shalt  }
0x6f: {  	_ =	shalt  }
0x70: {  	_ =	shalt  }
0x71: {  	_ =	shalt  }
0x72: {  	_ =	shalt  }
0x73: {  	_ =	shalt  }
0x74: {  	_ =	shalt  }
0x75: {  	_ =	shalt  }
0x76: {  	_ =	shalt  }
0x77: {  	_ =	shalt  }
0x78: {  	_ =	shalt  }
0x79: {  	_ =	shalt  }
0x7a: {  	_ =	shalt  }
0x7b: {  	_ =	shalt  }
0x7c: {  	_ =	shalt  }
0x7d: {  	_ =	shalt  }
0x7e: {  	_ =	shalt  }
0x7f: {  	_ =	shalt  }
0x80: {  	_ =	shalt  }
0x81: {  	_ =	shalt  }
0x82: {  	_ =	shalt  }
0x83: {  	_ =	shalt  }
0x84: {  	_ =	shalt  }
0x85: {  	_ =	shalt  }
0x86: {  	_ =	shalt  }
0x87: {  	_ =	shalt  }
.Lfunc_end0:
.L_simem_size_0:
called_computation_lowered:
.L_overlay_start_0:
0x88: {  	s2 =	sld [smem:$0x3FD9]  }
0x89: {  	s3 =	sld [smem:$0x3FFE];
	_ =	sdelay $0x1  }
0x8a: {  	s1 =	srdreg.scid  }
0x8b: {  	s0 =	sand.u32 $0x1, s1  }
0x8c: {  	s17 =	sshll.u32 s0, $0xA;
	s2 =	sadd.s32 s3, s2  }
0x8d: {  	s2 =	sadd.s32 s2, s17  }
0x8e: {  	[smem:$0x3FB9] =	sst s2  }
0x8f: {  	_ = 	snop  }
0x90: {  	s2 =	sld [smem:$0x3FD0];
	(tm) =	ssettm $0x1  }
0x91: {  	s18 =	sld [smem:$0x3FFB];
	_ =	sdelay $0x3  }
0x92: {  	_ =	strace s18  }
0x93: {  	s3 =	sld [smem:$0x3FFC];
	_ =	sdelay $0x3  }
0x94: {  	_ =	strace s3  }
0x95: {  	s3 =	sld [smem:$0x3FFD];
	_ =	sdelay $0x3  }
0x96: {  	_ =	strace s3  }
0x97: {  	_ =	strace $0x8FFFFFFF  }
0x98: {  	s19 =	sld [smem:$0x3FDB];
	_ =	sdelay $0x1  }
0x99: {  	s4 =	simm.s32 $_scs_section_size  }
0x9a: {  	s5 =	simm.s32 $_size__tile_overlayer_lowered;
	s6 =	simm.s32 $_tile_overlayer_lowered  }
0x9b: {  	s22 =	simm.s32 $0x1BFF;
	s21 =	sshll.u32 s6, $0x1;
	s3 =	sadd.s32 s4, s19  }
0x9c: {  	s7 =	simm.s32 $0x0;
	s20 =	sshll.u32 s5, $0x1;
	s5 =	sadd.s32 s21, s3  }
0x9d: {  	[timem:s7], [sflag:s22] =	dma.local [hbm:s5], s20  }
0x9e: {  	_ =	swait.ge [sflag:s22], s20  }
0x9f: {  	s4 =	ssub.s32 $0x0, s20;
	[sflag:s22] =	ssyncset.done $0x0  }
0xa0: {  	[sflag:s22] =	ssyncadd.s32 s4;
	_ =	sdelay $0x1  }
0xa1: {  	s23 =	simm.s32 $0x1B8B  }
0xa2: {  	_ =	swait.ge [sflag:s23], $0x1  }
0xa3: {  	[sflag:s23] =	ssyncset.done $0x0  }
0xa4: {  	s25 =	simm.s32 $0x1B8E;
	s24 =	sld [smem:$0x3FFE];
	[sflag:s23] =	ssyncadd.s32 $0xFFFFFFFF  }
0xa5: {  	s26 =	simm.s32 $execute0_lowered;
	[smem:$0x3FD2] =	sst s25  }
0xa6: {  	s5 =	sshll.u32 s26, $0x1;
	_ =	strace $0x80000046;
	[dreg:$0x1] =	wrdreg $0xFFFFFFFF  }
0xa7: {  	s28 =	simm.s32 $_size_execute0_lowered;
	s3 =	sadd.s32 s3, s5;
	[dreg:$0x0] =	wrdreg $0x0  }
0xa8: {  	s5 =	sshll.u32 s28, $0x1;
	[dreg:$0x2] =	wrdreg s3  }
0xa9: {  	[dreg:$0x3] =	wrdreg s5  }
0xaa: {  	[dreg:$0x4] =	wrdreg $0xC0  }
0xab: {  	_ =	task [dreg:s7], $0x5FFFF  }
0xac: {  	[dreg:$0x1] =	wrdreg $0xFFFFFFFF  }
0xad: {  	[dreg:$0x0] =	wrdreg $0x60  }
0xae: {  	[dreg:$0x2] =	wrdreg s2  }
0xaf: {  	[dreg:$0x3] =	wrdreg s24  }
0xb0: {  	[dreg:$0x4] =	wrdreg $0x7B000  }
0xb1: {  	[dreg:$0x5] =	wrdreg $0x9  }
0xb2: {  	_ =	task.clear_ibuf [dreg:s7], $0x6FFFF;
	_ =	strace $0x90000046  }
0xb3: {  	s29 =	simm.s32 $0x9;
	_ =	strace $0x80000048  }
0xb4: {  	_ =	swait.ge [sflag:s29], $0x1  }
0xb5: {  	[sflag:s29] =	ssyncadd.s32 $0xFFFFFFFF  }
0xb6: {  	_ =	strace $0x90000048  }
0xb7: {  	_ =	sfence  }
0xb8: {  	s30 =	sld [smem:$0x0];
	_ =	sdelay $0x2  }
0xb9: {  	s31 =	sshll.u32 s1, $0xD;
	s1 =	sshrl.u32 s1, $0x2  }
0xba: {  	s3 =	sand.u32 $0x4000, s31;
	s1 =	sadd.s32 s1, s30  }
0xbb: {  	s0 =	sor.u32 s3, s0;
	s1 =	sshll.u32 s1, $0x11  }
0xbc: {  	s0 =	sor.u32 s1, s0  }
0xbd: {  	s0 =	sadd.s32 $0x8F2B, s0  }
0xbe: {  	[sflag:s0] =	ssyncadd.remote.s32 $0x1  }
0xbf: {  	_ =	sfence.sel $0xFFFF  }
0xc0: {  	[dreg:$0x0] =	wrdreg $0xFFFFFFFF;
	(pc) =	sbr.abs _section_cstart, $3  }
0xc1: {  	[dreg:$0x1] =	wrdreg $0xFFFFFFFF  }
0xc2: {  	_ =	task.clear_ibuf [dreg:s7], $0x2FFFF;
	_ =	strace $0x9FFFFFFF  }
0xc3: {  	(tm) =	ssettm $0x7FFFFFFF  }
tec
execute0_lowered:
.L_overlay_start_1:
0x0: {  	(tag) =	ssettag $0x1  }
0x1: {  	s0 =	rddreg [dreg:$0x1]  }
0x2: {  	s3 =	rddreg [dreg:$0x2]  }
0x3: {  	s2 =	srdreg.scid;
	s1 =	stileid.u32  }
0x4: {  	s5 =	simm.s32 $0x0;
	s11 =	simm.s32 $0x40A0;
	s12 =	simm.s32 $0x6A00  }
0x5: {  	s13 =	simm.s32 $0x9;
	s14 =	simm.s32 $0x20;
	s18 =	simm.s32 $0x28A0  }
0x6: {  	s19 =	simm.s32 $0x2840;
	s23 =	simm.s32 $0x5200;
	s24 =	simm.s32 $0x51A0  }
0x7: {  	s28 =	simm.s32 $0x6200;
	s29 =	simm.s32 $0x1;
	s30 =	simm.s32 $0x2  }
0x8: {  	s31 =	simm.s32 $0x3;
	s2 =	sand.u32 $0x1, s2;
	s8 =	smul.u32 $0x15400, s1  }
0x9: {  	s4 =	sshll.u32 s1, $0x1;
	[smem:$0x7FF] =	sst s5;
	s9 =	smul.u32 $0x55000, s1  }
0xa: {  	s5 =	sadd.s32 $0x16200, s0;
	s6 =	sadd.s32 $0x2200, s0;
	s7 =	smul.u32 $0x154000, s2  }
0xb: {  	s4 =	sor.u32 s2, s4;
	_ =	strace $0x80000047;
	s2 =	ssub.s32 $0x2, s2  }
0xc: {  	s4 =	smul.u32 $0x500, s4;
	s20 =	sshrl.u32 s2, $0x1;
	s22 =	sadd.s32 s8, s3  }
0xd: {  	s26 =	sshrl.u32 s9, $0x2;
	s9 =	simm.s32 $0x0;
	s7 =	sadd.s32 s8, s7  }
0xe: {  	v0 =	vlaneseq.u32;
	v2 =	vimm.f32 $0.0e+00;
	s2 =	ssub.s32 s2, s20;
	s10 =	sadd.s32 s26, s3;
	s20 =	simm.s32 $0x30A0  }
0xf: {  	v4 =	vimm.s32 $0x27102710;
	v5 =	vimm.s32 $0x2710;
	v1 =	vmul.u32 $0x88, v0;
	s26 =	simm.s32 $0x5A00;
	s8 =	simm.s32 $0x8;
	s4 =	sadd.s32 s4, s0  }
0x10: {  	v6 =	vadd.s32 $0x1, v0;
	v7 =	vadd.s32 $0x2, v0;
	v8 =	vadd.s32 $0x3, v0;
	s7 =	sshrl.u32 s7, $0x3;
	s25 =	smax.u32 s2, $0x1;
	s2 =	simm.s32 $0x6  }
0x11: {  	v9 =	vadd.s32 $0x4, v0;
	v10 =	vadd.s32 $0x5, v0;
	v11 =	vadd.s32 $0x6, v0;
	s0 =	sadd.s32 s7, s0;
	s21 =	sadd.s32 $0x2A200, s4;
	[dreg:$0x6] =	wrdreg s25  }
0x12: {  	v12 =	vadd.s32 $0x7, v0;
	v13 =	vadd.s32 $0xFFFFFFFF, v0;
	v14 =	vadd.s32 $0xFFFFFFFE, v0;
	s4 =	simm.s32 $0x5;
	[dreg:$0x4] =	wrdreg s21;
	s0 =	sadd.s32 $0x34200, s0  }
0x13: {  	v15 =	vadd.s32 $0xFFFFFFFD, v0;
	v16 =	vadd.s32 $0xFFFFFFFC, v0;
	v17 =	vadd.s32 $0xFFFFFFFB, v0;
	s7 =	simm.s32 $0x7;
	[dreg:$0x5] =	wrdreg s0;
	s0 =	sshrl.u32 s22, $0x3  }
0x14: {  	v18 =	vadd.s32 $0xFFFFFFFA, v0;
	v19 =	vadd.s32 $0xFFFFFFF9, v0;
	v3 =	vadd.s32 $0x880, v1;
	s21 =	simm.s32 $0x38A0;
	[dreg:$0x7] =	wrdreg s0;
	s0 =	simm.s32 $0x4  }
.LBB2_1:
0x15: {  	s1 =	simm.s32 $0x0  }
0x16: {  	v20 =	vmov s1  }
0x17: {  	v20 =	vand.u32 $0xFF, v20  }
0x18: {  	[dreg:$0x8] =	wrdreg s9;
	s9 =	simm.s32 $0x1;
	v20 =	vadd.s32 v1, v20  }
.LBB2_2:
0x19: {  	p0 =	sne.s32 s9, $0x87  }
.Ltmp0:
0x1a: {  	_ = 	snop;
	(pc) =	sbr.rel @p0 .LBB2_2-.Ltmp0, $4  }
0x1b: {  	_ = 	snop  }
0x1c: {  	v21 =	vmov s9;
	s9 =	sadd.s32 $0x1, s9  }
0x1d: {  	v21 =	vand.u32 $0xFF, v21;
	[tilespmem:v20+s11+$0x0] =	vst.idx.msk $0xffff, v2  }
0x1e: {  	v20 =	vadd.s32 v1, v21  }
0x1f: {  	_ = 	snop  }
0x20: {  	s9 =	simm.s32 $0x0  }
0x21: {  	v21 =	vmov s9  }
0x22: {  	v21 =	vand.u32 $0xFF, v21  }
0x23: {  	[tilespmem:v20+s11+$0x0] =	vst.idx.msk $0xffff, v2;
	s15 =	simm.s32 $0x1;
	v20 =	vadd.s32 v3, v21  }
.LBB2_4:
0x24: {  	p0 =	sne.s32 s15, $0x87  }
.Ltmp1:
0x25: {  	_ = 	snop;
	(pc) =	sbr.rel @p0 .LBB2_4-.Ltmp1, $4  }
0x26: {  	_ = 	snop  }
0x27: {  	v21 =	vmov s15;
	s15 =	sadd.s32 $0x1, s15  }
0x28: {  	v21 =	vand.u32 $0xFF, v21;
	[tilespmem:v20+s11+$0x0] =	vst.idx.msk $0xffff, v2  }
0x29: {  	v20 =	vadd.s32 v3, v21  }
0x2a: {  	_ =	sdelay $0x3  }
0x2b: {  	[tilespmem:v20+s11+$0x0] =	vst.idx.msk $0xffff, v2  }
.LBB2_6:
0x2c: {  	v20 =	vmov s9  }
0x2d: {  	v20 =	vand.u32 $0xFF, v20  }
0x2e: {  	p0 =	sne.s32 s9, $0x87;
	v20 =	vadd.s32 v1, v20  }
.Ltmp2:
0x2f: {  	_ = 	snop;
	(pc) =	sbr.rel @p0 .LBB2_6-.Ltmp2, $2  }
0x30: {  	_ =	sdelay $0x2  }
0x31: {  	s9 =	sadd.s32 $0x1, s9;
	[tilespmem:v20+s12+$0x0] =	vst.idx.msk $0xffff, v2  }
0x32: {  	s9 =	simm.s32 $0x0  }
0x33: {  	v20 =	vmov s9  }
0x34: {  	v20 =	vand.u32 $0xFF, v20  }
0x35: {  	s9 =	simm.s32 $0x1;
	v20 =	vadd.s32 v3, v20  }
.LBB2_8:
0x36: {  	p0 =	sne.s32 s9, $0x87  }
.Ltmp3:
0x37: {  	_ = 	snop;
	(pc) =	sbr.rel @p0 .LBB2_8-.Ltmp3, $4  }
0x38: {  	_ = 	snop  }
0x39: {  	v21 =	vmov s9;
	s9 =	sadd.s32 $0x1, s9  }
0x3a: {  	v21 =	vand.u32 $0xFF, v21;
	[tilespmem:v20+s12+$0x0] =	vst.idx.msk $0xffff, v2  }
0x3b: {  	v20 =	vadd.s32 v3, v21  }
0x3c: {  	_ =	sdelay $0x3  }
0x3d: {  	[tilespmem:v20+s12+$0x0] =	vst.idx.msk $0xffff, v2;
	s9 =	sadd.s32 $0x0, s10  }
0x3e: {  	[spmem:s9] =	stream.linear.scatter [tilespmem:s11], [sflag:$0x9], $0x1100, $0x38;
	[tilespmem:$0x1CF00] =	vst v63  }
0x3f: {  	s9 =	simm.s32 $0x4400;
	_ =	swait.ge [sflag:s13], $0x1100  }
.LBB2_10:
0x40: {  	s15 =	sshra.s32 s9, $0x2;
	[sflag:s13] =	ssyncset.done $0x0;
	p0 =	sne.s32 s9, $0x50C00  }
.Ltmp4:
0x41: {  	s15 =	sadd.s32 s15, s10;
	[sflag:s13] =	ssyncadd.s32 $0xFFFFEF00;
	(pc) =	sbr.rel @p0 .LBB2_10-.Ltmp4, $3  }
0x42: {  	[spmem:s15] =	stream.linear.scatter [tilespmem:s11], [sflag:$0x9], $0x1100, $0x38;
	[tilespmem:$0x1CF00] =	vst v63  }
0x43: {  	s9 =	sadd.s32 $0x4400, s9;
	_ =	sdelay $0x1  }
0x44: {  	_ =	swait.ge [sflag:s13], $0x1100  }
0x45: {  	[sflag:s13] =	ssyncset.done $0x0  }
0x46: {  	s25 =	simm.s32 $0x0;
	s1 =	rddreg [dreg:$0x4];
	[sflag:s13] =	ssyncadd.s32 $0xFFFFEF00  }
0x47: {  	[tilespmem:s25], [sflag:$0x9] =	stream.linear.gather [hbm4b:s1+s25], $0x2800, $0x38;
	[tilespmem:$0x1CF00] =	vst v63  }
0x48: {  	_ =	swait.ge [sflag:s13], $0x2800  }
0x49: {  	[sflag:s13] =	ssyncset.done $0x0  }
0x4a: {  	[sflag:s13] =	ssyncadd.s32 $0xFFFFD800  }
0x4b: {  	[tilespmem:$0x2800] =	vst v4  }
0x4c: {  	[tilespmem:$0x2810] =	vst v4  }
0x4d: {  	[tilespmem:$0x2820] =	vst v4  }
0x4e: {  	[tilespmem:$0x2830] =	vst v4  }
0x4f: {  	[tilespmem:$0x2880] =	vst v5  }
0x50: {  	[tilespmem:$0x51E0] =	vst v5  }
0x51: {  	[tilespmem:$0x2890] =	vst v5  }
0x52: {  	[tilespmem:$0x51F0] =	vst v5  }
0x53: {  	s16 =	simm.s32 $0x2880;
	[bflag:$0x0] =	sbarrier.arrive $0xFFFF  }
0x54: {  	[spmem:s3] =	stream.indirect.scatter.add.f32 [tilespmem:s11], [sflag:$0x4], $0x88, s16, s14, $0xb8;
	[tilespmem:$0x1CF00] =	vst v63  }
0x55: {  	s17 =	simm.s32 $0x51E0  }
0x56: {  	[spmem:s3] =	stream.indirect.scatter.add.f32 [tilespmem:s12], [sflag:$0x8], $0x88, s17, s14, $0xb8;
	[tilespmem:$0x1CF00] =	vst v63  }
0x57: {  	v20 =	vld [tilespmem:$0x0];
	_ =	sdelay $0x1  }
0x58: {  	v21 =	vld [tilespmem:$0x10];
	_ =	sdelay $0x2  }
0x59: {  	v22 =	vand.u32 $0xFFFF, v20  }
0x5a: {  	v20 =	vshrl.u32 v20, $0x10;
	[tilespmem:$0x2840] =	vst v22  }
0x5b: {  	[tilespmem:$0x2860] =	vst v20;
	v20 =	vand.u32 $0xFFFF, v21  }
0x5c: {  	[tilespmem:$0x2850] =	vst v20;
	v20 =	vshrl.u32 v21, $0x10  }
0x5d: {  	s9 =	simm.s32 $0x2860;
	s22 =	rddreg [dreg:$0x0];
	[tilespmem:$0x2870] =	vst v20  }
0x5e: {  	[tilespmem:s18], [sflag:$0x1] =	stream.indirect.gather [hbm4b:s22+s14], $0x40, s9, s14, $0xb8;
	[tilespmem:$0x1CF00] =	vst v63  }
0x5f: {  	_ = 	snop  }
0x60: {  	[tilespmem:s20], [sflag:$0x2] =	stream.indirect.gather [hbm4b:s5+s14], $0x40, s19, s14, $0xb8;
	[tilespmem:$0x1CF00] =	vst v63  }
0x61: {  	_ = 	snop  }
0x62: {  	[tilespmem:s21], [sflag:$0x3] =	stream.indirect.gather [hbm4b:s6+s14], $0x40, s19, s14, $0xb8;
	[tilespmem:$0x1CF00] =	vst v63  }
.LBB2_12:
0x63: {  	s9 =	sshll.u32 s25, $0x6  }
0x64: {  	s9 =	sand.u32 $0x3FFFFFC0, s9  }
0x65: {  	v20 =	vld [tilespmem:s9+$0x20];
	_ =	sdelay $0x4  }
0x66: {  	v21 =	vand.u32 $0xFFFF, v20  }
0x67: {  	v20 =	vshrl.u32 v20, $0x10;
	[tilespmem:$0x51A0] =	vst v21  }
0x68: {  	[tilespmem:$0x51C0] =	vst v20  }
0x69: {  	v20 =	vld [tilespmem:s9+$0x30];
	_ =	sdelay $0x4  }
0x6a: {  	v63 =	vand.u32 $0xFFFF, v20  }
0x6b: {  	v20 =	vshrl.u32 v20, $0x10;
	[tilespmem:$0x51B0] =	vst v63  }
0x6c: {  	s1 =	rddreg [dreg:$0x0];
	s15 =	simm.s32 $0x51C0;
	[tilespmem:$0x51D0] =	vst v20  }
0x6d: {  	[tilespmem:s23], [sflag:$0x5] =	stream.indirect.gather [hbm4b:s1+s14], $0x40, s15, s14, $0xb8;
	[tilespmem:$0x1CF00] =	vst v63  }
0x6e: {  	_ = 	snop  }
0x6f: {  	[tilespmem:s26], [sflag:$0x6] =	stream.indirect.gather [hbm4b:s5+s14], $0x40, s24, s14, $0xb8;
	[tilespmem:$0x1CF00] =	vst v63  }
0x70: {  	_ = 	snop  }
0x71: {  	[tilespmem:s28], [sflag:$0x7] =	stream.indirect.gather [hbm4b:s6+s14], $0x40, s24, s14, $0xb8;
	[tilespmem:$0x1CF00] =	vst v63  }
0x72: {  	_ =	swait.ge [sflag:s29], $0x800  }
0x73: {  	[sflag:s29] =	ssyncset.done $0x0  }
0x74: {  	[sflag:s29] =	ssyncadd.s32 $0xFFFFF800  }
0x75: {  	_ =	swait.ge [sflag:s30], $0x800  }
0x76: {  	[sflag:s30] =	ssyncset.done $0x0  }
0x77: {  	[sflag:s30] =	ssyncadd.s32 $0xFFFFF800  }
0x78: {  	_ =	swait.ge [sflag:s31], $0x800  }
0x79: {  	[sflag:s31] =	ssyncset.done $0x0  }
0x7a: {  	[sflag:s31] =	ssyncadd.s32 $0xFFFFF800  }
0x7b: {  	_ =	swait.ge [sflag:s0], $0x1100  }
0x7c: {  	[sflag:s0] =	ssyncset.done $0x0  }
0x7d: {  	p1 =	por $0x1, $0x1;
	s15 =	simm.s32 $0x0;
	[sflag:s0] =	ssyncadd.s32 $0xFFFFEF00  }
.LBB2_13:
0x7e: {  	v20 =	vor.u32 s15, v0;
	s22 =	simm.s32 $0x0  }
0x7f: {  	v21 =	vshll.u32 v20, $0x6;
	v22 =	vadd.s32 s22, v0  }
0x80: {  	v24 =	vadd.s32 s22, v6;
	v25 =	vand.u32 $0x7, v22;
	v23 =	vor.u32 s22, v21  }
0x81: {  	v22 =	vand.u32 $0x7, v24;
	v26 =	vor.u32 v25, v23  }
0x82: {  	v24 =	vadd.s32 s22, v7;
	v22 =	vor.u32 v22, v21  }
0x83: {  	v24 =	vand.u32 $0x7, v24;
	v22 =	vor.u32 s22, v22  }
0x84: {  	v27 =	vadd.s32 s22, v8;
	v24 =	vor.u32 v24, v21  }
0x85: {  	v27 =	vand.u32 $0x7, v27;
	v24 =	vor.u32 s22, v24  }
0x86: {  	v29 =	vadd.s32 s22, v9;
	v27 =	vor.u32 v27, v21;
	v28 =	vld.idx.msk [tilespmem:v26+s18+$0x0], $0xffff  }
0x87: {  	v29 =	vand.u32 $0x7, v29;
	v27 =	vor.u32 s22, v27;
	v30 =	vld.idx.msk [tilespmem:v26+s20+$0x0], $0xffff  }
0x88: {  	v32 =	vadd.s32 s22, v10;
	v29 =	vor.u32 v29, v21;
	v31 =	vld.idx.msk [tilespmem:v22+s18+$0x0], $0xffff  }
0x89: {  	v32 =	vand.u32 $0x7, v32;
	v29 =	vor.u32 s22, v29;
	v22 =	vld.idx.msk [tilespmem:v22+s20+$0x0], $0xffff  }
0x8a: {  	v34 =	vadd.s32 s22, v11;
	v32 =	vor.u32 v32, v21;
	v33 =	vld.idx.msk [tilespmem:v24+s20+$0x0], $0xffff  }
0x8b: {  	v34 =	vand.u32 $0x7, v34;
	v32 =	vor.u32 s22, v32;
	v24 =	vld.idx.msk [tilespmem:v24+s18+$0x0], $0xffff  }
0x8c: {  	v36 =	vadd.s32 s22, v12;
	v34 =	vor.u32 v34, v21;
	v35 =	vld.idx.msk [tilespmem:v27+s20+$0x0], $0xffff  }
0x8d: {  	v51 =	vand.u32 $0x7, v36;
	v27 =	vld.idx.msk [tilespmem:v27+s18+$0x0], $0xffff;
	v28 =	vmul.bf16 v30, v28;
	v30 =	vor.u32 s22, v34  }
0x8e: {  	v52 =	vld.idx.msk [tilespmem:v29+s20+$0x0], $0xffff;
	v34 =	vor.u32 v51, v21;
	v22 =	vmul.bf16 v22, v31  }
0x8f: {  	v29 =	vld.idx.msk [tilespmem:v29+s18+$0x0], $0xffff;
	v31 =	vor.u32 s22, v34;
	v53 =	vunpack.i.u.bf16.f32 v28;
	v28 =	vunpack.i.l.bf16.f32 v28  }
0x90: {  	v37 =	vld.idx.msk [tilespmem:v32+s20+$0x0], $0xffff;
	v24 =	vmul.bf16 v33, v24;
	v38 =	vunpack.i.u.bf16.f32 v22;
	v22 =	vunpack.i.l.bf16.f32 v22  }
0x91: {  	v32 =	vld.idx.msk [tilespmem:v32+s18+$0x0], $0xffff;
	v22 =	vadd.f32 v22, v28;
	v28 =	vadd.f32 v38, v53  }
0x92: {  	v27 =	vmul.bf16 v35, v27;
	v55 =	vunpack.i.u.bf16.f32 v24;
	v24 =	vunpack.i.l.bf16.f32 v24;
	v54 =	vld.idx.msk [tilespmem:v30+s20+$0x0], $0xffff  }
0x93: {  	v30 =	vld.idx.msk [tilespmem:v30+s18+$0x0], $0xffff;
	v22 =	vadd.f32 v24, v22;
	v24 =	vadd.f32 v55, v28  }
0x94: {  	v29 =	vmul.bf16 v52, v29;
	v56 =	vunpack.i.u.bf16.f32 v27;
	v27 =	vunpack.i.l.bf16.f32 v27;
	v28 =	vld.idx.msk [tilespmem:v31+s20+$0x0], $0xffff  }
0x95: {  	v31 =	vld.idx.msk [tilespmem:v31+s18+$0x0], $0xffff;
	v22 =	vadd.f32 v27, v22;
	v24 =	vadd.f32 v56, v24  }
0x96: {  	v32 =	vmul.bf16 v37, v32;
	v27 =	vunpack.i.u.bf16.f32 v29;
	v29 =	vunpack.i.l.bf16.f32 v29  }
0x97: {  	v22 =	vadd.f32 v29, v22;
	v24 =	vadd.f32 v27, v24  }
0x98: {  	v27 =	vunpack.i.u.bf16.f32 v32;
	v29 =	vunpack.i.l.bf16.f32 v32;
	v30 =	vmul.bf16 v54, v30  }
0x99: {  	v22 =	vadd.f32 v29, v22;
	v24 =	vadd.f32 v27, v24  }
0x9a: {  	v28 =	vmul.bf16 v28, v31;
	v27 =	vunpack.i.u.bf16.f32 v30;
	v29 =	vunpack.i.l.bf16.f32 v30  }
0x9b: {  	v22 =	vadd.f32 v29, v22;
	v24 =	vadd.f32 v27, v24  }
0x9c: {  	v27 =	vunpack.i.u.bf16.f32 v28;
	v28 =	vunpack.i.l.bf16.f32 v28  }
0x9d: {  	v22 =	vadd.f32 v28, v22;
	v24 =	vadd.f32 v27, v24;
	_ =	sdelay $0x1  }
0x9e: {  	v22 =	vadd.f32 v22, v24;
	_ =	sdelay $0x1  }
0x9f: {  	v22 =	vmul.f32 $2.500000000e-01, v22;
	_ =	sdelay $0x1  }
0xa0: {  	v22 =	vmul.f32 $1.442695020e+00, v22;
	_ =	sdelay $0x1  }
0xa1: {  	v24 =	vmov s22;
	(erf) = vpow2.f32 v22  }
0xa2: {  	v22 =	vand.u32 $0x7, v24  }
0xa3: {  	v24 =	vor.u32 $0x80, v22  }
0xa4: {  	v22 =	vmul.u32 $0x88, v20;
	v20 =	vbroadcast v24, $0x0;
	_ =	sdelay $0x1  }
0xa5: {  	v20 =	vadd.s32 v22, v20;
	_ =	sdelay $0x2  }
0xa6: {  	s16 =	simm.s32 $0x0  }
0xa7: {  	v27 =	vmov s16;
	v24 =	vpop (erf)  }
0xa8: {  	[tilespmem:v20+s11+$0x0] =	vst.idx.msk $0xffff, v24;
	v20 =	vand.u32 $0x78, v27  }
0xa9: {  	v26 =	vld.idx.msk [tilespmem:v26+s21+$0x0], $0xffff;
	v27 =	vbroadcast v20, $0x0;
	_ =	sdelay $0x1  }
0xaa: {  	v20 =	vadd.s32 $0x8, v22;
	v28 =	vadd.s32 v22, v27  }
0xab: {  	v30 =	vadd.s32 s22, v13;
	v29 =	vor.u32 v25, v20;
	v25 =	vor.u32 v25, v28  }
0xac: {  	v30 =	vand.u32 $0x7, v30;
	v29 =	vadd.s32 v27, v29  }
0xad: {  	v57 =	vor.u32 v30, v23;
	v31 =	vunpack.i.l.bf16.f32 v26  }
0xae: {  	v26 =	vunpack.i.u.bf16.f32 v26;
	v31 =	vmul.f32 v24, v31  }
0xaf: {  	v26 =	vmul.f32 v24, v26  }
0xb0: {  	[tilespmem:v25+s11+$0x0] =	vst.idx.msk $0xffff, v31  }
0xb1: {  	[tilespmem:v29+s11+$0x0] =	vst.idx.msk $0xffff, v26  }
0xb2: {  	v25 =	vld.idx.msk [tilespmem:v57+s21+$0x0], $0xffff;
	_ =	sdelay $0x2  }
0xb3: {  	v26 =	vor.u32 v30, v28;
	v29 =	vor.u32 v30, v20;
	v30 =	vadd.s32 s22, v14  }
0xb4: {  	v29 =	vadd.s32 v27, v29;
	v30 =	vand.u32 $0x7, v30  }
0xb5: {  	v58 =	vor.u32 v30, v23;
	v31 =	vunpack.i.l.bf16.f32 v25  }
0xb6: {  	v25 =	vunpack.i.u.bf16.f32 v25;
	v31 =	vmul.f32 v31, v24  }
0xb7: {  	v25 =	vmul.f32 v25, v24  }
0xb8: {  	[tilespmem:v26+s11+$0x0] =	vst.idx.msk $0xffff, v31  }
0xb9: {  	[tilespmem:v29+s11+$0x0] =	vst.idx.msk $0xffff, v25  }
0xba: {  	v25 =	vld.idx.msk [tilespmem:v58+s21+$0x0], $0xffff;
	_ =	sdelay $0x2  }
0xbb: {  	v26 =	vor.u32 v30, v28;
	v29 =	vor.u32 v30, v20;
	v30 =	vadd.s32 s22, v15  }
0xbc: {  	v29 =	vadd.s32 v27, v29;
	v30 =	vand.u32 $0x7, v30  }
0xbd: {  	v59 =	vor.u32 v30, v23;
	v31 =	vunpack.i.l.bf16.f32 v25  }
0xbe: {  	v25 =	vunpack.i.u.bf16.f32 v25;
	v31 =	vmul.f32 v31, v24  }
0xbf: {  	v25 =	vmul.f32 v25, v24  }
0xc0: {  	[tilespmem:v26+s11+$0x0] =	vst.idx.msk $0xffff, v31  }
0xc1: {  	[tilespmem:v29+s11+$0x0] =	vst.idx.msk $0xffff, v25  }
0xc2: {  	v25 =	vld.idx.msk [tilespmem:v59+s21+$0x0], $0xffff;
	_ =	sdelay $0x2  }
0xc3: {  	v26 =	vor.u32 v30, v28;
	v29 =	vor.u32 v30, v20;
	v30 =	vadd.s32 s22, v16  }
0xc4: {  	v29 =	vadd.s32 v27, v29;
	v30 =	vand.u32 $0x7, v30  }
0xc5: {  	v60 =	vor.u32 v30, v23;
	v31 =	vunpack.i.l.bf16.f32 v25  }
0xc6: {  	v25 =	vunpack.i.u.bf16.f32 v25;
	v31 =	vmul.f32 v31, v24  }
0xc7: {  	v25 =	vmul.f32 v25, v24  }
0xc8: {  	[tilespmem:v26+s11+$0x0] =	vst.idx.msk $0xffff, v31  }
0xc9: {  	[tilespmem:v29+s11+$0x0] =	vst.idx.msk $0xffff, v25  }
0xca: {  	v25 =	vld.idx.msk [tilespmem:v60+s21+$0x0], $0xffff;
	_ =	sdelay $0x2  }
0xcb: {  	v26 =	vor.u32 v30, v28;
	v29 =	vor.u32 v30, v20;
	v30 =	vadd.s32 s22, v17  }
0xcc: {  	v29 =	vadd.s32 v27, v29;
	v30 =	vand.u32 $0x7, v30  }
0xcd: {  	v61 =	vor.u32 v30, v23;
	v31 =	vunpack.i.l.bf16.f32 v25  }
0xce: {  	v25 =	vunpack.i.u.bf16.f32 v25;
	v31 =	vmul.f32 v31, v24  }
0xcf: {  	v25 =	vmul.f32 v25, v24  }
0xd0: {  	[tilespmem:v26+s11+$0x0] =	vst.idx.msk $0xffff, v31  }
0xd1: {  	[tilespmem:v29+s11+$0x0] =	vst.idx.msk $0xffff, v25  }
0xd2: {  	v25 =	vld.idx.msk [tilespmem:v61+s21+$0x0], $0xffff;
	_ =	sdelay $0x2  }
0xd3: {  	v26 =	vor.u32 v30, v28;
	v29 =	vor.u32 v30, v20;
	v30 =	vadd.s32 s22, v18  }
0xd4: {  	v29 =	vadd.s32 v27, v29;
	v30 =	vand.u32 $0x7, v30  }
0xd5: {  	v62 =	vor.u32 v30, v23;
	v31 =	vunpack.i.l.bf16.f32 v25  }
0xd6: {  	v25 =	vunpack.i.u.bf16.f32 v25;
	v31 =	vmul.f32 v31, v24  }
0xd7: {  	v25 =	vmul.f32 v25, v24  }
0xd8: {  	[tilespmem:v26+s11+$0x0] =	vst.idx.msk $0xffff, v31  }
0xd9: {  	[tilespmem:v29+s11+$0x0] =	vst.idx.msk $0xffff, v25  }
0xda: {  	v25 =	vld.idx.msk [tilespmem:v62+s21+$0x0], $0xffff;
	_ =	sdelay $0x2  }
0xdb: {  	v26 =	vor.u32 v30, v28;
	v29 =	vor.u32 v30, v20;
	v30 =	vadd.s32 s22, v19  }
0xdc: {  	v29 =	vadd.s32 v27, v29;
	v30 =	vand.u32 $0x7, v30  }
0xdd: {  	v23 =	vor.u32 v30, v23;
	v31 =	vunpack.i.l.bf16.f32 v25  }
0xde: {  	v25 =	vunpack.i.u.bf16.f32 v25;
	v31 =	vmul.f32 v31, v24  }
0xdf: {  	v25 =	vmul.f32 v25, v24  }
0xe0: {  	[tilespmem:v26+s11+$0x0] =	vst.idx.msk $0xffff, v31  }
0xe1: {  	[tilespmem:v29+s11+$0x0] =	vst.idx.msk $0xffff, v25  }
0xe2: {  	s22 =	simm.s32 $0x1;
	v31 =	vld.idx.msk [tilespmem:v23+s21+$0x0], $0xffff  }
0xe3: {  	v26 =	vadd.s32 s22, v6  }
0xe4: {  	v29 =	vand.u32 $0x7, v26;
	v23 =	vor.u32 v30, v20  }
0xe5: {  	s15 =	simm.s32 $0x8;
	v30 =	vor.u32 v30, v28;
	v27 =	vadd.s32 v27, v23;
	v23 =	vadd.s32 s22, v0  }
0xe6: {  	v28 =	vadd.s32 s22, v7;
	v25 =	vand.u32 $0x7, v23;
	v23 =	vor.u32 s15, v21  }
0xe7: {  	v29 =	vor.u32 v29, v21;
	v26 =	vor.u32 v25, v23;
	v63 =	vunpack.i.l.bf16.f32 v31  }
0xe8: {  	p0 =	por p1, p1;
	s16 =	simm.s32 $0x2;
	v29 =	vor.u32 s15, v29;
	v32 =	vunpack.i.u.bf16.f32 v31;
	v31 =	vmul.f32 v63, v24  }
.LBB2_14:
0xe9: {  	p1 =	sne.s32 s16, $0x7;
	v33 =	vand.u32 $0x7, v28;
	v28 =	vor.u32 v25, v20;
	v24 =	vmul.f32 v32, v24;
	s17 =	smov.u32 s16;
	s16 =	sadd.s32 $0x1, s16  }
0xea: {  	v32 =	vor.u32 v33, v21;
	v33 =	vadd.s32 s22, v8;
	[tilespmem:v30+s11+$0x0] =	vst.idx.msk $0xffff, v31  }
0xeb: {  	v30 =	vor.u32 s15, v32;
	v31 =	vand.u32 $0x7, v33;
	[tilespmem:v27+s11+$0x0] =	vst.idx.msk $0xffff, v24  }
0xec: {  	v24 =	vld.idx.msk [tilespmem:v26+s18+$0x0], $0xffff;
	v27 =	vor.u32 v31, v21;
	v31 =	vadd.s32 s22, v9  }
0xed: {  	v32 =	vld.idx.msk [tilespmem:v26+s20+$0x0], $0xffff;
	v27 =	vor.u32 s15, v27;
	v31 =	vand.u32 $0x7, v31  }
0xee: {  	v34 =	vadd.s32 s22, v10;
	v33 =	vld.idx.msk [tilespmem:v29+s18+$0x0], $0xffff;
	v31 =	vor.u32 v31, v21  }
0xef: {  	v34 =	vand.u32 $0x7, v34;
	v29 =	vld.idx.msk [tilespmem:v29+s20+$0x0], $0xffff;
	v31 =	vor.u32 s15, v31  }
0xf0: {  	v36 =	vadd.s32 s22, v11;
	v34 =	vor.u32 v34, v21;
	v35 =	vld.idx.msk [tilespmem:v30+s20+$0x0], $0xffff  }
0xf1: {  	v36 =	vand.u32 $0x7, v36;
	v34 =	vor.u32 s15, v34;
	v30 =	vld.idx.msk [tilespmem:v30+s18+$0x0], $0xffff  }
0xf2: {  	v38 =	vadd.s32 s22, v12;
	v36 =	vor.u32 v36, v21;
	v37 =	vld.idx.msk [tilespmem:v27+s20+$0x0], $0xffff  }
0xf3: {  	v24 =	vmul.bf16 v32, v24;
	v32 =	vor.u32 s15, v36;
	v36 =	vand.u32 $0x7, v38;
	v27 =	vld.idx.msk [tilespmem:v27+s18+$0x0], $0xffff  }
0xf4: {  	v36 =	vor.u32 v36, v21;
	v38 =	vld.idx.msk [tilespmem:v31+s20+$0x0], $0xffff  }
0xf5: {  	v29 =	vmul.bf16 v29, v33;
	v33 =	vor.u32 s15, v36;
	v31 =	vld.idx.msk [tilespmem:v31+s18+$0x0], $0xffff  }
0xf6: {  	v36 =	vunpack.i.u.bf16.f32 v24;
	v24 =	vunpack.i.l.bf16.f32 v24;
	v39 =	vld.idx.msk [tilespmem:v34+s20+$0x0], $0xffff  }
0xf7: {  	v40 =	vunpack.i.u.bf16.f32 v29;
	v29 =	vunpack.i.l.bf16.f32 v29;
	v30 =	vmul.bf16 v35, v30;
	v34 =	vld.idx.msk [tilespmem:v34+s18+$0x0], $0xffff  }
0xf8: {  	v24 =	vadd.f32 v29, v24;
	v29 =	vadd.f32 v40, v36;
	v35 =	vld.idx.msk [tilespmem:v32+s20+$0x0], $0xffff  }
0xf9: {  	v36 =	vunpack.i.u.bf16.f32 v30;
	v30 =	vunpack.i.l.bf16.f32 v30;
	v27 =	vmul.bf16 v37, v27;
	v32 =	vld.idx.msk [tilespmem:v32+s18+$0x0], $0xffff  }
0xfa: {  	v24 =	vadd.f32 v30, v24;
	v29 =	vadd.f32 v36, v29;
	v30 =	vld.idx.msk [tilespmem:v33+s20+$0x0], $0xffff  }
0xfb: {  	v36 =	vunpack.i.u.bf16.f32 v27;
	v27 =	vunpack.i.l.bf16.f32 v27;
	v31 =	vmul.bf16 v38, v31;
	v33 =	vld.idx.msk [tilespmem:v33+s18+$0x0], $0xffff  }
0xfc: {  	v24 =	vadd.f32 v27, v24;
	v27 =	vadd.f32 v36, v29  }
0xfd: {  	v29 =	vunpack.i.u.bf16.f32 v31;
	v31 =	vunpack.i.l.bf16.f32 v31;
	v34 =	vmul.bf16 v39, v34  }
0xfe: {  	v24 =	vadd.f32 v31, v24;
	v27 =	vadd.f32 v29, v27  }
0xff: {  	v29 =	vunpack.i.u.bf16.f32 v34;
	v31 =	vunpack.i.l.bf16.f32 v34;
	v32 =	vmul.bf16 v35, v32  }
0x100: {  	v24 =	vadd.f32 v31, v24;
	v27 =	vadd.f32 v29, v27  }
0x101: {  	v29 =	vunpack.i.u.bf16.f32 v32;
	v31 =	vunpack.i.l.bf16.f32 v32;
	v30 =	vmul.bf16 v30, v33  }
0x102: {  	v24 =	vadd.f32 v31, v24;
	v27 =	vadd.f32 v29, v27  }
0x103: {  	v29 =	vunpack.i.u.bf16.f32 v30;
	v30 =	vunpack.i.l.bf16.f32 v30  }
0x104: {  	v24 =	vadd.f32 v30, v24;
	v27 =	vadd.f32 v29, v27;
	_ =	sdelay $0x1  }
0x105: {  	v24 =	vadd.f32 v24, v27;
	_ =	sdelay $0x1  }
0x106: {  	v24 =	vmul.f32 $2.500000000e-01, v24;
	_ =	sdelay $0x1  }
0x107: {  	v24 =	vmul.f32 $1.442695020e+00, v24;
	_ =	sdelay $0x1  }
0x108: {  	v27 =	vmov s22;
	(erf) = vpow2.f32 v24  }
0x109: {  	v24 =	vand.u32 $0x7, v27  }
0x10a: {  	v24 =	vor.u32 $0x80, v24  }
0x10b: {  	v24 =	vbroadcast v24, $0x0;
	_ =	sdelay $0x1  }
0x10c: {  	v27 =	vadd.s32 v22, v24;
	_ =	sdelay $0x3  }
0x10d: {  	s1 =	sshll.u32 s15, $0x1;
	v24 =	vpop (erf)  }
0x10e: {  	[tilespmem:v27+s11+$0x0] =	vst.idx.msk $0xffff, v24;
	v27 =	vmov s1  }
0x10f: {  	v29 =	vld.idx.msk [tilespmem:v26+s21+$0x0], $0xffff;
	v26 =	vand.u32 $0x78, v27  }
0x110: {  	v26 =	vbroadcast v26, $0x0;
	_ =	sdelay $0x1  }
0x111: {  	v27 =	vadd.s32 v22, v26  }
0x112: {  	v30 =	vadd.s32 s22, v13;
	v25 =	vor.u32 v25, v27  }
0x113: {  	v30 =	vand.u32 $0x7, v30;
	v28 =	vadd.s32 v26, v28  }
0x114: {  	v32 =	vor.u32 v30, v23;
	v31 =	vunpack.i.u.bf16.f32 v29;
	v29 =	vunpack.i.l.bf16.f32 v29  }
0x115: {  	v33 =	vor.u32 v30, v27;
	v29 =	vmul.f32 v24, v29;
	v31 =	vmul.f32 v24, v31  }
0x116: {  	v30 =	vor.u32 v30, v20  }
0x117: {  	[tilespmem:v25+s11+$0x0] =	vst.idx.msk $0xffff, v29;
	v25 =	vadd.s32 v26, v30  }
0x118: {  	[tilespmem:v28+s11+$0x0] =	vst.idx.msk $0xffff, v31  }
0x119: {  	v28 =	vld.idx.msk [tilespmem:v32+s21+$0x0], $0xffff;
	_ =	sdelay $0x3  }
0x11a: {  	v29 =	vadd.s32 s22, v14  }
0x11b: {  	v29 =	vand.u32 $0x7, v29  }
0x11c: {  	v31 =	vor.u32 v29, v23;
	v30 =	vunpack.i.u.bf16.f32 v28;
	v28 =	vunpack.i.l.bf16.f32 v28  }
0x11d: {  	v28 =	vmul.f32 v28, v24;
	v30 =	vmul.f32 v30, v24;
	_ =	sdelay $0x1  }
0x11e: {  	[tilespmem:v33+s11+$0x0] =	vst.idx.msk $0xffff, v28  }
0x11f: {  	[tilespmem:v25+s11+$0x0] =	vst.idx.msk $0xffff, v30  }
0x120: {  	v25 =	vld.idx.msk [tilespmem:v31+s21+$0x0], $0xffff;
	_ =	sdelay $0x3  }
0x121: {  	v28 =	vor.u32 v29, v27;
	v29 =	vor.u32 v29, v20;
	v30 =	vadd.s32 s22, v15  }
0x122: {  	v29 =	vadd.s32 v26, v29;
	v30 =	vand.u32 $0x7, v30  }
0x123: {  	v32 =	vor.u32 v30, v23;
	v31 =	vunpack.i.u.bf16.f32 v25;
	v25 =	vunpack.i.l.bf16.f32 v25  }
0x124: {  	v25 =	vmul.f32 v25, v24;
	v31 =	vmul.f32 v31, v24;
	_ =	sdelay $0x1  }
0x125: {  	[tilespmem:v28+s11+$0x0] =	vst.idx.msk $0xffff, v25  }
0x126: {  	[tilespmem:v29+s11+$0x0] =	vst.idx.msk $0xffff, v31  }
0x127: {  	v25 =	vld.idx.msk [tilespmem:v32+s21+$0x0], $0xffff;
	_ =	sdelay $0x3  }
0x128: {  	v28 =	vor.u32 v30, v27;
	v29 =	vor.u32 v30, v20;
	v30 =	vadd.s32 s22, v16  }
0x129: {  	v29 =	vadd.s32 v26, v29;
	v30 =	vand.u32 $0x7, v30  }
0x12a: {  	v32 =	vor.u32 v30, v23;
	v31 =	vunpack.i.u.bf16.f32 v25;
	v25 =	vunpack.i.l.bf16.f32 v25  }
0x12b: {  	v25 =	vmul.f32 v25, v24;
	v31 =	vmul.f32 v31, v24;
	_ =	sdelay $0x1  }
0x12c: {  	[tilespmem:v28+s11+$0x0] =	vst.idx.msk $0xffff, v25  }
0x12d: {  	[tilespmem:v29+s11+$0x0] =	vst.idx.msk $0xffff, v31  }
0x12e: {  	v25 =	vld.idx.msk [tilespmem:v32+s21+$0x0], $0xffff;
	_ =	sdelay $0x3  }
0x12f: {  	v28 =	vor.u32 v30, v27;
	v29 =	vor.u32 v30, v20;
	v30 =	vadd.s32 s22, v17  }
0x130: {  	v29 =	vadd.s32 v26, v29;
	v30 =	vand.u32 $0x7, v30  }
0x131: {  	v32 =	vor.u32 v30, v23;
	v31 =	vunpack.i.u.bf16.f32 v25;
	v25 =	vunpack.i.l.bf16.f32 v25  }
0x132: {  	v25 =	vmul.f32 v25, v24;
	v31 =	vmul.f32 v31, v24;
	_ =	sdelay $0x1  }
0x133: {  	[tilespmem:v28+s11+$0x0] =	vst.idx.msk $0xffff, v25  }
0x134: {  	[tilespmem:v29+s11+$0x0] =	vst.idx.msk $0xffff, v31  }
0x135: {  	v25 =	vld.idx.msk [tilespmem:v32+s21+$0x0], $0xffff;
	_ =	sdelay $0x3  }
0x136: {  	v28 =	vor.u32 v30, v27;
	v29 =	vor.u32 v30, v20;
	v30 =	vadd.s32 s22, v18  }
0x137: {  	v29 =	vadd.s32 v26, v29;
	v30 =	vand.u32 $0x7, v30  }
0x138: {  	v32 =	vor.u32 v30, v23;
	v31 =	vunpack.i.u.bf16.f32 v25;
	v25 =	vunpack.i.l.bf16.f32 v25  }
0x139: {  	v25 =	vmul.f32 v25, v24;
	v31 =	vmul.f32 v31, v24;
	_ =	sdelay $0x1  }
0x13a: {  	[tilespmem:v28+s11+$0x0] =	vst.idx.msk $0xffff, v25  }
0x13b: {  	[tilespmem:v29+s11+$0x0] =	vst.idx.msk $0xffff, v31  }
0x13c: {  	v25 =	vld.idx.msk [tilespmem:v32+s21+$0x0], $0xffff;
	_ =	sdelay $0x3  }
0x13d: {  	v28 =	vor.u32 v30, v27;
	v29 =	vor.u32 v30, v20;
	v30 =	vadd.s32 s22, v19;
	s22 =	smov.u32 s17  }
0x13e: {  	v29 =	vadd.s32 v26, v29;
	v30 =	vand.u32 $0x7, v30  }
0x13f: {  	v23 =	vor.u32 v30, v23;
	v31 =	vunpack.i.u.bf16.f32 v25;
	v25 =	vunpack.i.l.bf16.f32 v25  }
0x140: {  	v25 =	vmul.f32 v25, v24;
	v31 =	vmul.f32 v31, v24;
	_ =	sdelay $0x1  }
0x141: {  	[tilespmem:v28+s11+$0x0] =	vst.idx.msk $0xffff, v25  }
0x142: {  	[tilespmem:v29+s11+$0x0] =	vst.idx.msk $0xffff, v31  }
0x143: {  	v31 =	vld.idx.msk [tilespmem:v23+s21+$0x0], $0xffff;
	_ =	sdelay $0x1  }
0x144: {  	v23 =	vor.u32 v30, v20  }
.Ltmp5:
0x145: {  	s15 =	sadd.s32 $0x8, s15;
	v30 =	vor.u32 v30, v27;
	v27 =	vadd.s32 v26, v23;
	(pc) =	sbr.rel @p1 .LBB2_14-.Ltmp5, $4  }
0x146: {  	v28 =	vadd.s32 s22, v7;
	v23 =	vadd.s32 s22, v0;
	v26 =	vadd.s32 s22, v6  }
0x147: {  	v25 =	vand.u32 $0x7, v23;
	v23 =	vor.u32 s15, v21;
	v29 =	vand.u32 $0x7, v26  }
0x148: {  	v26 =	vor.u32 v25, v23;
	v29 =	vor.u32 v29, v21;
	v33 =	vunpack.i.l.bf16.f32 v31  }
0x149: {  	v29 =	vor.u32 s15, v29;
	v32 =	vunpack.i.u.bf16.f32 v31;
	v31 =	vmul.f32 v33, v24  }
0x14a: {  	_ =	sdelay $0x2  }
0x14b: {  	v28 =	vand.u32 $0x7, v28;
	v24 =	vmul.f32 v32, v24  }
0x14c: {  	v53 =	vadd.s32 s22, v8;
	v28 =	vor.u32 v28, v21;
	[tilespmem:v30+s11+$0x0] =	vst.idx.msk $0xffff, v31  }
0x14d: {  	v54 =	vand.u32 $0x7, v53;
	v28 =	vor.u32 s15, v28;
	[tilespmem:v27+s11+$0x0] =	vst.idx.msk $0xffff, v24  }
0x14e: {  	v56 =	vadd.s32 s22, v9;
	v55 =	vor.u32 v54, v21;
	v24 =	vld.idx.msk [tilespmem:v26+s18+$0x0], $0xffff  }
0x14f: {  	v30 =	vand.u32 $0x7, v56;
	v31 =	vld.idx.msk [tilespmem:v26+s20+$0x0], $0xffff;
	v27 =	vor.u32 s15, v55  }
0x150: {  	v33 =	vadd.s32 s22, v10;
	v30 =	vor.u32 v30, v21;
	v57 =	vld.idx.msk [tilespmem:v29+s18+$0x0], $0xffff  }
0x151: {  	v33 =	vand.u32 $0x7, v33;
	v58 =	vld.idx.msk [tilespmem:v29+s20+$0x0], $0xffff;
	v30 =	vor.u32 s15, v30  }
0x152: {  	v35 =	vadd.s32 s22, v11;
	v33 =	vor.u32 v33, v21;
	v34 =	vld.idx.msk [tilespmem:v28+s20+$0x0], $0xffff  }
0x153: {  	v35 =	vand.u32 $0x7, v35;
	v33 =	vor.u32 s15, v33;
	v28 =	vld.idx.msk [tilespmem:v28+s18+$0x0], $0xffff  }
0x154: {  	v37 =	vadd.s32 s22, v12;
	v35 =	vor.u32 v35, v21;
	v36 =	vld.idx.msk [tilespmem:v27+s20+$0x0], $0xffff  }
0x155: {  	v60 =	vand.u32 $0x7, v37;
	v59 =	vor.u32 s15, v35;
	v24 =	vmul.bf16 v31, v24;
	v27 =	vld.idx.msk [tilespmem:v27+s18+$0x0], $0xffff  }
0x156: {  	v62 =	vor.u32 v60, v21;
	v61 =	vld.idx.msk [tilespmem:v30+s20+$0x0], $0xffff;
	v29 =	vmul.bf16 v58, v57  }
0x157: {  	v21 =	vor.u32 s15, v62;
	v30 =	vld.idx.msk [tilespmem:v30+s18+$0x0], $0xffff;
	v63 =	vunpack.i.u.bf16.f32 v24;
	v24 =	vunpack.i.l.bf16.f32 v24  }
0x158: {  	v40 =	vld.idx.msk [tilespmem:v33+s20+$0x0], $0xffff;
	v38 =	vunpack.i.u.bf16.f32 v29;
	v29 =	vunpack.i.l.bf16.f32 v29;
	v28 =	vmul.bf16 v34, v28  }
0x159: {  	v33 =	vld.idx.msk [tilespmem:v33+s18+$0x0], $0xffff;
	v24 =	vadd.f32 v29, v24;
	v41 =	vadd.f32 v38, v63  }
0x15a: {  	v42 =	vld.idx.msk [tilespmem:v59+s20+$0x0], $0xffff;
	v27 =	vmul.bf16 v36, v27;
	v34 =	vunpack.i.u.bf16.f32 v28;
	v28 =	vunpack.i.l.bf16.f32 v28  }
0x15b: {  	v31 =	vld.idx.msk [tilespmem:v59+s18+$0x0], $0xffff;
	v24 =	vadd.f32 v28, v24;
	v43 =	vadd.f32 v34, v41  }
0x15c: {  	v44 =	vld.idx.msk [tilespmem:v21+s20+$0x0], $0xffff;
	v30 =	vmul.bf16 v61, v30;
	v45 =	vunpack.i.u.bf16.f32 v27;
	v27 =	vunpack.i.l.bf16.f32 v27  }
0x15d: {  	v21 =	vld.idx.msk [tilespmem:v21+s18+$0x0], $0xffff;
	v24 =	vadd.f32 v27, v24;
	v46 =	vadd.f32 v45, v43  }
0x15e: {  	v33 =	vmul.bf16 v40, v33;
	v47 =	vunpack.i.u.bf16.f32 v30;
	v30 =	vunpack.i.l.bf16.f32 v30  }
0x15f: {  	v24 =	vadd.f32 v30, v24;
	v27 =	vadd.f32 v47, v46  }
0x160: {  	v31 =	vmul.bf16 v42, v31;
	v48 =	vunpack.i.u.bf16.f32 v33;
	v49 =	vunpack.i.l.bf16.f32 v33  }
0x161: {  	v24 =	vadd.f32 v49, v24;
	v27 =	vadd.f32 v48, v27  }
0x162: {  	v21 =	vmul.bf16 v44, v21;
	v50 =	vunpack.i.u.bf16.f32 v31;
	v51 =	vunpack.i.l.bf16.f32 v31  }
0x163: {  	v24 =	vadd.f32 v51, v24;
	v27 =	vadd.f32 v50, v27  }
0x164: {  	v52 =	vunpack.i.u.bf16.f32 v21;
	v21 =	vunpack.i.l.bf16.f32 v21  }
0x165: {  	v21 =	vadd.f32 v21, v24;
	v53 =	vadd.f32 v52, v27;
	_ =	sdelay $0x1  }
0x166: {  	v21 =	vadd.f32 v21, v53;
	_ =	sdelay $0x1  }
0x167: {  	v21 =	vmul.f32 $2.500000000e-01, v21;
	_ =	sdelay $0x1  }
0x168: {  	v21 =	vmul.f32 $1.442695020e+00, v21;
	_ =	sdelay $0x1  }
0x169: {  	v54 =	vmov s22;
	(erf) = vpow2.f32 v21  }
0x16a: {  	v55 =	vand.u32 $0x7, v54  }
0x16b: {  	v21 =	vor.u32 $0x80, v55  }
0x16c: {  	v21 =	vbroadcast v21, $0x0;
	_ =	sdelay $0x1  }
0x16d: {  	v21 =	vadd.s32 v22, v21;
	_ =	sdelay $0x2  }
0x16e: {  	s1 =	sshll.u32 s15, $0x1  }
0x16f: {  	v56 =	vmov s1;
	v24 =	vpop (erf)  }
0x170: {  	v57 =	vand.u32 $0x78, v56;
	[tilespmem:v21+s11+$0x0] =	vst.idx.msk $0xffff, v24  }
0x171: {  	v21 =	vbroadcast v57, $0x0;
	v58 =	vld.idx.msk [tilespmem:v26+s21+$0x0], $0xffff;
	_ =	sdelay $0x1  }
0x172: {  	v22 =	vadd.s32 v22, v21  }
0x173: {  	v59 =	vor.u32 v25, v20;
	v61 =	vadd.s32 s22, v13;
	v60 =	vor.u32 v25, v22  }
0x174: {  	v28 =	vand.u32 $0x7, v61;
	v27 =	vadd.s32 v21, v59  }
0x175: {  	v63 =	vor.u32 v28, v23;
	v62 =	vunpack.i.l.bf16.f32 v58  }
0x176: {  	v26 =	vunpack.i.u.bf16.f32 v58;
	v29 =	vmul.f32 v24, v62  }
0x177: {  	v26 =	vmul.f32 v24, v26  }
0x178: {  	[tilespmem:v60+s11+$0x0] =	vst.idx.msk $0xffff, v29  }
0x179: {  	[tilespmem:v27+s11+$0x0] =	vst.idx.msk $0xffff, v26  }
0x17a: {  	v25 =	vld.idx.msk [tilespmem:v63+s21+$0x0], $0xffff;
	_ =	sdelay $0x2  }
0x17b: {  	v35 =	vadd.s32 s22, v14;
	v34 =	vor.u32 v28, v20;
	v33 =	vor.u32 v28, v22  }
0x17c: {  	v28 =	vand.u32 $0x7, v35;
	v27 =	vadd.s32 v21, v34  }
0x17d: {  	v37 =	vor.u32 v28, v23;
	v36 =	vunpack.i.l.bf16.f32 v25  }
0x17e: {  	v25 =	vunpack.i.u.bf16.f32 v25;
	v29 =	vmul.f32 v36, v24  }
0x17f: {  	v25 =	vmul.f32 v25, v24  }
0x180: {  	[tilespmem:v33+s11+$0x0] =	vst.idx.msk $0xffff, v29  }
0x181: {  	[tilespmem:v27+s11+$0x0] =	vst.idx.msk $0xffff, v25  }
0x182: {  	v25 =	vld.idx.msk [tilespmem:v37+s21+$0x0], $0xffff;
	_ =	sdelay $0x2  }
0x183: {  	v40 =	vadd.s32 s22, v15;
	v38 =	vor.u32 v28, v22;
	v39 =	vor.u32 v28, v20  }
0x184: {  	v28 =	vand.u32 $0x7, v40;
	v27 =	vadd.s32 v21, v39  }
0x185: {  	v42 =	vor.u32 v28, v23;
	v41 =	vunpack.i.l.bf16.f32 v25  }
0x186: {  	v25 =	vunpack.i.u.bf16.f32 v25;
	v29 =	vmul.f32 v41, v24  }
0x187: {  	v25 =	vmul.f32 v25, v24  }
0x188: {  	[tilespmem:v38+s11+$0x0] =	vst.idx.msk $0xffff, v29  }
0x189: {  	[tilespmem:v27+s11+$0x0] =	vst.idx.msk $0xffff, v25  }
0x18a: {  	v25 =	vld.idx.msk [tilespmem:v42+s21+$0x0], $0xffff;
	_ =	sdelay $0x2  }
0x18b: {  	v45 =	vadd.s32 s22, v16;
	v43 =	vor.u32 v28, v22;
	v44 =	vor.u32 v28, v20  }
0x18c: {  	v28 =	vand.u32 $0x7, v45;
	v27 =	vadd.s32 v21, v44  }
0x18d: {  	v47 =	vor.u32 v28, v23;
	v46 =	vunpack.i.l.bf16.f32 v25  }
0x18e: {  	v25 =	vunpack.i.u.bf16.f32 v25;
	v29 =	vmul.f32 v46, v24  }
0x18f: {  	v25 =	vmul.f32 v25, v24  }
0x190: {  	[tilespmem:v43+s11+$0x0] =	vst.idx.msk $0xffff, v29  }
0x191: {  	[tilespmem:v27+s11+$0x0] =	vst.idx.msk $0xffff, v25  }
0x192: {  	v25 =	vld.idx.msk [tilespmem:v47+s21+$0x0], $0xffff;
	_ =	sdelay $0x2  }
0x193: {  	v50 =	vadd.s32 s22, v17;
	v48 =	vor.u32 v28, v22;
	v49 =	vor.u32 v28, v20  }
0x194: {  	v28 =	vand.u32 $0x7, v50;
	v27 =	vadd.s32 v21, v49  }
0x195: {  	v52 =	vor.u32 v28, v23;
	v51 =	vunpack.i.l.bf16.f32 v25  }
0x196: {  	v25 =	vunpack.i.u.bf16.f32 v25;
	v29 =	vmul.f32 v51, v24  }
0x197: {  	v25 =	vmul.f32 v25, v24  }
0x198: {  	[tilespmem:v48+s11+$0x0] =	vst.idx.msk $0xffff, v29  }
0x199: {  	[tilespmem:v27+s11+$0x0] =	vst.idx.msk $0xffff, v25  }
0x19a: {  	v25 =	vld.idx.msk [tilespmem:v52+s21+$0x0], $0xffff;
	_ =	sdelay $0x2  }
0x19b: {  	v55 =	vadd.s32 s22, v18;
	v53 =	vor.u32 v28, v22;
	v54 =	vor.u32 v28, v20  }
0x19c: {  	v28 =	vand.u32 $0x7, v55;
	v27 =	vadd.s32 v21, v54  }
0x19d: {  	v57 =	vor.u32 v28, v23;
	v56 =	vunpack.i.l.bf16.f32 v25  }
0x19e: {  	v25 =	vunpack.i.u.bf16.f32 v25;
	v29 =	vmul.f32 v56, v24  }
0x19f: {  	v25 =	vmul.f32 v25, v24  }
0x1a0: {  	[tilespmem:v53+s11+$0x0] =	vst.idx.msk $0xffff, v29  }
0x1a1: {  	[tilespmem:v27+s11+$0x0] =	vst.idx.msk $0xffff, v25  }
0x1a2: {  	v25 =	vld.idx.msk [tilespmem:v57+s21+$0x0], $0xffff;
	_ =	sdelay $0x2  }
0x1a3: {  	v58 =	vor.u32 v28, v22;
	v59 =	vor.u32 v28, v20;
	v60 =	vadd.s32 s22, v19  }
0x1a4: {  	v28 =	vand.u32 $0x7, v60;
	v27 =	vadd.s32 v21, v59  }
0x1a5: {  	v62 =	vor.u32 v28, v23;
	v61 =	vunpack.i.l.bf16.f32 v25  }
0x1a6: {  	v25 =	vunpack.i.u.bf16.f32 v25;
	v29 =	vmul.f32 v61, v24  }
0x1a7: {  	v25 =	vmul.f32 v25, v24  }
0x1a8: {  	[tilespmem:v58+s11+$0x0] =	vst.idx.msk $0xffff, v29  }
0x1a9: {  	[tilespmem:v27+s11+$0x0] =	vst.idx.msk $0xffff, v25  }
0x1aa: {  	v23 =	vld.idx.msk [tilespmem:v62+s21+$0x0], $0xffff;
	_ =	sdelay $0x2  }
0x1ab: {  	v20 =	vor.u32 v28, v20;
	v22 =	vor.u32 v28, v22  }
0x1ac: {  	v20 =	vadd.s32 v21, v20  }
.Ltmp6:
0x1ad: {  	v63 =	vunpack.i.l.bf16.f32 v23;
	(pc) =	sbr.rel @p0 .LBB2_13-.Ltmp6, $4  }
0x1ae: {  	v23 =	vunpack.i.u.bf16.f32 v23;
	v21 =	vmul.f32 v63, v24  }
0x1af: {  	v23 =	vmul.f32 v23, v24  }
0x1b0: {  	[tilespmem:v22+s11+$0x0] =	vst.idx.msk $0xffff, v21  }
0x1b1: {  	p1 =	por $0x0, $0x0;
	s15 =	simm.s32 $0x10;
	[tilespmem:v20+s11+$0x0] =	vst.idx.msk $0xffff, v23  }
0x1b2: {  	v20 =	vld [tilespmem:$0x2860]  }
0x1b3: {  	v21 =	vld [tilespmem:$0x2870];
	_ =	sdelay $0x3  }
0x1b4: {  	[tilespmem:$0x2880] =	vst v20  }
0x1b5: {  	s1 =	simm.s32 $0x2880;
	[tilespmem:$0x2890] =	vst v21  }
0x1b6: {  	[spmem:s3] =	stream.indirect.scatter.add.f32 [tilespmem:s11], [sflag:$0x4], $0x88, s1, s14, $0xb8;
	[tilespmem:$0x1CF00] =	vst v63  }
0x1b7: {  	v20 =	vld [tilespmem:s9+$0x40];
	_ =	sdelay $0x4  }
0x1b8: {  	v62 =	vand.u32 $0xFFFF, v20  }
0x1b9: {  	v20 =	vshrl.u32 v20, $0x10;
	[tilespmem:$0x2840] =	vst v62  }
0x1ba: {  	[tilespmem:$0x2860] =	vst v20  }
0x1bb: {  	v20 =	vld [tilespmem:s9+$0x50];
	_ =	sdelay $0x4  }
0x1bc: {  	v63 =	vand.u32 $0xFFFF, v20  }
0x1bd: {  	v20 =	vshrl.u32 v20, $0x10;
	[tilespmem:$0x2850] =	vst v63  }
0x1be: {  	s17 =	rddreg [dreg:$0x0];
	s22 =	simm.s32 $0x2860;
	[tilespmem:$0x2870] =	vst v20  }
0x1bf: {  	[tilespmem:s18], [sflag:$0x1] =	stream.indirect.gather [hbm4b:s17+s14], $0x40, s22, s14, $0xb8;
	[tilespmem:$0x1CF00] =	vst v63  }
0x1c0: {  	_ = 	snop  }
0x1c1: {  	[tilespmem:s20], [sflag:$0x2] =	stream.indirect.gather [hbm4b:s5+s14], $0x40, s19, s14, $0xb8;
	[tilespmem:$0x1CF00] =	vst v63  }
0x1c2: {  	_ = 	snop  }
0x1c3: {  	[tilespmem:s21], [sflag:$0x3] =	stream.indirect.gather [hbm4b:s6+s14], $0x40, s19, s14, $0xb8;
	[tilespmem:$0x1CF00] =	vst v63  }
0x1c4: {  	_ =	swait.ge [sflag:s4], $0x800  }
0x1c5: {  	[sflag:s4] =	ssyncset.done $0x0  }
0x1c6: {  	[sflag:s4] =	ssyncadd.s32 $0xFFFFF800  }
0x1c7: {  	_ =	swait.ge [sflag:s2], $0x800  }
0x1c8: {  	[sflag:s2] =	ssyncset.done $0x0  }
0x1c9: {  	[sflag:s2] =	ssyncadd.s32 $0xFFFFF800  }
0x1ca: {  	_ =	swait.ge [sflag:s7], $0x800  }
0x1cb: {  	[sflag:s7] =	ssyncset.done $0x0  }
0x1cc: {  	[sflag:s7] =	ssyncadd.s32 $0xFFFFF800  }
0x1cd: {  	_ =	swait.ge [sflag:s8], $0x1100  }
0x1ce: {  	p1 =	por $0x1, $0x1;
	[sflag:s8] =	ssyncset.done $0x0  }
0x1cf: {  	s15 =	simm.s32 $0x0;
	s9 =	simm.s32 $0x0;
	[sflag:s8] =	ssyncadd.s32 $0xFFFFEF00  }
.LBB2_17:
0x1d0: {  	v20 =	vor.u32 s15, v0  }
0x1d1: {  	v22 =	vadd.s32 s9, v0;
	v21 =	vshll.u32 v20, $0x6  }
0x1d2: {  	v24 =	vadd.s32 s9, v6;
	v25 =	vand.u32 $0x7, v22;
	v23 =	vor.u32 s9, v21  }
0x1d3: {  	v22 =	vand.u32 $0x7, v24;
	v26 =	vor.u32 v25, v23  }
0x1d4: {  	v24 =	vadd.s32 s9, v7;
	v22 =	vor.u32 v22, v21  }
0x1d5: {  	v24 =	vand.u32 $0x7, v24;
	v22 =	vor.u32 s9, v22  }
0x1d6: {  	v24 =	vor.u32 v24, v21  }
0x1d7: {  	v27 =	vadd.s32 s9, v8;
	v24 =	vor.u32 s9, v24  }
0x1d8: {  	v27 =	vand.u32 $0x7, v27;
	v28 =	vld.idx.msk [tilespmem:v26+s23+$0x0], $0xffff  }
0x1d9: {  	v29 =	vadd.s32 s9, v9;
	v27 =	vor.u32 v27, v21;
	v30 =	vld.idx.msk [tilespmem:v26+s26+$0x0], $0xffff  }
0x1da: {  	v29 =	vand.u32 $0x7, v29;
	v27 =	vor.u32 s9, v27;
	v31 =	vld.idx.msk [tilespmem:v22+s23+$0x0], $0xffff  }
0x1db: {  	v32 =	vadd.s32 s9, v10;
	v29 =	vor.u32 v29, v21;
	v22 =	vld.idx.msk [tilespmem:v22+s26+$0x0], $0xffff  }
0x1dc: {  	v32 =	vand.u32 $0x7, v32;
	v29 =	vor.u32 s9, v29;
	v33 =	vld.idx.msk [tilespmem:v24+s26+$0x0], $0xffff  }
0x1dd: {  	v34 =	vadd.s32 s9, v11;
	v32 =	vor.u32 v32, v21;
	v24 =	vld.idx.msk [tilespmem:v24+s23+$0x0], $0xffff  }
0x1de: {  	v34 =	vand.u32 $0x7, v34;
	v32 =	vor.u32 s9, v32  }
0x1df: {  	v36 =	vadd.s32 s9, v12;
	v34 =	vor.u32 v34, v21;
	v35 =	vld.idx.msk [tilespmem:v27+s26+$0x0], $0xffff  }
0x1e0: {  	v51 =	vand.u32 $0x7, v36;
	v27 =	vld.idx.msk [tilespmem:v27+s23+$0x0], $0xffff;
	v28 =	vmul.bf16 v30, v28;
	v30 =	vor.u32 s9, v34  }
0x1e1: {  	v52 =	vld.idx.msk [tilespmem:v29+s26+$0x0], $0xffff;
	v34 =	vor.u32 v51, v21;
	v22 =	vmul.bf16 v22, v31  }
0x1e2: {  	v29 =	vld.idx.msk [tilespmem:v29+s23+$0x0], $0xffff;
	v31 =	vor.u32 s9, v34;
	v24 =	vmul.bf16 v33, v24;
	v53 =	vunpack.i.u.bf16.f32 v28  }
0x1e3: {  	v37 =	vld.idx.msk [tilespmem:v32+s26+$0x0], $0xffff;
	v28 =	vunpack.i.l.bf16.f32 v28;
	v38 =	vunpack.i.u.bf16.f32 v22;
	v22 =	vunpack.i.l.bf16.f32 v22  }
0x1e4: {  	v32 =	vld.idx.msk [tilespmem:v32+s23+$0x0], $0xffff;
	v22 =	vadd.f32 v22, v28;
	v28 =	vadd.f32 v38, v53  }
0x1e5: {  	v27 =	vmul.bf16 v35, v27;
	v55 =	vunpack.i.u.bf16.f32 v24;
	v24 =	vunpack.i.l.bf16.f32 v24;
	v54 =	vld.idx.msk [tilespmem:v30+s26+$0x0], $0xffff  }
0x1e6: {  	v30 =	vld.idx.msk [tilespmem:v30+s23+$0x0], $0xffff;
	v22 =	vadd.f32 v24, v22;
	v24 =	vadd.f32 v55, v28  }
0x1e7: {  	v29 =	vmul.bf16 v52, v29;
	v56 =	vunpack.i.u.bf16.f32 v27;
	v27 =	vunpack.i.l.bf16.f32 v27;
	v28 =	vld.idx.msk [tilespmem:v31+s26+$0x0], $0xffff  }
0x1e8: {  	v31 =	vld.idx.msk [tilespmem:v31+s23+$0x0], $0xffff;
	v22 =	vadd.f32 v27, v22;
	v24 =	vadd.f32 v56, v24  }
0x1e9: {  	v32 =	vmul.bf16 v37, v32;
	v27 =	vunpack.i.u.bf16.f32 v29;
	v29 =	vunpack.i.l.bf16.f32 v29  }
0x1ea: {  	v22 =	vadd.f32 v29, v22;
	v24 =	vadd.f32 v27, v24  }
0x1eb: {  	v27 =	vunpack.i.u.bf16.f32 v32;
	v29 =	vunpack.i.l.bf16.f32 v32;
	v30 =	vmul.bf16 v54, v30  }
0x1ec: {  	v22 =	vadd.f32 v29, v22;
	v24 =	vadd.f32 v27, v24  }
0x1ed: {  	v28 =	vmul.bf16 v28, v31;
	v27 =	vunpack.i.u.bf16.f32 v30;
	v29 =	vunpack.i.l.bf16.f32 v30  }
0x1ee: {  	v22 =	vadd.f32 v29, v22;
	v24 =	vadd.f32 v27, v24  }
0x1ef: {  	v27 =	vunpack.i.u.bf16.f32 v28;
	v28 =	vunpack.i.l.bf16.f32 v28  }
0x1f0: {  	v22 =	vadd.f32 v28, v22;
	v24 =	vadd.f32 v27, v24;
	_ =	sdelay $0x1  }
0x1f1: {  	v22 =	vadd.f32 v22, v24;
	_ =	sdelay $0x1  }
0x1f2: {  	v22 =	vmul.f32 $2.500000000e-01, v22;
	_ =	sdelay $0x1  }
0x1f3: {  	v22 =	vmul.f32 $1.442695020e+00, v22;
	_ =	sdelay $0x1  }
0x1f4: {  	v24 =	vmov s9;
	(erf) = vpow2.f32 v22  }
0x1f5: {  	v22 =	vand.u32 $0x7, v24  }
0x1f6: {  	v24 =	vor.u32 $0x80, v22  }
0x1f7: {  	v22 =	vmul.u32 $0x88, v20;
	v20 =	vbroadcast v24, $0x0;
	_ =	sdelay $0x1  }
0x1f8: {  	v20 =	vadd.s32 v22, v20;
	_ =	sdelay $0x2  }
0x1f9: {  	s1 =	simm.s32 $0x0  }
0x1fa: {  	v27 =	vmov s1;
	v24 =	vpop (erf)  }
0x1fb: {  	[tilespmem:v20+s12+$0x0] =	vst.idx.msk $0xffff, v24;
	v20 =	vand.u32 $0x78, v27  }
0x1fc: {  	v26 =	vld.idx.msk [tilespmem:v26+s28+$0x0], $0xffff;
	v27 =	vbroadcast v20, $0x0;
	_ =	sdelay $0x1  }
0x1fd: {  	v20 =	vadd.s32 $0x8, v22;
	v28 =	vadd.s32 v22, v27  }
0x1fe: {  	v30 =	vadd.s32 s9, v13;
	v29 =	vor.u32 v25, v20;
	v25 =	vor.u32 v25, v28  }
0x1ff: {  	v30 =	vand.u32 $0x7, v30;
	v29 =	vadd.s32 v27, v29  }
0x200: {  	v57 =	vor.u32 v30, v23;
	v31 =	vunpack.i.l.bf16.f32 v26  }
0x201: {  	v26 =	vunpack.i.u.bf16.f32 v26;
	v31 =	vmul.f32 v24, v31  }
0x202: {  	v26 =	vmul.f32 v24, v26  }
0x203: {  	[tilespmem:v25+s12+$0x0] =	vst.idx.msk $0xffff, v31  }
0x204: {  	[tilespmem:v29+s12+$0x0] =	vst.idx.msk $0xffff, v26  }
0x205: {  	v25 =	vld.idx.msk [tilespmem:v57+s28+$0x0], $0xffff;
	_ =	sdelay $0x2  }
0x206: {  	v26 =	vor.u32 v30, v28;
	v29 =	vor.u32 v30, v20;
	v30 =	vadd.s32 s9, v14  }
0x207: {  	v29 =	vadd.s32 v27, v29;
	v30 =	vand.u32 $0x7, v30  }
0x208: {  	v58 =	vor.u32 v30, v23;
	v31 =	vunpack.i.l.bf16.f32 v25  }
0x209: {  	v25 =	vunpack.i.u.bf16.f32 v25;
	v31 =	vmul.f32 v31, v24  }
0x20a: {  	v25 =	vmul.f32 v25, v24  }
0x20b: {  	[tilespmem:v26+s12+$0x0] =	vst.idx.msk $0xffff, v31  }
0x20c: {  	[tilespmem:v29+s12+$0x0] =	vst.idx.msk $0xffff, v25  }
0x20d: {  	v25 =	vld.idx.msk [tilespmem:v58+s28+$0x0], $0xffff;
	_ =	sdelay $0x2  }
0x20e: {  	v26 =	vor.u32 v30, v28;
	v29 =	vor.u32 v30, v20;
	v30 =	vadd.s32 s9, v15  }
0x20f: {  	v29 =	vadd.s32 v27, v29;
	v30 =	vand.u32 $0x7, v30  }
0x210: {  	v59 =	vor.u32 v30, v23;
	v31 =	vunpack.i.l.bf16.f32 v25  }
0x211: {  	v25 =	vunpack.i.u.bf16.f32 v25;
	v31 =	vmul.f32 v31, v24  }
0x212: {  	v25 =	vmul.f32 v25, v24  }
0x213: {  	[tilespmem:v26+s12+$0x0] =	vst.idx.msk $0xffff, v31  }
0x214: {  	[tilespmem:v29+s12+$0x0] =	vst.idx.msk $0xffff, v25  }
0x215: {  	v25 =	vld.idx.msk [tilespmem:v59+s28+$0x0], $0xffff;
	_ =	sdelay $0x2  }
0x216: {  	v26 =	vor.u32 v30, v28;
	v29 =	vor.u32 v30, v20;
	v30 =	vadd.s32 s9, v16  }
0x217: {  	v29 =	vadd.s32 v27, v29;
	v30 =	vand.u32 $0x7, v30  }
0x218: {  	v60 =	vor.u32 v30, v23;
	v31 =	vunpack.i.l.bf16.f32 v25  }
0x219: {  	v25 =	vunpack.i.u.bf16.f32 v25;
	v31 =	vmul.f32 v31, v24  }
0x21a: {  	v25 =	vmul.f32 v25, v24  }
0x21b: {  	[tilespmem:v26+s12+$0x0] =	vst.idx.msk $0xffff, v31  }
0x21c: {  	[tilespmem:v29+s12+$0x0] =	vst.idx.msk $0xffff, v25  }
0x21d: {  	v25 =	vld.idx.msk [tilespmem:v60+s28+$0x0], $0xffff;
	_ =	sdelay $0x2  }
0x21e: {  	v26 =	vor.u32 v30, v28;
	v29 =	vor.u32 v30, v20;
	v30 =	vadd.s32 s9, v17  }
0x21f: {  	v29 =	vadd.s32 v27, v29;
	v30 =	vand.u32 $0x7, v30  }
0x220: {  	v61 =	vor.u32 v30, v23;
	v31 =	vunpack.i.l.bf16.f32 v25  }
0x221: {  	v25 =	vunpack.i.u.bf16.f32 v25;
	v31 =	vmul.f32 v31, v24  }
0x222: {  	v25 =	vmul.f32 v25, v24  }
0x223: {  	[tilespmem:v26+s12+$0x0] =	vst.idx.msk $0xffff, v31  }
0x224: {  	[tilespmem:v29+s12+$0x0] =	vst.idx.msk $0xffff, v25  }
0x225: {  	v25 =	vld.idx.msk [tilespmem:v61+s28+$0x0], $0xffff;
	_ =	sdelay $0x2  }
0x226: {  	v26 =	vor.u32 v30, v28;
	v29 =	vor.u32 v30, v20;
	v30 =	vadd.s32 s9, v18  }
0x227: {  	v29 =	vadd.s32 v27, v29;
	v30 =	vand.u32 $0x7, v30  }
0x228: {  	v62 =	vor.u32 v30, v23;
	v31 =	vunpack.i.l.bf16.f32 v25  }
0x229: {  	v25 =	vunpack.i.u.bf16.f32 v25;
	v31 =	vmul.f32 v31, v24  }
0x22a: {  	v25 =	vmul.f32 v25, v24  }
0x22b: {  	[tilespmem:v26+s12+$0x0] =	vst.idx.msk $0xffff, v31  }
0x22c: {  	[tilespmem:v29+s12+$0x0] =	vst.idx.msk $0xffff, v25  }
0x22d: {  	v25 =	vld.idx.msk [tilespmem:v62+s28+$0x0], $0xffff;
	_ =	sdelay $0x2  }
0x22e: {  	v26 =	vor.u32 v30, v28;
	v29 =	vor.u32 v30, v20;
	v30 =	vadd.s32 s9, v19  }
0x22f: {  	v29 =	vadd.s32 v27, v29;
	v30 =	vand.u32 $0x7, v30  }
0x230: {  	v23 =	vor.u32 v30, v23;
	v31 =	vunpack.i.l.bf16.f32 v25  }
0x231: {  	v25 =	vunpack.i.u.bf16.f32 v25;
	v31 =	vmul.f32 v31, v24  }
0x232: {  	v25 =	vmul.f32 v25, v24  }
0x233: {  	[tilespmem:v26+s12+$0x0] =	vst.idx.msk $0xffff, v31  }
0x234: {  	[tilespmem:v29+s12+$0x0] =	vst.idx.msk $0xffff, v25  }
0x235: {  	s22 =	simm.s32 $0x1;
	v31 =	vld.idx.msk [tilespmem:v23+s28+$0x0], $0xffff  }
0x236: {  	v26 =	vadd.s32 s22, v6  }
0x237: {  	v29 =	vand.u32 $0x7, v26;
	v23 =	vor.u32 v30, v20  }
0x238: {  	s15 =	simm.s32 $0x8;
	v30 =	vor.u32 v30, v28;
	v27 =	vadd.s32 v27, v23;
	v23 =	vadd.s32 s22, v0  }
0x239: {  	v28 =	vadd.s32 s22, v7;
	v25 =	vand.u32 $0x7, v23;
	v23 =	vor.u32 s15, v21  }
0x23a: {  	v29 =	vor.u32 v29, v21;
	v26 =	vor.u32 v25, v23;
	v63 =	vunpack.i.l.bf16.f32 v31  }
0x23b: {  	p0 =	por p1, p1;
	s16 =	simm.s32 $0x2;
	v29 =	vor.u32 s15, v29;
	v32 =	vunpack.i.u.bf16.f32 v31;
	v31 =	vmul.f32 v63, v24  }
.LBB2_18:
0x23c: {  	p1 =	sne.s32 s16, $0x7;
	v33 =	vand.u32 $0x7, v28;
	v28 =	vor.u32 v25, v20;
	v24 =	vmul.f32 v32, v24;
	s17 =	smov.u32 s16;
	s16 =	sadd.s32 $0x1, s16  }
0x23d: {  	v32 =	vor.u32 v33, v21;
	v33 =	vadd.s32 s22, v8;
	[tilespmem:v30+s12+$0x0] =	vst.idx.msk $0xffff, v31  }
0x23e: {  	v30 =	vor.u32 s15, v32;
	v31 =	vand.u32 $0x7, v33;
	[tilespmem:v27+s12+$0x0] =	vst.idx.msk $0xffff, v24  }
0x23f: {  	v24 =	vld.idx.msk [tilespmem:v26+s23+$0x0], $0xffff;
	v27 =	vor.u32 v31, v21;
	v31 =	vadd.s32 s22, v9  }
0x240: {  	v32 =	vld.idx.msk [tilespmem:v26+s26+$0x0], $0xffff;
	v27 =	vor.u32 s15, v27;
	v31 =	vand.u32 $0x7, v31  }
0x241: {  	v34 =	vadd.s32 s22, v10;
	v33 =	vld.idx.msk [tilespmem:v29+s23+$0x0], $0xffff;
	v31 =	vor.u32 v31, v21  }
0x242: {  	v34 =	vand.u32 $0x7, v34;
	v29 =	vld.idx.msk [tilespmem:v29+s26+$0x0], $0xffff;
	v31 =	vor.u32 s15, v31  }
0x243: {  	v36 =	vadd.s32 s22, v11;
	v34 =	vor.u32 v34, v21;
	v35 =	vld.idx.msk [tilespmem:v30+s26+$0x0], $0xffff  }
0x244: {  	v36 =	vand.u32 $0x7, v36;
	v34 =	vor.u32 s15, v34;
	v30 =	vld.idx.msk [tilespmem:v30+s23+$0x0], $0xffff  }
0x245: {  	v38 =	vadd.s32 s22, v12;
	v36 =	vor.u32 v36, v21;
	v37 =	vld.idx.msk [tilespmem:v27+s26+$0x0], $0xffff  }
0x246: {  	v24 =	vmul.bf16 v32, v24;
	v32 =	vor.u32 s15, v36;
	v36 =	vand.u32 $0x7, v38;
	v27 =	vld.idx.msk [tilespmem:v27+s23+$0x0], $0xffff  }
0x247: {  	v36 =	vor.u32 v36, v21;
	v38 =	vld.idx.msk [tilespmem:v31+s26+$0x0], $0xffff  }
0x248: {  	v29 =	vmul.bf16 v29, v33;
	v33 =	vor.u32 s15, v36;
	v31 =	vld.idx.msk [tilespmem:v31+s23+$0x0], $0xffff  }
0x249: {  	v36 =	vunpack.i.u.bf16.f32 v24;
	v24 =	vunpack.i.l.bf16.f32 v24;
	v39 =	vld.idx.msk [tilespmem:v34+s26+$0x0], $0xffff  }
0x24a: {  	v40 =	vunpack.i.u.bf16.f32 v29;
	v29 =	vunpack.i.l.bf16.f32 v29;
	v30 =	vmul.bf16 v35, v30;
	v34 =	vld.idx.msk [tilespmem:v34+s23+$0x0], $0xffff  }
0x24b: {  	v24 =	vadd.f32 v29, v24;
	v29 =	vadd.f32 v40, v36;
	v35 =	vld.idx.msk [tilespmem:v32+s26+$0x0], $0xffff  }
0x24c: {  	v36 =	vunpack.i.u.bf16.f32 v30;
	v30 =	vunpack.i.l.bf16.f32 v30;
	v27 =	vmul.bf16 v37, v27;
	v32 =	vld.idx.msk [tilespmem:v32+s23+$0x0], $0xffff  }
0x24d: {  	v24 =	vadd.f32 v30, v24;
	v29 =	vadd.f32 v36, v29;
	v30 =	vld.idx.msk [tilespmem:v33+s26+$0x0], $0xffff  }
0x24e: {  	v36 =	vunpack.i.u.bf16.f32 v27;
	v27 =	vunpack.i.l.bf16.f32 v27;
	v31 =	vmul.bf16 v38, v31;
	v33 =	vld.idx.msk [tilespmem:v33+s23+$0x0], $0xffff  }
0x24f: {  	v24 =	vadd.f32 v27, v24;
	v27 =	vadd.f32 v36, v29  }
0x250: {  	v29 =	vunpack.i.u.bf16.f32 v31;
	v31 =	vunpack.i.l.bf16.f32 v31;
	v34 =	vmul.bf16 v39, v34  }
0x251: {  	v24 =	vadd.f32 v31, v24;
	v27 =	vadd.f32 v29, v27  }
0x252: {  	v29 =	vunpack.i.u.bf16.f32 v34;
	v31 =	vunpack.i.l.bf16.f32 v34;
	v32 =	vmul.bf16 v35, v32  }
0x253: {  	v24 =	vadd.f32 v31, v24;
	v27 =	vadd.f32 v29, v27  }
0x254: {  	v29 =	vunpack.i.u.bf16.f32 v32;
	v31 =	vunpack.i.l.bf16.f32 v32;
	v30 =	vmul.bf16 v30, v33  }
0x255: {  	v24 =	vadd.f32 v31, v24;
	v27 =	vadd.f32 v29, v27  }
0x256: {  	v29 =	vunpack.i.u.bf16.f32 v30;
	v30 =	vunpack.i.l.bf16.f32 v30  }
0x257: {  	v24 =	vadd.f32 v30, v24;
	v27 =	vadd.f32 v29, v27;
	_ =	sdelay $0x1  }
0x258: {  	v24 =	vadd.f32 v24, v27;
	_ =	sdelay $0x1  }
0x259: {  	v24 =	vmul.f32 $2.500000000e-01, v24;
	_ =	sdelay $0x1  }
0x25a: {  	v24 =	vmul.f32 $1.442695020e+00, v24;
	_ =	sdelay $0x1  }
0x25b: {  	v27 =	vmov s22;
	(erf) = vpow2.f32 v24  }
0x25c: {  	v24 =	vand.u32 $0x7, v27  }
0x25d: {  	v24 =	vor.u32 $0x80, v24  }
0x25e: {  	v24 =	vbroadcast v24, $0x0;
	_ =	sdelay $0x1  }
0x25f: {  	v27 =	vadd.s32 v22, v24;
	_ =	sdelay $0x3  }
0x260: {  	s1 =	sshll.u32 s15, $0x1;
	v24 =	vpop (erf)  }
0x261: {  	[tilespmem:v27+s12+$0x0] =	vst.idx.msk $0xffff, v24;
	v27 =	vmov s1  }
0x262: {  	v29 =	vld.idx.msk [tilespmem:v26+s28+$0x0], $0xffff;
	v26 =	vand.u32 $0x78, v27  }
0x263: {  	v26 =	vbroadcast v26, $0x0;
	_ =	sdelay $0x1  }
0x264: {  	v27 =	vadd.s32 v22, v26  }
0x265: {  	v30 =	vadd.s32 s22, v13;
	v25 =	vor.u32 v25, v27  }
0x266: {  	v30 =	vand.u32 $0x7, v30;
	v28 =	vadd.s32 v26, v28  }
0x267: {  	v32 =	vor.u32 v30, v23;
	v31 =	vunpack.i.u.bf16.f32 v29;
	v29 =	vunpack.i.l.bf16.f32 v29  }
0x268: {  	v33 =	vor.u32 v30, v27;
	v29 =	vmul.f32 v24, v29;
	v31 =	vmul.f32 v24, v31  }
0x269: {  	v30 =	vor.u32 v30, v20  }
0x26a: {  	[tilespmem:v25+s12+$0x0] =	vst.idx.msk $0xffff, v29;
	v25 =	vadd.s32 v26, v30  }
0x26b: {  	[tilespmem:v28+s12+$0x0] =	vst.idx.msk $0xffff, v31  }
0x26c: {  	v28 =	vld.idx.msk [tilespmem:v32+s28+$0x0], $0xffff;
	_ =	sdelay $0x3  }
0x26d: {  	v29 =	vadd.s32 s22, v14  }
0x26e: {  	v29 =	vand.u32 $0x7, v29  }
0x26f: {  	v31 =	vor.u32 v29, v23;
	v30 =	vunpack.i.u.bf16.f32 v28;
	v28 =	vunpack.i.l.bf16.f32 v28  }
0x270: {  	v28 =	vmul.f32 v28, v24;
	v30 =	vmul.f32 v30, v24;
	_ =	sdelay $0x1  }
0x271: {  	[tilespmem:v33+s12+$0x0] =	vst.idx.msk $0xffff, v28  }
0x272: {  	[tilespmem:v25+s12+$0x0] =	vst.idx.msk $0xffff, v30  }
0x273: {  	v25 =	vld.idx.msk [tilespmem:v31+s28+$0x0], $0xffff;
	_ =	sdelay $0x3  }
0x274: {  	v28 =	vor.u32 v29, v27;
	v29 =	vor.u32 v29, v20;
	v30 =	vadd.s32 s22, v15  }
0x275: {  	v29 =	vadd.s32 v26, v29;
	v30 =	vand.u32 $0x7, v30  }
0x276: {  	v32 =	vor.u32 v30, v23;
	v31 =	vunpack.i.u.bf16.f32 v25;
	v25 =	vunpack.i.l.bf16.f32 v25  }
0x277: {  	v25 =	vmul.f32 v25, v24;
	v31 =	vmul.f32 v31, v24;
	_ =	sdelay $0x1  }
0x278: {  	[tilespmem:v28+s12+$0x0] =	vst.idx.msk $0xffff, v25  }
0x279: {  	[tilespmem:v29+s12+$0x0] =	vst.idx.msk $0xffff, v31  }
0x27a: {  	v25 =	vld.idx.msk [tilespmem:v32+s28+$0x0], $0xffff;
	_ =	sdelay $0x3  }
0x27b: {  	v28 =	vor.u32 v30, v27;
	v29 =	vor.u32 v30, v20;
	v30 =	vadd.s32 s22, v16  }
0x27c: {  	v29 =	vadd.s32 v26, v29;
	v30 =	vand.u32 $0x7, v30  }
0x27d: {  	v32 =	vor.u32 v30, v23;
	v31 =	vunpack.i.u.bf16.f32 v25;
	v25 =	vunpack.i.l.bf16.f32 v25  }
0x27e: {  	v25 =	vmul.f32 v25, v24;
	v31 =	vmul.f32 v31, v24;
	_ =	sdelay $0x1  }
0x27f: {  	[tilespmem:v28+s12+$0x0] =	vst.idx.msk $0xffff, v25  }
0x280: {  	[tilespmem:v29+s12+$0x0] =	vst.idx.msk $0xffff, v31  }
0x281: {  	v25 =	vld.idx.msk [tilespmem:v32+s28+$0x0], $0xffff;
	_ =	sdelay $0x3  }
0x282: {  	v28 =	vor.u32 v30, v27;
	v29 =	vor.u32 v30, v20;
	v30 =	vadd.s32 s22, v17  }
0x283: {  	v29 =	vadd.s32 v26, v29;
	v30 =	vand.u32 $0x7, v30  }
0x284: {  	v32 =	vor.u32 v30, v23;
	v31 =	vunpack.i.u.bf16.f32 v25;
	v25 =	vunpack.i.l.bf16.f32 v25  }
0x285: {  	v25 =	vmul.f32 v25, v24;
	v31 =	vmul.f32 v31, v24;
	_ =	sdelay $0x1  }
0x286: {  	[tilespmem:v28+s12+$0x0] =	vst.idx.msk $0xffff, v25  }
0x287: {  	[tilespmem:v29+s12+$0x0] =	vst.idx.msk $0xffff, v31  }
0x288: {  	v25 =	vld.idx.msk [tilespmem:v32+s28+$0x0], $0xffff;
	_ =	sdelay $0x3  }
0x289: {  	v28 =	vor.u32 v30, v27;
	v29 =	vor.u32 v30, v20;
	v30 =	vadd.s32 s22, v18  }
0x28a: {  	v29 =	vadd.s32 v26, v29;
	v30 =	vand.u32 $0x7, v30  }
0x28b: {  	v32 =	vor.u32 v30, v23;
	v31 =	vunpack.i.u.bf16.f32 v25;
	v25 =	vunpack.i.l.bf16.f32 v25  }
0x28c: {  	v25 =	vmul.f32 v25, v24;
	v31 =	vmul.f32 v31, v24;
	_ =	sdelay $0x1  }
0x28d: {  	[tilespmem:v28+s12+$0x0] =	vst.idx.msk $0xffff, v25  }
0x28e: {  	[tilespmem:v29+s12+$0x0] =	vst.idx.msk $0xffff, v31  }
0x28f: {  	v25 =	vld.idx.msk [tilespmem:v32+s28+$0x0], $0xffff;
	_ =	sdelay $0x3  }
0x290: {  	v28 =	vor.u32 v30, v27;
	v29 =	vor.u32 v30, v20;
	v30 =	vadd.s32 s22, v19;
	s22 =	smov.u32 s17  }
0x291: {  	v29 =	vadd.s32 v26, v29;
	v30 =	vand.u32 $0x7, v30  }
0x292: {  	v23 =	vor.u32 v30, v23;
	v31 =	vunpack.i.u.bf16.f32 v25;
	v25 =	vunpack.i.l.bf16.f32 v25  }
0x293: {  	v25 =	vmul.f32 v25, v24;
	v31 =	vmul.f32 v31, v24;
	_ =	sdelay $0x1  }
0x294: {  	[tilespmem:v28+s12+$0x0] =	vst.idx.msk $0xffff, v25  }
0x295: {  	[tilespmem:v29+s12+$0x0] =	vst.idx.msk $0xffff, v31  }
0x296: {  	v31 =	vld.idx.msk [tilespmem:v23+s28+$0x0], $0xffff;
	_ =	sdelay $0x1  }
0x297: {  	v23 =	vor.u32 v30, v20  }
.Ltmp7:
0x298: {  	s15 =	sadd.s32 $0x8, s15;
	v30 =	vor.u32 v30, v27;
	v27 =	vadd.s32 v26, v23;
	(pc) =	sbr.rel @p1 .LBB2_18-.Ltmp7, $4  }
0x299: {  	v28 =	vadd.s32 s22, v7;
	v23 =	vadd.s32 s22, v0;
	v26 =	vadd.s32 s22, v6  }
0x29a: {  	v25 =	vand.u32 $0x7, v23;
	v23 =	vor.u32 s15, v21;
	v29 =	vand.u32 $0x7, v26  }
0x29b: {  	v26 =	vor.u32 v25, v23;
	v29 =	vor.u32 v29, v21;
	v33 =	vunpack.i.l.bf16.f32 v31  }
0x29c: {  	v29 =	vor.u32 s15, v29;
	v32 =	vunpack.i.u.bf16.f32 v31;
	v31 =	vmul.f32 v33, v24  }
0x29d: {  	_ =	sdelay $0x2  }
0x29e: {  	v28 =	vand.u32 $0x7, v28;
	v24 =	vmul.f32 v32, v24  }
0x29f: {  	v53 =	vadd.s32 s22, v8;
	v28 =	vor.u32 v28, v21;
	[tilespmem:v30+s12+$0x0] =	vst.idx.msk $0xffff, v31  }
0x2a0: {  	v54 =	vand.u32 $0x7, v53;
	v28 =	vor.u32 s15, v28;
	[tilespmem:v27+s12+$0x0] =	vst.idx.msk $0xffff, v24  }
0x2a1: {  	v56 =	vadd.s32 s22, v9;
	v55 =	vor.u32 v54, v21;
	v24 =	vld.idx.msk [tilespmem:v26+s23+$0x0], $0xffff  }
0x2a2: {  	v30 =	vand.u32 $0x7, v56;
	v31 =	vld.idx.msk [tilespmem:v26+s26+$0x0], $0xffff;
	v27 =	vor.u32 s15, v55  }
0x2a3: {  	v33 =	vadd.s32 s22, v10;
	v30 =	vor.u32 v30, v21;
	v57 =	vld.idx.msk [tilespmem:v29+s23+$0x0], $0xffff  }
0x2a4: {  	v33 =	vand.u32 $0x7, v33;
	v58 =	vld.idx.msk [tilespmem:v29+s26+$0x0], $0xffff;
	v30 =	vor.u32 s15, v30  }
0x2a5: {  	v35 =	vadd.s32 s22, v11;
	v33 =	vor.u32 v33, v21;
	v34 =	vld.idx.msk [tilespmem:v28+s26+$0x0], $0xffff  }
0x2a6: {  	v35 =	vand.u32 $0x7, v35;
	v33 =	vor.u32 s15, v33;
	v28 =	vld.idx.msk [tilespmem:v28+s23+$0x0], $0xffff  }
0x2a7: {  	v37 =	vadd.s32 s22, v12;
	v35 =	vor.u32 v35, v21;
	v36 =	vld.idx.msk [tilespmem:v27+s26+$0x0], $0xffff  }
0x2a8: {  	v60 =	vand.u32 $0x7, v37;
	v59 =	vor.u32 s15, v35;
	v24 =	vmul.bf16 v31, v24;
	v27 =	vld.idx.msk [tilespmem:v27+s23+$0x0], $0xffff  }
0x2a9: {  	v62 =	vor.u32 v60, v21;
	v61 =	vld.idx.msk [tilespmem:v30+s26+$0x0], $0xffff;
	v29 =	vmul.bf16 v58, v57  }
0x2aa: {  	v21 =	vor.u32 s15, v62;
	v30 =	vld.idx.msk [tilespmem:v30+s23+$0x0], $0xffff;
	v63 =	vunpack.i.u.bf16.f32 v24;
	v24 =	vunpack.i.l.bf16.f32 v24  }
0x2ab: {  	v40 =	vld.idx.msk [tilespmem:v33+s26+$0x0], $0xffff;
	v38 =	vunpack.i.u.bf16.f32 v29;
	v29 =	vunpack.i.l.bf16.f32 v29;
	v28 =	vmul.bf16 v34, v28  }
0x2ac: {  	v33 =	vld.idx.msk [tilespmem:v33+s23+$0x0], $0xffff;
	v24 =	vadd.f32 v29, v24;
	v41 =	vadd.f32 v38, v63  }
0x2ad: {  	v42 =	vld.idx.msk [tilespmem:v59+s26+$0x0], $0xffff;
	v27 =	vmul.bf16 v36, v27;
	v34 =	vunpack.i.u.bf16.f32 v28;
	v28 =	vunpack.i.l.bf16.f32 v28  }
0x2ae: {  	v31 =	vld.idx.msk [tilespmem:v59+s23+$0x0], $0xffff;
	v24 =	vadd.f32 v28, v24;
	v43 =	vadd.f32 v34, v41  }
0x2af: {  	v44 =	vld.idx.msk [tilespmem:v21+s26+$0x0], $0xffff;
	v30 =	vmul.bf16 v61, v30;
	v45 =	vunpack.i.u.bf16.f32 v27;
	v27 =	vunpack.i.l.bf16.f32 v27  }
0x2b0: {  	v21 =	vld.idx.msk [tilespmem:v21+s23+$0x0], $0xffff;
	v24 =	vadd.f32 v27, v24;
	v46 =	vadd.f32 v45, v43  }
0x2b1: {  	v33 =	vmul.bf16 v40, v33;
	v47 =	vunpack.i.u.bf16.f32 v30;
	v30 =	vunpack.i.l.bf16.f32 v30  }
0x2b2: {  	v24 =	vadd.f32 v30, v24;
	v27 =	vadd.f32 v47, v46  }
0x2b3: {  	v31 =	vmul.bf16 v42, v31;
	v48 =	vunpack.i.u.bf16.f32 v33;
	v49 =	vunpack.i.l.bf16.f32 v33  }
0x2b4: {  	v24 =	vadd.f32 v49, v24;
	v27 =	vadd.f32 v48, v27  }
0x2b5: {  	v21 =	vmul.bf16 v44, v21;
	v50 =	vunpack.i.u.bf16.f32 v31;
	v51 =	vunpack.i.l.bf16.f32 v31  }
0x2b6: {  	v24 =	vadd.f32 v51, v24;
	v27 =	vadd.f32 v50, v27  }
0x2b7: {  	v52 =	vunpack.i.u.bf16.f32 v21;
	v21 =	vunpack.i.l.bf16.f32 v21  }
0x2b8: {  	v21 =	vadd.f32 v21, v24;
	v53 =	vadd.f32 v52, v27;
	_ =	sdelay $0x1  }
0x2b9: {  	v21 =	vadd.f32 v21, v53;
	_ =	sdelay $0x1  }
0x2ba: {  	v21 =	vmul.f32 $2.500000000e-01, v21;
	_ =	sdelay $0x1  }
0x2bb: {  	v21 =	vmul.f32 $1.442695020e+00, v21;
	_ =	sdelay $0x1  }
0x2bc: {  	v54 =	vmov s22;
	(erf) = vpow2.f32 v21  }
0x2bd: {  	v55 =	vand.u32 $0x7, v54  }
0x2be: {  	v21 =	vor.u32 $0x80, v55  }
0x2bf: {  	v21 =	vbroadcast v21, $0x0;
	_ =	sdelay $0x1  }
0x2c0: {  	v21 =	vadd.s32 v22, v21;
	_ =	sdelay $0x2  }
0x2c1: {  	s1 =	sshll.u32 s15, $0x1  }
0x2c2: {  	v56 =	vmov s1;
	v24 =	vpop (erf)  }
0x2c3: {  	v57 =	vand.u32 $0x78, v56;
	[tilespmem:v21+s12+$0x0] =	vst.idx.msk $0xffff, v24  }
0x2c4: {  	v21 =	vbroadcast v57, $0x0;
	v58 =	vld.idx.msk [tilespmem:v26+s28+$0x0], $0xffff;
	_ =	sdelay $0x1  }
0x2c5: {  	v22 =	vadd.s32 v22, v21  }
0x2c6: {  	v59 =	vor.u32 v25, v20;
	v61 =	vadd.s32 s22, v13;
	v60 =	vor.u32 v25, v22  }
0x2c7: {  	v28 =	vand.u32 $0x7, v61;
	v27 =	vadd.s32 v21, v59  }
0x2c8: {  	v63 =	vor.u32 v28, v23;
	v62 =	vunpack.i.l.bf16.f32 v58  }
0x2c9: {  	v26 =	vunpack.i.u.bf16.f32 v58;
	v29 =	vmul.f32 v24, v62  }
0x2ca: {  	v26 =	vmul.f32 v24, v26  }
0x2cb: {  	[tilespmem:v60+s12+$0x0] =	vst.idx.msk $0xffff, v29  }
0x2cc: {  	[tilespmem:v27+s12+$0x0] =	vst.idx.msk $0xffff, v26  }
0x2cd: {  	v25 =	vld.idx.msk [tilespmem:v63+s28+$0x0], $0xffff;
	_ =	sdelay $0x2  }
0x2ce: {  	v35 =	vadd.s32 s22, v14;
	v34 =	vor.u32 v28, v20;
	v33 =	vor.u32 v28, v22  }
0x2cf: {  	v28 =	vand.u32 $0x7, v35;
	v27 =	vadd.s32 v21, v34  }
0x2d0: {  	v37 =	vor.u32 v28, v23;
	v36 =	vunpack.i.l.bf16.f32 v25  }
0x2d1: {  	v25 =	vunpack.i.u.bf16.f32 v25;
	v29 =	vmul.f32 v36, v24  }
0x2d2: {  	v25 =	vmul.f32 v25, v24  }
0x2d3: {  	[tilespmem:v33+s12+$0x0] =	vst.idx.msk $0xffff, v29  }
0x2d4: {  	[tilespmem:v27+s12+$0x0] =	vst.idx.msk $0xffff, v25  }
0x2d5: {  	v25 =	vld.idx.msk [tilespmem:v37+s28+$0x0], $0xffff;
	_ =	sdelay $0x2  }
0x2d6: {  	v40 =	vadd.s32 s22, v15;
	v38 =	vor.u32 v28, v22;
	v39 =	vor.u32 v28, v20  }
0x2d7: {  	v28 =	vand.u32 $0x7, v40;
	v27 =	vadd.s32 v21, v39  }
0x2d8: {  	v42 =	vor.u32 v28, v23;
	v41 =	vunpack.i.l.bf16.f32 v25  }
0x2d9: {  	v25 =	vunpack.i.u.bf16.f32 v25;
	v29 =	vmul.f32 v41, v24  }
0x2da: {  	v25 =	vmul.f32 v25, v24  }
0x2db: {  	[tilespmem:v38+s12+$0x0] =	vst.idx.msk $0xffff, v29  }
0x2dc: {  	[tilespmem:v27+s12+$0x0] =	vst.idx.msk $0xffff, v25  }
0x2dd: {  	v25 =	vld.idx.msk [tilespmem:v42+s28+$0x0], $0xffff;
	_ =	sdelay $0x2  }
0x2de: {  	v45 =	vadd.s32 s22, v16;
	v43 =	vor.u32 v28, v22;
	v44 =	vor.u32 v28, v20  }
0x2df: {  	v28 =	vand.u32 $0x7, v45;
	v27 =	vadd.s32 v21, v44  }
0x2e0: {  	v47 =	vor.u32 v28, v23;
	v46 =	vunpack.i.l.bf16.f32 v25  }
0x2e1: {  	v25 =	vunpack.i.u.bf16.f32 v25;
	v29 =	vmul.f32 v46, v24  }
0x2e2: {  	v25 =	vmul.f32 v25, v24  }
0x2e3: {  	[tilespmem:v43+s12+$0x0] =	vst.idx.msk $0xffff, v29  }
0x2e4: {  	[tilespmem:v27+s12+$0x0] =	vst.idx.msk $0xffff, v25  }
0x2e5: {  	v25 =	vld.idx.msk [tilespmem:v47+s28+$0x0], $0xffff;
	_ =	sdelay $0x2  }
0x2e6: {  	v50 =	vadd.s32 s22, v17;
	v48 =	vor.u32 v28, v22;
	v49 =	vor.u32 v28, v20  }
0x2e7: {  	v28 =	vand.u32 $0x7, v50;
	v27 =	vadd.s32 v21, v49  }
0x2e8: {  	v52 =	vor.u32 v28, v23;
	v51 =	vunpack.i.l.bf16.f32 v25  }
0x2e9: {  	v25 =	vunpack.i.u.bf16.f32 v25;
	v29 =	vmul.f32 v51, v24  }
0x2ea: {  	v25 =	vmul.f32 v25, v24  }
0x2eb: {  	[tilespmem:v48+s12+$0x0] =	vst.idx.msk $0xffff, v29  }
0x2ec: {  	[tilespmem:v27+s12+$0x0] =	vst.idx.msk $0xffff, v25  }
0x2ed: {  	v25 =	vld.idx.msk [tilespmem:v52+s28+$0x0], $0xffff;
	_ =	sdelay $0x2  }
0x2ee: {  	v55 =	vadd.s32 s22, v18;
	v53 =	vor.u32 v28, v22;
	v54 =	vor.u32 v28, v20  }
0x2ef: {  	v28 =	vand.u32 $0x7, v55;
	v27 =	vadd.s32 v21, v54  }
0x2f0: {  	v57 =	vor.u32 v28, v23;
	v56 =	vunpack.i.l.bf16.f32 v25  }
0x2f1: {  	v25 =	vunpack.i.u.bf16.f32 v25;
	v29 =	vmul.f32 v56, v24  }
0x2f2: {  	v25 =	vmul.f32 v25, v24  }
0x2f3: {  	[tilespmem:v53+s12+$0x0] =	vst.idx.msk $0xffff, v29  }
0x2f4: {  	[tilespmem:v27+s12+$0x0] =	vst.idx.msk $0xffff, v25  }
0x2f5: {  	v25 =	vld.idx.msk [tilespmem:v57+s28+$0x0], $0xffff;
	_ =	sdelay $0x2  }
0x2f6: {  	v58 =	vor.u32 v28, v22;
	v59 =	vor.u32 v28, v20;
	v60 =	vadd.s32 s22, v19  }
0x2f7: {  	v28 =	vand.u32 $0x7, v60;
	v27 =	vadd.s32 v21, v59  }
0x2f8: {  	v62 =	vor.u32 v28, v23;
	v61 =	vunpack.i.l.bf16.f32 v25  }
0x2f9: {  	v25 =	vunpack.i.u.bf16.f32 v25;
	v29 =	vmul.f32 v61, v24  }
0x2fa: {  	v25 =	vmul.f32 v25, v24  }
0x2fb: {  	[tilespmem:v58+s12+$0x0] =	vst.idx.msk $0xffff, v29  }
0x2fc: {  	[tilespmem:v27+s12+$0x0] =	vst.idx.msk $0xffff, v25  }
0x2fd: {  	v23 =	vld.idx.msk [tilespmem:v62+s28+$0x0], $0xffff;
	_ =	sdelay $0x2  }
0x2fe: {  	v20 =	vor.u32 v28, v20;
	v22 =	vor.u32 v28, v22  }
0x2ff: {  	v20 =	vadd.s32 v21, v20  }
.Ltmp8:
0x300: {  	v63 =	vunpack.i.l.bf16.f32 v23;
	(pc) =	sbr.rel @p0 .LBB2_17-.Ltmp8, $4  }
0x301: {  	v23 =	vunpack.i.u.bf16.f32 v23;
	v21 =	vmul.f32 v63, v24  }
0x302: {  	v23 =	vmul.f32 v23, v24  }
0x303: {  	[tilespmem:v22+s12+$0x0] =	vst.idx.msk $0xffff, v21  }
0x304: {  	p1 =	por $0x0, $0x0;
	s15 =	simm.s32 $0x10;
	[tilespmem:v20+s12+$0x0] =	vst.idx.msk $0xffff, v23  }
0x305: {  	v20 =	vld [tilespmem:$0x51C0]  }
0x306: {  	v21 =	vld [tilespmem:$0x51D0];
	s25 =	sadd.s32 $0x1, s25  }
0x307: {  	p0 =	sne.s32 s25, $0xA0  }
.Ltmp9:
0x308: {  	_ = 	snop;
	(pc) =	sbr.rel @p0 .LBB2_12-.Ltmp9, $4  }
0x309: {  	_ = 	snop  }
0x30a: {  	[tilespmem:$0x51E0] =	vst v20  }
0x30b: {  	s1 =	simm.s32 $0x51E0;
	[tilespmem:$0x51F0] =	vst v21  }
0x30c: {  	[spmem:s3] =	stream.indirect.scatter.add.f32 [tilespmem:s12], [sflag:$0x8], $0x88, s1, s14, $0xb8;
	[tilespmem:$0x1CF00] =	vst v63  }
0x30d: {  	_ =	swait.ge [sflag:s29], $0x800  }
0x30e: {  	[sflag:s29] =	ssyncset.done $0x0  }
0x30f: {  	[sflag:s29] =	ssyncadd.s32 $0xFFFFF800  }
0x310: {  	_ =	swait.ge [sflag:s30], $0x800  }
0x311: {  	[sflag:s30] =	ssyncset.done $0x0  }
0x312: {  	[sflag:s30] =	ssyncadd.s32 $0xFFFFF800  }
0x313: {  	_ =	swait.ge [sflag:s31], $0x800  }
0x314: {  	[sflag:s31] =	ssyncset.done $0x0  }
0x315: {  	[sflag:s31] =	ssyncadd.s32 $0xFFFFF800  }
0x316: {  	_ =	swait.ge [sflag:s0], $0x1100  }
0x317: {  	[sflag:s0] =	ssyncset.done $0x0  }
0x318: {  	[sflag:s0] =	ssyncadd.s32 $0xFFFFEF00  }
0x319: {  	_ =	swait.ge [sflag:s8], $0x1100  }
0x31a: {  	[sflag:s8] =	ssyncset.done $0x0  }
0x31b: {  	[sflag:s8] =	ssyncadd.s32 $0xFFFFEF00  }
0x31c: {  	s1 =	stileid.u32;
	[bflag:$0x0] =	sbarrier.arrive $0xFFFF  }
0x31d: {  	s1 =	sshll.u32 s1, $0x6;
	s9 =	rddreg [dreg:$0x5]  }
0x31e: {  	s1 =	sor.u32 $0x1C09, s1;
	s15 =	rddreg [dreg:$0x7]  }
0x31f: {  	[hbm:s9], [sflag:s1] =	dma.local [spmem:s15], $0x2A80  }
0x320: {  	_ =	swait.ge [sflag:s13], $0x2A80  }
0x321: {  	s22 =	rddreg [dreg:$0x8]  }
0x322: {  	s25 =	rddreg [dreg:$0x6];
	s9 =	sadd.s32 $0x1, s22  }
0x323: {  	p0 =	sne.s32 s9, s25  }
.Ltmp10:
0x324: {  	_ = 	snop;
	(pc) =	sbr.rel @p0 .LBB2_1-.Ltmp10, $3  }
0x325: {  	_ =	sdelay $0x1  }
0x326: {  	[sflag:s13] =	ssyncset.done $0x0  }
0x327: {  	[sflag:s13] =	ssyncadd.s32 $0xFFFFD580  }
0x328: {  	_ =	sfence.sel $0x180000  }
0x329: {  	[bflag:$0x0] =	sbarrier.arrive $0xFFFF  }
0x32a: {  	_ =	strace $0x90000047  }
0x32b: {  	s0 =	stileid.u32;
	[bflag:$0x2] =	sbarrier.arrive $0xFFFF  }
0x32c: {  	p0 =	sne.s32 s0, $0x0;
	s0 =	rddreg [dreg:$0x3]  }
0x32d: {  	s0 =	sadd.s32 @!p0 $0x100000, s0  }
0x32e: {  	[sflag:s0] =	ssyncadd.tile.s32 @!p0 $0x1;
	_ =	shalt  }
.Lfunc_end2:
_tile_overlayer_lowered:
.L_overlay_start_2:
0x32f: {  	(tag) =	ssettag $0x2  }
0x330: {  	s0 =	rddreg [dreg:$0x0];
	s2 =	stileid.u32  }
0x331: {  	s1 =	rddreg [dreg:$0x1];
	p0 =	sne.s32 s2, $0x0  }
0x332: {  	s3 =	rddreg [dreg:$0x2];
	[bflag:$0x3] =	sbarrier.arrive $0xFFFF;
	s2 =	simm.s32 @!p0 $0x1C09  }
0x333: {  	[timem:s3], [sflag:s2] =	dma.local @!p0 [hbm:s0], s1  }
0x334: {  	s0 =	simm.s32 @!p0 $0x9  }
0x335: {  	_ =	swait.ge @!p0 [sflag:s0], s1  }
0x336: {  	s1 =	ssub.s32 @!p0 $0x0, s1;
	[sflag:s0] =	ssyncset.done @!p0 $0x0  }
0x337: {  	[sflag:s0] =	ssyncadd.s32 @!p0 s1  }
0x338: {  	[bflag:$0x3] =	sbarrier.arrive $0xFFFF  }
0x339: {  	_ =	shalt  }

</sc_bundles>
